<compile_context>
chip_gen: v7x
topology: tpu7x:2x2x1
jax: 0.10.2.dev20260603
libtpu: 0.0.44.dev20260713+nightly
codegen_flags: <defaults>
</compile_context>

<pallas_src>
import functools

import jax
import jax.numpy as jnp
from jax import lax
from jax.experimental import pallas as pl
from jax.experimental.pallas import tpu as pltpu
from jax.experimental.pallas import tpu_sc as plsc

N = 10000
NPAD = 10112
E = 320000
D = 128
C = 16

NC = 2
NS = 16
NW = NC * NS
EPW = E // NW
CHUNK = 128
NFULL = EPW // CHUNK
REM = EPW - NFULL * CHUNK
RPT = NPAD // NS

_mesh = plsc.VectorSubcoreMesh(core_axis_name="c", subcore_axis_name="s")



@functools.partial(
    pl.kernel,
    out_type=jax.ShapeDtypeStruct((NC, NPAD, 16), jnp.float32),
    mesh=_mesh,
    scratch_types=[
        pltpu.VMEM_SHARED((NPAD, 16), jnp.float32),
        pltpu.VMEM((CHUNK,), jnp.int32),
        pltpu.VMEM((CHUNK,), jnp.int32),
        pltpu.VMEM((CHUNK,), jnp.int32),
        pltpu.VMEM((REM,), jnp.int32),
        pltpu.VMEM((CHUNK, 16), jnp.float32),
        pltpu.VMEM((RPT, 16), jnp.float32),
        pltpu.SemaphoreType.DMA,
        pltpu.SemaphoreType.DMA,
        pltpu.SemaphoreType.DMA,
        pltpu.SemaphoreType.DMA,
    ],
)
def _deg_kernel(dst_hbm, out_hbm, deg_sh, di0, di1, di2, didx_r,
                ones_v, stage, ss0, ss1, ss2, isem):
    cid = lax.axis_index("c")
    sid = lax.axis_index("s")
    wid = sid * NC + cid
    didxs = (di0, di1, di2)
    ssems = (ss0, ss1, ss2)

    def fill(i, _):
        ones_v[i, pl.ds(0, 16)] = jnp.full((16,), 1.0, jnp.float32)
        return 0
    lax.fori_loop(0, CHUNK, fill, 0)

    def zfill(i, _):
        stage[i, pl.ds(0, 16)] = jnp.zeros((16,), jnp.float32)
        return 0
    lax.fori_loop(0, RPT, zfill, 0)

    r0 = sid * RPT
    pltpu.sync_copy(stage, deg_sh.at[pl.ds(r0, RPT)])
    plsc.subcore_barrier()

    base = wid * EPW
    for b in range(2):
        pltpu.sync_copy(dst_hbm.at[pl.ds(base + b * CHUNK, CHUNK)], didxs[b])

    def visit(c, b, first, tail):
        pltpu.async_copy(ones_v, deg_sh.at[didxs[b]], ssems[b], add=True)
        b2 = (b + 2) % 3
        if not first:
            pltpu.make_async_copy(ones_v, deg_sh.at[didxs[b2]],
                                  ssems[b2]).wait()
        if not tail:
            off = base + (c + 2) * CHUNK
            pltpu.async_copy(dst_hbm.at[pl.ds(off, CHUNK)], didxs[b2],
                             isem).wait()

    def body(g, _):
        for b3 in range(3):
            c = 3 * g + b3

            @pl.when(jnp.logical_and(c > 0, c < NFULL - 2))
            def _():
                visit(c, b3, False, False)
        return 0

    visit(0, 0, True, False)
    lax.fori_loop(0, NFULL // 3, body, 0)
    visit(NFULL - 2, (NFULL - 2) % 3, False, True)
    visit(NFULL - 1, (NFULL - 1) % 3, False, True)
    bl = (NFULL - 1) % 3
    pltpu.make_async_copy(ones_v, deg_sh.at[didxs[bl]], ssems[bl]).wait()

    pltpu.sync_copy(dst_hbm.at[pl.ds(base + NFULL * CHUNK, REM)], didx_r)
    pltpu.sync_copy(ones_v.at[pl.ds(0, REM)], deg_sh.at[didx_r], add=True)

    plsc.subcore_barrier()
    pltpu.sync_copy(deg_sh.at[pl.ds(r0, RPT)], stage)
    pltpu.sync_copy(stage, out_hbm.at[cid, pl.ds(r0, RPT)])



@functools.partial(
    pl.kernel,
    out_type=jax.ShapeDtypeStruct((NC, NPAD, D), jnp.float32),
    mesh=_mesh,
    scratch_types=[
        pltpu.VMEM_SHARED((NPAD, D), jnp.float32),
        pltpu.VMEM((CHUNK,), jnp.int32),
        pltpu.VMEM((CHUNK,), jnp.int32),
        pltpu.VMEM((CHUNK,), jnp.int32),
        pltpu.VMEM((CHUNK,), jnp.int32),
        pltpu.VMEM((CHUNK,), jnp.int32),
        pltpu.VMEM((CHUNK,), jnp.int32),
        pltpu.VMEM((CHUNK, D), jnp.float32),
        pltpu.VMEM((CHUNK, D), jnp.float32),
        pltpu.VMEM((CHUNK, D), jnp.float32),
        pltpu.VMEM((REM,), jnp.int32),
        pltpu.VMEM((REM,), jnp.int32),
        pltpu.SemaphoreType.DMA,
        pltpu.SemaphoreType.DMA,
        pltpu.SemaphoreType.DMA,
        pltpu.SemaphoreType.DMA,
        pltpu.SemaphoreType.DMA,
        pltpu.SemaphoreType.DMA,
        pltpu.SemaphoreType.DMA,
        pltpu.SemaphoreType.DMA,
    ],
)
def _agg_kernel(hs_hbm, src_hbm, dst_hbm, out_hbm, acc_sh,
                six0, six1, six2, dix0, dix1, dix2, rb0, rb1, rb2,
                sixr, dixr, gs0, gs1, gs2, ss0, ss1, ss2, is0, is1):
    cid = lax.axis_index("c")
    sid = lax.axis_index("s")
    wid = sid * NC + cid
    sixs = (six0, six1, six2)
    dixs = (dix0, dix1, dix2)
    rows = (rb0, rb1, rb2)
    gsems = (gs0, gs1, gs2)
    ssems = (ss0, ss1, ss2)

    def zfill(i, _):
        def zf2(j, _):
            rb0[i, pl.ds(j * 16, 16)] = jnp.zeros((16,), jnp.float32)
            return 0
        lax.fori_loop(0, D // 16, zf2, 0)
        return 0
    lax.fori_loop(0, CHUNK, zfill, 0)

    r0 = sid * RPT
    for k in range(4):
        pltpu.sync_copy(rb0, acc_sh.at[pl.ds(r0 + k * CHUNK, CHUNK)])
    pltpu.sync_copy(rb0.at[pl.ds(0, RPT - 4 * CHUNK)],
                    acc_sh.at[pl.ds(r0 + 4 * CHUNK, RPT - 4 * CHUNK)])
    plsc.subcore_barrier()

    base = wid * EPW

    for b in range(2):
        pltpu.sync_copy(src_hbm.at[pl.ds(base + b * CHUNK, CHUNK)], sixs[b])
        pltpu.sync_copy(dst_hbm.at[pl.ds(base + b * CHUNK, CHUNK)], dixs[b])
        pltpu.async_copy(hs_hbm.at[sixs[b]], rows[b], gsems[b])

    def visit(c, b, first, tail):
        pltpu.make_async_copy(hs_hbm.at[sixs[b]], rows[b], gsems[b]).wait()
        pltpu.async_copy(rows[b], acc_sh.at[dixs[b]], ssems[b], add=True)
        b2 = (b + 2) % 3
        d1 = None
        if not tail:
            off = base + (c + 2) * CHUNK
            d1 = pltpu.async_copy(src_hbm.at[pl.ds(off, CHUNK)], sixs[b2],
                                  is0)
        if not first:
            pltpu.make_async_copy(rows[b2], acc_sh.at[dixs[b2]],
                                  ssems[b2]).wait()
        if not tail:
            d2 = pltpu.async_copy(dst_hbm.at[pl.ds(off, CHUNK)], dixs[b2],
                                  is1)
            d1.wait()
            d2.wait()
            pltpu.async_copy(hs_hbm.at[sixs[b2]], rows[b2], gsems[b2])

    def body(g, _):
        for b3 in range(3):
            c = 3 * g + b3

            @pl.when(jnp.logical_and(c > 0, c < NFULL - 2))
            def _():
                visit(c, b3, False, False)
        return 0

    visit(0, 0, True, False)
    lax.fori_loop(0, NFULL // 3, body, 0)
    visit(NFULL - 2, (NFULL - 2) % 3, False, True)
    visit(NFULL - 1, (NFULL - 1) % 3, False, True)

    bl = (NFULL - 1) % 3
    pltpu.make_async_copy(rows[bl], acc_sh.at[dixs[bl]], ssems[bl]).wait()

    offr = base + NFULL * CHUNK
    pltpu.sync_copy(src_hbm.at[pl.ds(offr, REM)], sixr)
    pltpu.sync_copy(dst_hbm.at[pl.ds(offr, REM)], dixr)
    pltpu.async_copy(hs_hbm.at[sixr], rb0.at[pl.ds(0, REM)], gs0).wait()
    pltpu.sync_copy(rb0.at[pl.ds(0, REM)], acc_sh.at[dixr], add=True)

    plsc.subcore_barrier()
    for k in range(4):
        pltpu.sync_copy(acc_sh.at[pl.ds(r0 + k * CHUNK, CHUNK)], rb0)
        pltpu.sync_copy(rb0, out_hbm.at[cid, pl.ds(r0 + k * CHUNK, CHUNK)])
    pltpu.sync_copy(acc_sh.at[pl.ds(r0 + 4 * CHUNK, RPT - 4 * CHUNK)],
                    rb0.at[pl.ds(0, RPT - 4 * CHUNK)])
    pltpu.sync_copy(rb0.at[pl.ds(0, RPT - 4 * CHUNK)],
                    out_hbm.at[cid, pl.ds(r0 + 4 * CHUNK, RPT - 4 * CHUNK)])



BN = 1024
GRID = (N + BN - 1) // BN


def _split_body(ei_ref, src_ref, dst_ref):
    src_ref[...] = ei_ref[0]
    dst_ref[...] = ei_ref[1]


_split_call = pl.pallas_call(
    _split_body,
    out_shape=[jax.ShapeDtypeStruct((E,), jnp.int32),
               jax.ShapeDtypeStruct((E,), jnp.int32)],
)


def _tc1_body(x_ref, w1_ref, degs_ref, hs1_ref, dis_ref):
    deg = degs_ref[0, :, 0:1] + degs_ref[1, :, 0:1] + 1.0
    dis = lax.rsqrt(deg)
    dis_ref[...] = dis
    h1p = jnp.dot(x_ref[...], w1_ref[...], preferred_element_type=jnp.float32)
    hs1_ref[...] = h1p * dis


_tc1_call = pl.pallas_call(
    _tc1_body,
    grid=(GRID,),
    in_specs=[pl.BlockSpec((BN, D), lambda i: (i, 0)),
              pl.BlockSpec((D, D), lambda i: (0, 0)),
              pl.BlockSpec((NC, BN, 16), lambda i: (0, i, 0))],
    out_specs=[pl.BlockSpec((BN, D), lambda i: (i, 0)),
               pl.BlockSpec((BN, 1), lambda i: (i, 0))],
    out_shape=[jax.ShapeDtypeStruct((N, D), jnp.float32),
               jax.ShapeDtypeStruct((N, 1), jnp.float32)],
)


def _tc3_body(p_ref, hs1_ref, dis_ref, b1_ref, w2_ref, h1_ref, hs2_ref):
    dis = dis_ref[...]
    agg = p_ref[0] + p_ref[1] + hs1_ref[...]
    h1 = jnp.maximum(dis * agg + b1_ref[...], 0.0)
    h1_ref[...] = h1
    hs2_ref[...] = jnp.dot(h1, w2_ref[...],
                           preferred_element_type=jnp.float32) * dis


_tc3_call = pl.pallas_call(
    _tc3_body,
    grid=(GRID,),
    in_specs=[pl.BlockSpec((NC, BN, D), lambda i: (0, i, 0)),
              pl.BlockSpec((BN, D), lambda i: (i, 0)),
              pl.BlockSpec((BN, 1), lambda i: (i, 0)),
              pl.BlockSpec((1, D), lambda i: (0, 0)),
              pl.BlockSpec((D, D), lambda i: (0, 0))],
    out_specs=[pl.BlockSpec((BN, D), lambda i: (i, 0)),
               pl.BlockSpec((BN, D), lambda i: (i, 0))],
    out_shape=[jax.ShapeDtypeStruct((N, D), jnp.float32),
               jax.ShapeDtypeStruct((N, D), jnp.float32)],
)


def _tc4_body(q_ref, hs2_ref, h1_ref, dis_ref, b2_ref, wc_ref, bc_ref,
              cls_ref, feat_ref):
    dis = dis_ref[...]
    agg = q_ref[0] + q_ref[1] + hs2_ref[...]
    h2 = jnp.maximum(dis * agg + b2_ref[...], 0.0)
    cls = jnp.dot(h2, wc_ref[...], preferred_element_type=jnp.float32) \
        + bc_ref[...]
    cls_ref[...] = cls
    feat_ref[...] = jnp.concatenate([h1_ref[...], h2, cls], axis=1)


_tc4_call = pl.pallas_call(
    _tc4_body,
    grid=(GRID,),
    in_specs=[pl.BlockSpec((NC, BN, D), lambda i: (0, i, 0)),
              pl.BlockSpec((BN, D), lambda i: (i, 0)),
              pl.BlockSpec((BN, D), lambda i: (i, 0)),
              pl.BlockSpec((BN, 1), lambda i: (i, 0)),
              pl.BlockSpec((1, D), lambda i: (0, 0)),
              pl.BlockSpec((D, C), lambda i: (0, 0)),
              pl.BlockSpec((1, C), lambda i: (0, 0))],
    out_specs=[pl.BlockSpec((BN, C), lambda i: (i, 0)),
               pl.BlockSpec((BN, 2 * D + C), lambda i: (i, 0))],
    out_shape=[jax.ShapeDtypeStruct((N, C), jnp.float32),
               jax.ShapeDtypeStruct((N, 2 * D + C), jnp.float32)],
)



def kernel(x, edge_index, W1, b1, W2, b2, Wc, bc):
    src_e, dst_e = _split_call(edge_index)

    degs = _deg_kernel(dst_e)
    hs1, dis = _tc1_call(x, W1, degs)

    p = _agg_kernel(hs1, src_e, dst_e)
    h1, hs2 = _tc3_call(p, hs1, dis, b1.reshape(1, D), W2)

    q = _agg_kernel(hs2, src_e, dst_e)
    cls, feat_cat = _tc4_call(q, hs2, h1, dis, b2.reshape(1, D), Wc,
                              bc.reshape(1, C))

    return (cls, feat_cat)

# --- scband reference (transcript-rebuilt; emitter-appended) ---
"""Pipeline reference for scband-gradebase-26963804685186 (READ-ONLY COPY).

The authoritative reference and input builder live on the scoring server;
editing this copy changes nothing except your own understanding.
"""

import jax, jax.numpy as jnp
import numpy as np

N = 10000
E = 320000
IN_DIM = 128
HID = 128
C = 16


def _gcn_conv(x, edge_index, W, b):
    # PyG GCNConv semantics: h = x @ W; add self loops; sym-normalized scatter-add; + bias
    n = x.shape[0]
    src = jnp.concatenate([edge_index[0], jnp.arange(n, dtype=edge_index.dtype)])
    dst = jnp.concatenate([edge_index[1], jnp.arange(n, dtype=edge_index.dtype)])
    ew = jnp.ones(src.shape[0], dtype=x.dtype)
    deg = jnp.zeros((n,), dtype=x.dtype).at[dst].add(ew)
    dis = jnp.where(deg > 0, deg ** -0.5, 0.0)
    norm = dis[src] * dis[dst]
    h = x @ W
    msg = h[src] * norm[:, None]
    out = jnp.zeros((n, h.shape[1]), dtype=x.dtype).at[dst].add(msg)
    return out + b


def setup_inputs(seed: int = 0) -> dict:
    key = jax.random.key(seed)
    ks = jax.random.split(key, 8)
    x = jax.random.normal(ks[0], (N, IN_DIM), dtype=jnp.float32)
    edge_index = jax.random.randint(ks[1], (2, E), 0, N, dtype=jnp.int32)
    W1 = jax.random.normal(ks[2], (IN_DIM, HID), dtype=jnp.float32) * (1.0 / np.sqrt(IN_DIM))
    b1 = jnp.zeros((HID,), dtype=jnp.float32)
    W2 = jax.random.normal(ks[3], (HID, HID), dtype=jnp.float32) * (1.0 / np.sqrt(HID))
    b2 = jnp.zeros((HID,), dtype=jnp.float32)
    Wc = jax.random.normal(ks[4], (HID, C), dtype=jnp.float32) * (1.0 / np.sqrt(HID))
    bc = jnp.zeros((C,), dtype=jnp.float32)
    return {"x": x, "edge_index": edge_index, "W1": W1, "b1": b1, "W2": W2, "b2": b2, "Wc": Wc, "bc": bc}


def reference(x, edge_index, W1, b1, W2, b2, Wc, bc):
    # feat_bottleneck: conv -> relu -> dropout(p=0, eval) per layer, collect feats
    h1 = jax.nn.relu(_gcn_conv(x, edge_index, W1, b1))
    h2 = jax.nn.relu(_gcn_conv(h1, edge_index, W2, b2))
    # feat_classifier
    cls = h2 @ Wc + bc
    feat_cat = jnp.concatenate([h1, h2, cls], axis=1)
    return (cls, feat_cat)

if __name__ == "__main__":
    import jax
    _d = setup_inputs()
    print(jax.jit(kernel)(*tuple(_d.values())))

</pallas_src>

<mosaic_0001>
#map = affine_map<(d0, d1) -> (0)>
#map1 = affine_map<(d0, d1) -> (0, 0, 0)>
module attributes {stable_mosaic.version = 14 : i64} {
  func.func @_deg_kernel(%arg0: i32, %arg1: i32, %arg2: memref<320000xi32, #tpu.memory_space<hbm>>, %arg3: memref<2x10112x16xf32, #tpu.memory_space<hbm>>, %arg4: memref<10112x16xf32, #tpu.memory_space<vmem_shared>>, %arg5: memref<128xi32, #tpu.memory_space<vmem>>, %arg6: memref<128xi32, #tpu.memory_space<vmem>>, %arg7: memref<128xi32, #tpu.memory_space<vmem>>, %arg8: memref<16xi32, #tpu.memory_space<vmem>>, %arg9: memref<128x16xf32, #tpu.memory_space<vmem>>, %arg10: memref<632x16xf32, #tpu.memory_space<vmem>>, %arg11: memref<!tpu.dma_semaphore, #tpu.memory_space<semaphore_mem>>, %arg12: memref<!tpu.dma_semaphore, #tpu.memory_space<semaphore_mem>>, %arg13: memref<!tpu.dma_semaphore, #tpu.memory_space<semaphore_mem>>, %arg14: memref<!tpu.dma_semaphore, #tpu.memory_space<semaphore_mem>>) attributes {dimension_semantics = [#tpu.dimension_semantics<core_parallel>, #tpu.dimension_semantics<subcore_parallel>], iteration_bounds = array<i64: 2, 16>, scalar_prefetch = 0 : i64, scratch_operands = 11 : i64, tpu.core_type = #tpu.core_type<sc_vector_subcore>, window_params = [{transform_indices = #map}, {transform_indices = #map1}]} {
    %mul3A = arith.constant 2 : i32
    %mul3A_0 = arith.muli %arg1, %mul3A : i32
    %add3A = arith.addi %mul3A_0, %arg0 : i32
    %scan3A = arith.constant 0 : i32
    %scan3A_1 = arith.constant 0 : i32
    %scan3A_2 = arith.constant 128 : i32
    %scan3A_3 = arith.addi %scan3A_1, %scan3A_2 : i32
    %scan3A_4 = arith.constant 1 : i32
    %scan3A_5 = scf.for %scan3A_54 = %scan3A_1 to %scan3A_3 step %scan3A_4 iter_args(%scan3A_55 = %scan3A) -> (i32)  : i32 {
      %broadcast_in_dim3A = arith.constant 1.000000e+00 : f32
      %broadcast_in_dim3A_56 = vector.broadcast %broadcast_in_dim3A : f32 to vector<16xf32>
      %swap3A = arith.index_cast %scan3A_54 : i32 to index
      %swap3A_57 = arith.constant 0 : index
      %swap3A_58 = tpu.vector_load %arg9[%swap3A, %swap3A_57] {strides = array<i32>} : memref<128x16xf32, #tpu.memory_space<vmem>>, vector<1x16xf32>,
      %swap3A_59 = vector.shape_cast %swap3A_58 : vector<1x16xf32> to vector<16xf32>
      %swap3A_60 = vector.shape_cast %broadcast_in_dim3A_56 : vector<16xf32> to vector<1x16xf32>
      tpu.vector_store %arg9[%swap3A, %swap3A_57], %swap3A_60 {strides = array<i32>} : memref<128x16xf32, #tpu.memory_space<vmem>>, vector<1x16xf32>,
      %scan3A_61 = arith.constant 0 : i32
      scf.yield %scan3A_61 : i32
    }
    %scan3A_6 = arith.constant 128 : i32
    %scan3A_7 = arith.constant 0 : i32
    %scan3A_8 = arith.constant 0 : i32
    %scan3A_9 = arith.constant 632 : i32
    %scan3A_10 = arith.addi %scan3A_8, %scan3A_9 : i32
    %scan3A_11 = arith.constant 1 : i32
    %scan3A_12 = scf.for %scan3A_54 = %scan3A_8 to %scan3A_10 step %scan3A_11 iter_args(%scan3A_55 = %scan3A_7) -> (i32)  : i32 {
      %broadcast_in_dim3A = arith.constant 0.000000e+00 : f32
      %broadcast_in_dim3A_56 = vector.broadcast %broadcast_in_dim3A : f32 to vector<16xf32>
      %swap3A = arith.index_cast %scan3A_54 : i32 to index
      %swap3A_57 = arith.constant 0 : index
      %swap3A_58 = tpu.vector_load %arg10[%swap3A, %swap3A_57] {strides = array<i32>} : memref<632x16xf32, #tpu.memory_space<vmem>>, vector<1x16xf32>,
      %swap3A_59 = vector.shape_cast %swap3A_58 : vector<1x16xf32> to vector<16xf32>
      %swap3A_60 = vector.shape_cast %broadcast_in_dim3A_56 : vector<16xf32> to vector<1x16xf32>
      tpu.vector_store %arg10[%swap3A, %swap3A_57], %swap3A_60 {strides = array<i32>} : memref<632x16xf32, #tpu.memory_space<vmem>>, vector<1x16xf32>,
      %scan3A_61 = arith.constant 0 : i32
      scf.yield %scan3A_61 : i32
    }
    %scan3A_13 = arith.constant 632 : i32
    %mul3A_14 = arith.constant 632 : i32
    %mul3A_15 = arith.muli %arg1, %mul3A_14 : i32
    "tpu.region"() ({
      %run_scoped3A = tpu.sem_alloc : memref<!tpu.dma_semaphore, #tpu.memory_space<semaphore_mem>>
      %dma_start3A_54 = arith.constant 0 : i32
      %dma_start3A_55 = tpu.memref_slice %arg4[%mul3A_15, %dma_start3A_54] : memref<10112x16xf32, #tpu.memory_space<vmem_shared>> -> memref<632x16xf32, #tpu.memory_space<vmem_shared>>
      %dma_start3A_56 = arith.constant 0 : i32
      %dma_start3A_57 = tpu.memref_slice %arg4[%mul3A_15, %dma_start3A_56] : memref<10112x16xf32, #tpu.memory_space<vmem_shared>> -> memref<632x16xf32, #tpu.memory_space<vmem_shared>>
      tpu.enqueue_dma source(%arg10 : memref<632x16xf32, #tpu.memory_space<vmem>>) target(%dma_start3A_57 : memref<632x16xf32, #tpu.memory_space<vmem_shared>>) target_semaphore(%run_scoped3A : memref<!tpu.dma_semaphore, #tpu.memory_space<semaphore_mem>>)
      %dma_wait3A_58 = arith.constant 0 : i32
      %dma_wait3A_59 = tpu.memref_slice %arg4[%mul3A_15, %dma_wait3A_58] : memref<10112x16xf32, #tpu.memory_space<vmem_shared>> -> memref<632x16xf32, #tpu.memory_space<vmem_shared>>
      %dma_wait3A_60 = arith.constant 0 : i32
      %dma_wait3A_61 = tpu.memref_slice %arg4[%mul3A_15, %dma_wait3A_60] : memref<10112x16xf32, #tpu.memory_space<vmem_shared>> -> memref<632x16xf32, #tpu.memory_space<vmem_shared>>
      tpu.wait_dma2 semaphore(%run_scoped3A : memref<!tpu.dma_semaphore, #tpu.memory_space<semaphore_mem>>) src(%arg10 : memref<632x16xf32, #tpu.memory_space<vmem>>) dst(%dma_wait3A_61 : memref<632x16xf32, #tpu.memory_space<vmem_shared>>)
      tpu.yield
    }) : () -> ()
    %barrier3A = arith.constant 0 : index
    tpu.barrier barrier_id(%barrier3A)
    %mul3A_16 = arith.constant 10000 : i32
    %mul3A_17 = arith.muli %add3A, %mul3A_16 : i32
    %add3A_18 = arith.constant 0 : i32
    %add3A_19 = arith.addi %mul3A_17, %add3A_18 : i32
    "tpu.region"() ({
      %run_scoped3A = tpu.sem_alloc : memref<!tpu.dma_semaphore, #tpu.memory_space<semaphore_mem>>
      %dma_start3A_54 = tpu.memref_slice %arg2[%add3A_19] : memref<320000xi32, #tpu.memory_space<hbm>> -> memref<128xi32, #tpu.memory_space<hbm>>
      %dma_start3A_55 = tpu.memref_slice %arg2[%add3A_19] : memref<320000xi32, #tpu.memory_space<hbm>> -> memref<128xi32, #tpu.memory_space<hbm>>
      tpu.enqueue_dma source(%dma_start3A_55 : memref<128xi32, #tpu.memory_space<hbm>>) target(%arg5 : memref<128xi32, #tpu.memory_space<vmem>>) target_semaphore(%run_scoped3A : memref<!tpu.dma_semaphore, #tpu.memory_space<semaphore_mem>>)
      %dma_wait3A_56 = tpu.memref_slice %arg2[%add3A_19] : memref<320000xi32, #tpu.memory_space<hbm>> -> memref<128xi32, #tpu.memory_space<hbm>>
      %dma_wait3A_57 = tpu.memref_slice %arg2[%add3A_19] : memref<320000xi32, #tpu.memory_space<hbm>> -> memref<128xi32, #tpu.memory_space<hbm>>
      tpu.wait_dma2 semaphore(%run_scoped3A : memref<!tpu.dma_semaphore, #tpu.memory_space<semaphore_mem>>) src(%dma_wait3A_57 : memref<128xi32, #tpu.memory_space<hbm>>) dst(%arg5 : memref<128xi32, #tpu.memory_space<vmem>>)
      tpu.yield
    }) : () -> ()
    %add3A_20 = arith.constant 128 : i32
    %add3A_21 = arith.addi %mul3A_17, %add3A_20 : i32
    "tpu.region"() ({
      %run_scoped3A = tpu.sem_alloc : memref<!tpu.dma_semaphore, #tpu.memory_space<semaphore_mem>>
      %dma_start3A_54 = tpu.memref_slice %arg2[%add3A_21] : memref<320000xi32, #tpu.memory_space<hbm>> -> memref<128xi32, #tpu.memory_space<hbm>>
      %dma_start3A_55 = tpu.memref_slice %arg2[%add3A_21] : memref<320000xi32, #tpu.memory_space<hbm>> -> memref<128xi32, #tpu.memory_space<hbm>>
      tpu.enqueue_dma source(%dma_start3A_55 : memref<128xi32, #tpu.memory_space<hbm>>) target(%arg6 : memref<128xi32, #tpu.memory_space<vmem>>) target_semaphore(%run_scoped3A : memref<!tpu.dma_semaphore, #tpu.memory_space<semaphore_mem>>)
      %dma_wait3A_56 = tpu.memref_slice %arg2[%add3A_21] : memref<320000xi32, #tpu.memory_space<hbm>> -> memref<128xi32, #tpu.memory_space<hbm>>
      %dma_wait3A_57 = tpu.memref_slice %arg2[%add3A_21] : memref<320000xi32, #tpu.memory_space<hbm>> -> memref<128xi32, #tpu.memory_space<hbm>>
      tpu.wait_dma2 semaphore(%run_scoped3A : memref<!tpu.dma_semaphore, #tpu.memory_space<semaphore_mem>>) src(%dma_wait3A_57 : memref<128xi32, #tpu.memory_space<hbm>>) dst(%arg6 : memref<128xi32, #tpu.memory_space<vmem>>)
      tpu.yield
    }) : () -> ()
    %dma_start3A = arith.constant 0 : i32
    %dma_start3A_22 = arith.constant 0 : i32
    %dma_start3A_23 = tpu.memref_slice %arg4[%dma_start3A, %dma_start3A_22] : memref<10112x16xf32, #tpu.memory_space<vmem_shared>> -> memref<10112x16xf32, #tpu.memory_space<vmem_shared>>
    tpu.enqueue_indirect_dma source(%arg9 : memref<128x16xf32, #tpu.memory_space<vmem>>) target(%dma_start3A_23 : memref<10112x16xf32, #tpu.memory_space<vmem_shared>>) offsets(%arg5 : memref<128xi32, #tpu.memory_space<vmem>>) semaphore(%arg11 : memref<!tpu.dma_semaphore, #tpu.memory_space<semaphore_mem>>) {add = true}
    %add3A_24 = arith.constant 256 : i32
    %add3A_25 = arith.addi %mul3A_17, %add3A_24 : i32
    %dma_start3A_26 = tpu.memref_slice %arg2[%add3A_25] : memref<320000xi32, #tpu.memory_space<hbm>> -> memref<128xi32, #tpu.memory_space<hbm>>
    %dma_start3A_27 = tpu.memref_slice %arg2[%add3A_25] : memref<320000xi32, #tpu.memory_space<hbm>> -> memref<128xi32, #tpu.memory_space<hbm>>
    tpu.enqueue_dma source(%dma_start3A_27 : memref<128xi32, #tpu.memory_space<hbm>>) target(%arg7 : memref<128xi32, #tpu.memory_space<vmem>>) target_semaphore(%arg14 : memref<!tpu.dma_semaphore, #tpu.memory_space<semaphore_mem>>)
    %dma_wait3A = tpu.memref_slice %arg2[%add3A_25] : memref<320000xi32, #tpu.memory_space<hbm>> -> memref<128xi32, #tpu.memory_space<hbm>>
    %dma_wait3A_28 = tpu.memref_slice %arg2[%add3A_25] : memref<320000xi32, #tpu.memory_space<hbm>> -> memref<128xi32, #tpu.memory_space<hbm>>
    tpu.wait_dma2 semaphore(%arg14 : memref<!tpu.dma_semaphore, #tpu.memory_space<semaphore_mem>>) src(%dma_wait3A_28 : memref<128xi32, #tpu.memory_space<hbm>>) dst(%arg7 : memref<128xi32, #tpu.memory_space<vmem>>)
    %scan3A_29 = arith.constant 0 : i32
    %scan3A_30 = arith.constant 0 : i32
    %scan3A_31 = arith.constant 26 : i32
    %scan3A_32 = arith.addi %scan3A_30, %scan3A_31 : i32
    %scan3A_33 = arith.constant 1 : i32
    %scan3A_34 = scf.for %scan3A_54 = %scan3A_30 to %scan3A_32 step %scan3A_33 iter_args(%scan3A_55 = %scan3A_29) -> (i32)  : i32 {
      %mul3A_56 = arith.constant 3 : i32
      %mul3A_57 = arith.muli %mul3A_56, %scan3A_54 : i32
      %add3A_58 = arith.constant 0 : i32
      %add3A_59 = arith.addi %mul3A_57, %add3A_58 : i32
      %gt3A = arith.constant 0 : i32
      %gt3A_60 = arith.cmpi sgt, %add3A_59, %gt3A : i32
      %lt3A = arith.constant 76 : i32
      %lt3A_61 = arith.cmpi slt, %add3A_59, %lt3A : i32
      %and3A = arith.andi %gt3A_60, %lt3A_61 : i1
      %convert_element_type3A = arith.extui %and3A : i1 to i32
      %cond3A = arith.constant 0 : i32
      %cond3A_62 = arith.cmpi ne, %convert_element_type3A, %cond3A : i32
      scf.if %cond3A_62 {
        %dma_start3A_88 = arith.constant 0 : i32
        %dma_start3A_89 = arith.constant 0 : i32
        %dma_start3A_90 = tpu.memref_slice %arg4[%dma_start3A_88, %dma_start3A_89] : memref<10112x16xf32, #tpu.memory_space<vmem_shared>> -> memref<10112x16xf32, #tpu.memory_space<vmem_shared>>
        tpu.enqueue_indirect_dma source(%arg9 : memref<128x16xf32, #tpu.memory_space<vmem>>) target(%dma_start3A_90 : memref<10112x16xf32, #tpu.memory_space<vmem_shared>>) offsets(%arg5 : memref<128xi32, #tpu.memory_space<vmem>>) semaphore(%arg11 : memref<!tpu.dma_semaphore, #tpu.memory_space<semaphore_mem>>) {add = true}
        %dma_wait3A_91 = arith.constant 0 : i32
        %dma_wait3A_92 = arith.constant 0 : i32
        %dma_wait3A_93 = tpu.memref_slice %arg4[%dma_wait3A_91, %dma_wait3A_92] : memref<10112x16xf32, #tpu.memory_space<vmem_shared>> -> memref<10112x16xf32, #tpu.memory_space<vmem_shared>>
        tpu.wait_indirect_dma semaphore(%arg13 : memref<!tpu.dma_semaphore, #tpu.memory_space<semaphore_mem>>) src(%arg9 : memref<128x16xf32, #tpu.memory_space<vmem>>) dst(%dma_wait3A_93 : memref<10112x16xf32, #tpu.memory_space<vmem_shared>>)
        %add3A_94 = arith.constant 2 : i32
        %add3A_95 = arith.addi %add3A_59, %add3A_94 : i32
        %mul3A_96 = arith.constant 128 : i32
        %mul3A_97 = arith.muli %add3A_95, %mul3A_96 : i32
        %add3A_98 = arith.addi %mul3A_17, %mul3A_97 : i32
        %dma_start3A_99 = tpu.memref_slice %arg2[%add3A_98] : memref<320000xi32, #tpu.memory_space<hbm>> -> memref<128xi32, #tpu.memory_space<hbm>>
        %dma_start3A_100 = tpu.memref_slice %arg2[%add3A_98] : memref<320000xi32, #tpu.memory_space<hbm>> -> memref<128xi32, #tpu.memory_space<hbm>>
        tpu.enqueue_dma source(%dma_start3A_100 : memref<128xi32, #tpu.memory_space<hbm>>) target(%arg7 : memref<128xi32, #tpu.memory_space<vmem>>) target_semaphore(%arg14 : memref<!tpu.dma_semaphore, #tpu.memory_space<semaphore_mem>>)
        %dma_wait3A_101 = tpu.memref_slice %arg2[%add3A_98] : memref<320000xi32, #tpu.memory_space<hbm>> -> memref<128xi32, #tpu.memory_space<hbm>>
        %dma_wait3A_102 = tpu.memref_slice %arg2[%add3A_98] : memref<320000xi32, #tpu.memory_space<hbm>> -> memref<128xi32, #tpu.memory_space<hbm>>
        tpu.wait_dma2 semaphore(%arg14 : memref<!tpu.dma_semaphore, #tpu.memory_space<semaphore_mem>>) src(%dma_wait3A_102 : memref<128xi32, #tpu.memory_space<hbm>>) dst(%arg7 : memref<128xi32, #tpu.memory_space<vmem>>)
      } else {
      }
      %mul3A_63 = arith.constant 3 : i32
      %mul3A_64 = arith.muli %mul3A_63, %scan3A_54 : i32
      %add3A_65 = arith.constant 1 : i32
      %add3A_66 = arith.addi %mul3A_64, %add3A_65 : i32
      %gt3A_67 = arith.constant 0 : i32
      %gt3A_68 = arith.cmpi sgt, %add3A_66, %gt3A_67 : i32
      %lt3A_69 = arith.constant 76 : i32
      %lt3A_70 = arith.cmpi slt, %add3A_66, %lt3A_69 : i32
      %and3A_71 = arith.andi %gt3A_68, %lt3A_70 : i1
      %convert_element_type3A_72 = arith.extui %and3A_71 : i1 to i32
      %cond3A_73 = arith.constant 0 : i32
      %cond3A_74 = arith.cmpi ne, %convert_element_type3A_72, %cond3A_73 : i32
      scf.if %cond3A_74 {
        %dma_start3A_88 = arith.constant 0 : i32
        %dma_start3A_89 = arith.constant 0 : i32
        %dma_start3A_90 = tpu.memref_slice %arg4[%dma_start3A_88, %dma_start3A_89] : memref<10112x16xf32, #tpu.memory_space<vmem_shared>> -> memref<10112x16xf32, #tpu.memory_space<vmem_shared>>
        tpu.enqueue_indirect_dma source(%arg9 : memref<128x16xf32, #tpu.memory_space<vmem>>) target(%dma_start3A_90 : memref<10112x16xf32, #tpu.memory_space<vmem_shared>>) offsets(%arg6 : memref<128xi32, #tpu.memory_space<vmem>>) semaphore(%arg12 : memref<!tpu.dma_semaphore, #tpu.memory_space<semaphore_mem>>) {add = true}
        %dma_wait3A_91 = arith.constant 0 : i32
        %dma_wait3A_92 = arith.constant 0 : i32
        %dma_wait3A_93 = tpu.memref_slice %arg4[%dma_wait3A_91, %dma_wait3A_92] : memref<10112x16xf32, #tpu.memory_space<vmem_shared>> -> memref<10112x16xf32, #tpu.memory_space<vmem_shared>>
        tpu.wait_indirect_dma semaphore(%arg11 : memref<!tpu.dma_semaphore, #tpu.memory_space<semaphore_mem>>) src(%arg9 : memref<128x16xf32, #tpu.memory_space<vmem>>) dst(%dma_wait3A_93 : memref<10112x16xf32, #tpu.memory_space<vmem_shared>>)
        %add3A_94 = arith.constant 2 : i32
        %add3A_95 = arith.addi %add3A_66, %add3A_94 : i32
        %mul3A_96 = arith.constant 128 : i32
        %mul3A_97 = arith.muli %add3A_95, %mul3A_96 : i32
        %add3A_98 = arith.addi %mul3A_17, %mul3A_97 : i32
        %dma_start3A_99 = tpu.memref_slice %arg2[%add3A_98] : memref<320000xi32, #tpu.memory_space<hbm>> -> memref<128xi32, #tpu.memory_space<hbm>>
        %dma_start3A_100 = tpu.memref_slice %arg2[%add3A_98] : memref<320000xi32, #tpu.memory_space<hbm>> -> memref<128xi32, #tpu.memory_space<hbm>>
        tpu.enqueue_dma source(%dma_start3A_100 : memref<128xi32, #tpu.memory_space<hbm>>) target(%arg5 : memref<128xi32, #tpu.memory_space<vmem>>) target_semaphore(%arg14 : memref<!tpu.dma_semaphore, #tpu.memory_space<semaphore_mem>>)
        %dma_wait3A_101 = tpu.memref_slice %arg2[%add3A_98] : memref<320000xi32, #tpu.memory_space<hbm>> -> memref<128xi32, #tpu.memory_space<hbm>>
        %dma_wait3A_102 = tpu.memref_slice %arg2[%add3A_98] : memref<320000xi32, #tpu.memory_space<hbm>> -> memref<128xi32, #tpu.memory_space<hbm>>
        tpu.wait_dma2 semaphore(%arg14 : memref<!tpu.dma_semaphore, #tpu.memory_space<semaphore_mem>>) src(%dma_wait3A_102 : memref<128xi32, #tpu.memory_space<hbm>>) dst(%arg5 : memref<128xi32, #tpu.memory_space<vmem>>)
      } else {
      }
      %mul3A_75 = arith.constant 3 : i32
      %mul3A_76 = arith.muli %mul3A_75, %scan3A_54 : i32
      %add3A_77 = arith.constant 2 : i32
      %add3A_78 = arith.addi %mul3A_76, %add3A_77 : i32
      %gt3A_79 = arith.constant 0 : i32
      %gt3A_80 = arith.cmpi sgt, %add3A_78, %gt3A_79 : i32
      %lt3A_81 = arith.constant 76 : i32
      %lt3A_82 = arith.cmpi slt, %add3A_78, %lt3A_81 : i32
      %and3A_83 = arith.andi %gt3A_80, %lt3A_82 : i1
      %convert_element_type3A_84 = arith.extui %and3A_83 : i1 to i32
      %cond3A_85 = arith.constant 0 : i32
      %cond3A_86 = arith.cmpi ne, %convert_element_type3A_84, %cond3A_85 : i32
      scf.if %cond3A_86 {
        %dma_start3A_88 = arith.constant 0 : i32
        %dma_start3A_89 = arith.constant 0 : i32
        %dma_start3A_90 = tpu.memref_slice %arg4[%dma_start3A_88, %dma_start3A_89] : memref<10112x16xf32, #tpu.memory_space<vmem_shared>> -> memref<10112x16xf32, #tpu.memory_space<vmem_shared>>
        tpu.enqueue_indirect_dma source(%arg9 : memref<128x16xf32, #tpu.memory_space<vmem>>) target(%dma_start3A_90 : memref<10112x16xf32, #tpu.memory_space<vmem_shared>>) offsets(%arg7 : memref<128xi32, #tpu.memory_space<vmem>>) semaphore(%arg13 : memref<!tpu.dma_semaphore, #tpu.memory_space<semaphore_mem>>) {add = true}
        %dma_wait3A_91 = arith.constant 0 : i32
        %dma_wait3A_92 = arith.constant 0 : i32
        %dma_wait3A_93 = tpu.memref_slice %arg4[%dma_wait3A_91, %dma_wait3A_92] : memref<10112x16xf32, #tpu.memory_space<vmem_shared>> -> memref<10112x16xf32, #tpu.memory_space<vmem_shared>>
        tpu.wait_indirect_dma semaphore(%arg12 : memref<!tpu.dma_semaphore, #tpu.memory_space<semaphore_mem>>) src(%arg9 : memref<128x16xf32, #tpu.memory_space<vmem>>) dst(%dma_wait3A_93 : memref<10112x16xf32, #tpu.memory_space<vmem_shared>>)
        %add3A_94 = arith.constant 2 : i32
        %add3A_95 = arith.addi %add3A_78, %add3A_94 : i32
        %mul3A_96 = arith.constant 128 : i32
        %mul3A_97 = arith.muli %add3A_95, %mul3A_96 : i32
        %add3A_98 = arith.addi %mul3A_17, %mul3A_97 : i32
        %dma_start3A_99 = tpu.memref_slice %arg2[%add3A_98] : memref<320000xi32, #tpu.memory_space<hbm>> -> memref<128xi32, #tpu.memory_space<hbm>>
        %dma_start3A_100 = tpu.memref_slice %arg2[%add3A_98] : memref<320000xi32, #tpu.memory_space<hbm>> -> memref<128xi32, #tpu.memory_space<hbm>>
        tpu.enqueue_dma source(%dma_start3A_100 : memref<128xi32, #tpu.memory_space<hbm>>) target(%arg6 : memref<128xi32, #tpu.memory_space<vmem>>) target_semaphore(%arg14 : memref<!tpu.dma_semaphore, #tpu.memory_space<semaphore_mem>>)
        %dma_wait3A_101 = tpu.memref_slice %arg2[%add3A_98] : memref<320000xi32, #tpu.memory_space<hbm>> -> memref<128xi32, #tpu.memory_space<hbm>>
        %dma_wait3A_102 = tpu.memref_slice %arg2[%add3A_98] : memref<320000xi32, #tpu.memory_space<hbm>> -> memref<128xi32, #tpu.memory_space<hbm>>
        tpu.wait_dma2 semaphore(%arg14 : memref<!tpu.dma_semaphore, #tpu.memory_space<semaphore_mem>>) src(%dma_wait3A_102 : memref<128xi32, #tpu.memory_space<hbm>>) dst(%arg6 : memref<128xi32, #tpu.memory_space<vmem>>)
      } else {
      }
      %scan3A_87 = arith.constant 0 : i32
      scf.yield %scan3A_87 : i32
    }
    %scan3A_35 = arith.constant 26 : i32
    %dma_start3A_36 = arith.constant 0 : i32
    %dma_start3A_37 = arith.constant 0 : i32
    %dma_start3A_38 = tpu.memref_slice %arg4[%dma_start3A_36, %dma_start3A_37] : memref<10112x16xf32, #tpu.memory_space<vmem_shared>> -> memref<10112x16xf32, #tpu.memory_space<vmem_shared>>
    tpu.enqueue_indirect_dma source(%arg9 : memref<128x16xf32, #tpu.memory_space<vmem>>) target(%dma_start3A_38 : memref<10112x16xf32, #tpu.memory_space<vmem_shared>>) offsets(%arg6 : memref<128xi32, #tpu.memory_space<vmem>>) semaphore(%arg12 : memref<!tpu.dma_semaphore, #tpu.memory_space<semaphore_mem>>) {add = true}
    %dma_wait3A_39 = arith.constant 0 : i32
    %dma_wait3A_40 = arith.constant 0 : i32
    %dma_wait3A_41 = tpu.memref_slice %arg4[%dma_wait3A_39, %dma_wait3A_40] : memref<10112x16xf32, #tpu.memory_space<vmem_shared>> -> memref<10112x16xf32, #tpu.memory_space<vmem_shared>>
    tpu.wait_indirect_dma semaphore(%arg11 : memref<!tpu.dma_semaphore, #tpu.memory_space<semaphore_mem>>) src(%arg9 : memref<128x16xf32, #tpu.memory_space<vmem>>) dst(%dma_wait3A_41 : memref<10112x16xf32, #tpu.memory_space<vmem_shared>>)
    %dma_start3A_42 = arith.constant 0 : i32
    %dma_start3A_43 = arith.constant 0 : i32
    %dma_start3A_44 = tpu.memref_slice %arg4[%dma_start3A_42, %dma_start3A_43] : memref<10112x16xf32, #tpu.memory_space<vmem_shared>> -> memref<10112x16xf32, #tpu.memory_space<vmem_shared>>
    tpu.enqueue_indirect_dma source(%arg9 : memref<128x16xf32, #tpu.memory_space<vmem>>) target(%dma_start3A_44 : memref<10112x16xf32, #tpu.memory_space<vmem_shared>>) offsets(%arg7 : memref<128xi32, #tpu.memory_space<vmem>>) semaphore(%arg13 : memref<!tpu.dma_semaphore, #tpu.memory_space<semaphore_mem>>) {add = true}
    %dma_wait3A_45 = arith.constant 0 : i32
    %dma_wait3A_46 = arith.constant 0 : i32
    %dma_wait3A_47 = tpu.memref_slice %arg4[%dma_wait3A_45, %dma_wait3A_46] : memref<10112x16xf32, #tpu.memory_space<vmem_shared>> -> memref<10112x16xf32, #tpu.memory_space<vmem_shared>>
    tpu.wait_indirect_dma semaphore(%arg12 : memref<!tpu.dma_semaphore, #tpu.memory_space<semaphore_mem>>) src(%arg9 : memref<128x16xf32, #tpu.memory_space<vmem>>) dst(%dma_wait3A_47 : memref<10112x16xf32, #tpu.memory_space<vmem_shared>>)
    %dma_wait3A_48 = arith.constant 0 : i32
    %dma_wait3A_49 = arith.constant 0 : i32
    %dma_wait3A_50 = tpu.memref_slice %arg4[%dma_wait3A_48, %dma_wait3A_49] : memref<10112x16xf32, #tpu.memory_space<vmem_shared>> -> memref<10112x16xf32, #tpu.memory_space<vmem_shared>>
    tpu.wait_indirect_dma semaphore(%arg13 : memref<!tpu.dma_semaphore, #tpu.memory_space<semaphore_mem>>) src(%arg9 : memref<128x16xf32, #tpu.memory_space<vmem>>) dst(%dma_wait3A_50 : memref<10112x16xf32, #tpu.memory_space<vmem_shared>>)
    %add3A_51 = arith.constant 9984 : i32
    %add3A_52 = arith.addi %mul3A_17, %add3A_51 : i32
    "tpu.region"() ({
      %run_scoped3A = tpu.sem_alloc : memref<!tpu.dma_semaphore, #tpu.memory_space<semaphore_mem>>
      %dma_start3A_54 = tpu.memref_slice %arg2[%add3A_52] : memref<320000xi32, #tpu.memory_space<hbm>> -> memref<16xi32, #tpu.memory_space<hbm>>
      %dma_start3A_55 = tpu.memref_slice %arg2[%add3A_52] : memref<320000xi32, #tpu.memory_space<hbm>> -> memref<16xi32, #tpu.memory_space<hbm>>
      tpu.enqueue_dma source(%dma_start3A_55 : memref<16xi32, #tpu.memory_space<hbm>>) target(%arg8 : memref<16xi32, #tpu.memory_space<vmem>>) target_semaphore(%run_scoped3A : memref<!tpu.dma_semaphore, #tpu.memory_space<semaphore_mem>>)
      %dma_wait3A_56 = tpu.memref_slice %arg2[%add3A_52] : memref<320000xi32, #tpu.memory_space<hbm>> -> memref<16xi32, #tpu.memory_space<hbm>>
      %dma_wait3A_57 = tpu.memref_slice %arg2[%add3A_52] : memref<320000xi32, #tpu.memory_space<hbm>> -> memref<16xi32, #tpu.memory_space<hbm>>
      tpu.wait_dma2 semaphore(%run_scoped3A : memref<!tpu.dma_semaphore, #tpu.memory_space<semaphore_mem>>) src(%dma_wait3A_57 : memref<16xi32, #tpu.memory_space<hbm>>) dst(%arg8 : memref<16xi32, #tpu.memory_space<vmem>>)
      tpu.yield
    }) : () -> ()
    "tpu.region"() ({
      %run_scoped3A = tpu.sem_alloc : memref<!tpu.dma_semaphore, #tpu.memory_space<semaphore_mem>>
      %dma_start3A_54 = arith.constant 0 : i32
      %dma_start3A_55 = arith.constant 0 : i32
      %dma_start3A_56 = tpu.memref_slice %arg9[%dma_start3A_54, %dma_start3A_55] : memref<128x16xf32, #tpu.memory_space<vmem>> -> memref<16x16xf32, #tpu.memory_space<vmem>>
      %dma_start3A_57 = arith.constant 0 : i32
      %dma_start3A_58 = arith.constant 0 : i32
      %dma_start3A_59 = tpu.memref_slice %arg4[%dma_start3A_57, %dma_start3A_58] : memref<10112x16xf32, #tpu.memory_space<vmem_shared>> -> memref<10112x16xf32, #tpu.memory_space<vmem_shared>>
      tpu.enqueue_indirect_dma source(%dma_start3A_56 : memref<16x16xf32, #tpu.memory_space<vmem>>) target(%dma_start3A_59 : memref<10112x16xf32, #tpu.memory_space<vmem_shared>>) offsets(%arg8 : memref<16xi32, #tpu.memory_space<vmem>>) semaphore(%run_scoped3A : memref<!tpu.dma_semaphore, #tpu.memory_space<semaphore_mem>>) {add = true}
      %dma_wait3A_60 = arith.constant 0 : i32
      %dma_wait3A_61 = arith.constant 0 : i32
      %dma_wait3A_62 = tpu.memref_slice %arg9[%dma_wait3A_60, %dma_wait3A_61] : memref<128x16xf32, #tpu.memory_space<vmem>> -> memref<16x16xf32, #tpu.memory_space<vmem>>
      %dma_wait3A_63 = arith.constant 0 : i32
      %dma_wait3A_64 = arith.constant 0 : i32
      %dma_wait3A_65 = tpu.memref_slice %arg4[%dma_wait3A_63, %dma_wait3A_64] : memref<10112x16xf32, #tpu.memory_space<vmem_shared>> -> memref<10112x16xf32, #tpu.memory_space<vmem_shared>>
      tpu.wait_indirect_dma semaphore(%run_scoped3A : memref<!tpu.dma_semaphore, #tpu.memory_space<semaphore_mem>>) src(%dma_wait3A_62 : memref<16x16xf32, #tpu.memory_space<vmem>>) dst(%dma_wait3A_65 : memref<10112x16xf32, #tpu.memory_space<vmem_shared>>)
      tpu.yield
    }) : () -> ()
    %barrier3A_53 = arith.constant 0 : index
    tpu.barrier barrier_id(%barrier3A_53)
    "tpu.region"() ({
      %run_scoped3A = tpu.sem_alloc : memref<!tpu.dma_semaphore, #tpu.memory_space<semaphore_mem>>
      %dma_start3A_54 = arith.constant 0 : i32
      %dma_start3A_55 = tpu.memref_slice %arg4[%mul3A_15, %dma_start3A_54] : memref<10112x16xf32, #tpu.memory_space<vmem_shared>> -> memref<632x16xf32, #tpu.memory_space<vmem_shared>>
      %dma_start3A_56 = arith.constant 0 : i32
      %dma_start3A_57 = tpu.memref_slice %arg4[%mul3A_15, %dma_start3A_56] : memref<10112x16xf32, #tpu.memory_space<vmem_shared>> -> memref<632x16xf32, #tpu.memory_space<vmem_shared>>
      tpu.enqueue_dma source(%dma_start3A_57 : memref<632x16xf32, #tpu.memory_space<vmem_shared>>) target(%arg10 : memref<632x16xf32, #tpu.memory_space<vmem>>) target_semaphore(%run_scoped3A : memref<!tpu.dma_semaphore, #tpu.memory_space<semaphore_mem>>)
      %dma_wait3A_58 = arith.constant 0 : i32
      %dma_wait3A_59 = tpu.memref_slice %arg4[%mul3A_15, %dma_wait3A_58] : memref<10112x16xf32, #tpu.memory_space<vmem_shared>> -> memref<632x16xf32, #tpu.memory_space<vmem_shared>>
      %dma_wait3A_60 = arith.constant 0 : i32
      %dma_wait3A_61 = tpu.memref_slice %arg4[%mul3A_15, %dma_wait3A_60] : memref<10112x16xf32, #tpu.memory_space<vmem_shared>> -> memref<632x16xf32, #tpu.memory_space<vmem_shared>>
      tpu.wait_dma2 semaphore(%run_scoped3A : memref<!tpu.dma_semaphore, #tpu.memory_space<semaphore_mem>>) src(%dma_wait3A_61 : memref<632x16xf32, #tpu.memory_space<vmem_shared>>) dst(%arg10 : memref<632x16xf32, #tpu.memory_space<vmem>>)
      tpu.yield
    }) : () -> ()
    "tpu.region"() ({
      %run_scoped3A = tpu.sem_alloc : memref<!tpu.dma_semaphore, #tpu.memory_space<semaphore_mem>>
      %dma_start3A_54 = arith.constant 0 : i32
      %dma_start3A_55 = tpu.memref_slice %arg3[%arg0, %mul3A_15, %dma_start3A_54] : memref<2x10112x16xf32, #tpu.memory_space<hbm>> -> memref<1x632x16xf32, #tpu.memory_space<hbm>>
      %dma_start3A_56 = tpu.memref_squeeze %dma_start3A_55 : memref<1x632x16xf32, #tpu.memory_space<hbm>> -> memref<632x16xf32, #tpu.memory_space<hbm>>
      %dma_start3A_57 = arith.constant 0 : i32
      %dma_start3A_58 = tpu.memref_slice %arg3[%arg0, %mul3A_15, %dma_start3A_57] : memref<2x10112x16xf32, #tpu.memory_space<hbm>> -> memref<1x632x16xf32, #tpu.memory_space<hbm>>
      %dma_start3A_59 = tpu.memref_squeeze %dma_start3A_58 : memref<1x632x16xf32, #tpu.memory_space<hbm>> -> memref<632x16xf32, #tpu.memory_space<hbm>>
      tpu.enqueue_dma source(%arg10 : memref<632x16xf32, #tpu.memory_space<vmem>>) target(%dma_start3A_59 : memref<632x16xf32, #tpu.memory_space<hbm>>) target_semaphore(%run_scoped3A : memref<!tpu.dma_semaphore, #tpu.memory_space<semaphore_mem>>)
      %dma_wait3A_60 = arith.constant 0 : i32
      %dma_wait3A_61 = tpu.memref_slice %arg3[%arg0, %mul3A_15, %dma_wait3A_60] : memref<2x10112x16xf32, #tpu.memory_space<hbm>> -> memref<1x632x16xf32, #tpu.memory_space<hbm>>
      %dma_wait3A_62 = tpu.memref_squeeze %dma_wait3A_61 : memref<1x632x16xf32, #tpu.memory_space<hbm>> -> memref<632x16xf32, #tpu.memory_space<hbm>>
      %dma_wait3A_63 = arith.constant 0 : i32
      %dma_wait3A_64 = tpu.memref_slice %arg3[%arg0, %mul3A_15, %dma_wait3A_63] : memref<2x10112x16xf32, #tpu.memory_space<hbm>> -> memref<1x632x16xf32, #tpu.memory_space<hbm>>
      %dma_wait3A_65 = tpu.memref_squeeze %dma_wait3A_64 : memref<1x632x16xf32, #tpu.memory_space<hbm>> -> memref<632x16xf32, #tpu.memory_space<hbm>>
      tpu.wait_dma2 semaphore(%run_scoped3A : memref<!tpu.dma_semaphore, #tpu.memory_space<semaphore_mem>>) src(%arg10 : memref<632x16xf32, #tpu.memory_space<vmem>>) dst(%dma_wait3A_65 : memref<632x16xf32, #tpu.memory_space<hbm>>)
      tpu.yield
    }) : () -> ()
    return
  }
}

#map = affine_map<(d0, d1) -> (0, 0)>
#map1 = affine_map<(d0, d1) -> (0)>
#map2 = affine_map<(d0, d1) -> (0, 0, 0)>
module attributes {stable_mosaic.version = 14 : i64} {
  func.func @_agg_kernel(%arg0: i32, %arg1: i32, %arg2: memref<10000x128xf32, #tpu.memory_space<hbm>>, %arg3: memref<320000xi32, #tpu.memory_space<hbm>>, %arg4: memref<320000xi32, #tpu.memory_space<hbm>>, %arg5: memref<2x10112x128xf32, #tpu.memory_space<hbm>>, %arg6: memref<10112x128xf32, #tpu.memory_space<vmem_shared>>, %arg7: memref<128xi32, #tpu.memory_space<vmem>>, %arg8: memref<128xi32, #tpu.memory_space<vmem>>, %arg9: memref<128xi32, #tpu.memory_space<vmem>>, %arg10: memref<128xi32, #tpu.memory_space<vmem>>, %arg11: memref<128xi32, #tpu.memory_space<vmem>>, %arg12: memref<128xi32, #tpu.memory_space<vmem>>, %arg13: memref<128x128xf32, #tpu.memory_space<vmem>>, %arg14: memref<128x128xf32, #tpu.memory_space<vmem>>, %arg15: memref<128x128xf32, #tpu.memory_space<vmem>>, %arg16: memref<16xi32, #tpu.memory_space<vmem>>, %arg17: memref<16xi32, #tpu.memory_space<vmem>>, %arg18: memref<!tpu.dma_semaphore, #tpu.memory_space<semaphore_mem>>, %arg19: memref<!tpu.dma_semaphore, #tpu.memory_space<semaphore_mem>>, %arg20: memref<!tpu.dma_semaphore, #tpu.memory_space<semaphore_mem>>, %arg21: memref<!tpu.dma_semaphore, #tpu.memory_space<semaphore_mem>>, %arg22: memref<!tpu.dma_semaphore, #tpu.memory_space<semaphore_mem>>, %arg23: memref<!tpu.dma_semaphore, #tpu.memory_space<semaphore_mem>>, %arg24: memref<!tpu.dma_semaphore, #tpu.memory_space<semaphore_mem>>, %arg25: memref<!tpu.dma_semaphore, #tpu.memory_space<semaphore_mem>>) attributes {dimension_semantics = [#tpu.dimension_semantics<core_parallel>, #tpu.dimension_semantics<subcore_parallel>], iteration_bounds = array<i64: 2, 16>, scalar_prefetch = 0 : i64, scratch_operands = 20 : i64, tpu.core_type = #tpu.core_type<sc_vector_subcore>, window_params = [{transform_indices = #map}, {transform_indices = #map1}, {transform_indices = #map1}, {transform_indices = #map2}]} {
    %mul3A = arith.constant 2 : i32
    %mul3A_0 = arith.muli %arg1, %mul3A : i32
    %add3A = arith.addi %mul3A_0, %arg0 : i32
    %scan3A = arith.constant 0 : i32
    %scan3A_1 = arith.constant 0 : i32
    %scan3A_2 = arith.constant 128 : i32
    %scan3A_3 = arith.addi %scan3A_1, %scan3A_2 : i32
    %scan3A_4 = arith.constant 1 : i32
    %scan3A_5 = scf.for %scan3A_115 = %scan3A_1 to %scan3A_3 step %scan3A_4 iter_args(%scan3A_116 = %scan3A) -> (i32)  : i32 {
      %scan3A_117 = arith.constant 0 : i32
      %scan3A_118 = arith.constant 0 : i32
      %scan3A_119 = arith.constant 8 : i32
      %scan3A_120 = arith.addi %scan3A_118, %scan3A_119 : i32
      %scan3A_121 = arith.constant 1 : i32
      %scan3A_122 = scf.for %scan3A_125 = %scan3A_118 to %scan3A_120 step %scan3A_121 iter_args(%scan3A_126 = %scan3A_117) -> (i32)  : i32 {
        %broadcast_in_dim3A = arith.constant 0.000000e+00 : f32
        %broadcast_in_dim3A_127 = vector.broadcast %broadcast_in_dim3A : f32 to vector<16xf32>
        %mul3A_128 = arith.constant 16 : i32
        %mul3A_129 = arith.muli %scan3A_125, %mul3A_128 : i32
        %swap3A = arith.index_cast %scan3A_115 : i32 to index
        %swap3A_130 = arith.index_cast %mul3A_129 : i32 to index
        %swap3A_131 = tpu.vector_load %arg13[%swap3A, %swap3A_130] {strides = array<i32>} : memref<128x128xf32, #tpu.memory_space<vmem>>, vector<1x16xf32>,
        %swap3A_132 = vector.shape_cast %swap3A_131 : vector<1x16xf32> to vector<16xf32>
        %swap3A_133 = vector.shape_cast %broadcast_in_dim3A_127 : vector<16xf32> to vector<1x16xf32>
        tpu.vector_store %arg13[%swap3A, %swap3A_130], %swap3A_133 {strides = array<i32>} : memref<128x128xf32, #tpu.memory_space<vmem>>, vector<1x16xf32>,
        %scan3A_134 = arith.constant 0 : i32
        scf.yield %scan3A_134 : i32
      }
      %scan3A_123 = arith.constant 8 : i32
      %scan3A_124 = arith.constant 0 : i32
      scf.yield %scan3A_124 : i32
    }
    %scan3A_6 = arith.constant 128 : i32
    %mul3A_7 = arith.constant 632 : i32
    %mul3A_8 = arith.muli %arg1, %mul3A_7 : i32
    %add3A_9 = arith.constant 0 : i32
    %add3A_10 = arith.addi %mul3A_8, %add3A_9 : i32
    "tpu.region"() ({
      %run_scoped3A = tpu.sem_alloc : memref<!tpu.dma_semaphore, #tpu.memory_space<semaphore_mem>>
      %dma_start3A_115 = arith.constant 0 : i32
      %dma_start3A_116 = tpu.memref_slice %arg6[%add3A_10, %dma_start3A_115] : memref<10112x128xf32, #tpu.memory_space<vmem_shared>> -> memref<128x128xf32, #tpu.memory_space<vmem_shared>>
      %dma_start3A_117 = arith.constant 0 : i32
      %dma_start3A_118 = tpu.memref_slice %arg6[%add3A_10, %dma_start3A_117] : memref<10112x128xf32, #tpu.memory_space<vmem_shared>> -> memref<128x128xf32, #tpu.memory_space<vmem_shared>>
      tpu.enqueue_dma source(%arg13 : memref<128x128xf32, #tpu.memory_space<vmem>>) target(%dma_start3A_118 : memref<128x128xf32, #tpu.memory_space<vmem_shared>>) target_semaphore(%run_scoped3A : memref<!tpu.dma_semaphore, #tpu.memory_space<semaphore_mem>>)
      %dma_wait3A_119 = arith.constant 0 : i32
      %dma_wait3A_120 = tpu.memref_slice %arg6[%add3A_10, %dma_wait3A_119] : memref<10112x128xf32, #tpu.memory_space<vmem_shared>> -> memref<128x128xf32, #tpu.memory_space<vmem_shared>>
      %dma_wait3A_121 = arith.constant 0 : i32
      %dma_wait3A_122 = tpu.memref_slice %arg6[%add3A_10, %dma_wait3A_121] : memref<10112x128xf32, #tpu.memory_space<vmem_shared>> -> memref<128x128xf32, #tpu.memory_space<vmem_shared>>
      tpu.wait_dma2 semaphore(%run_scoped3A : memref<!tpu.dma_semaphore, #tpu.memory_space<semaphore_mem>>) src(%arg13 : memref<128x128xf32, #tpu.memory_space<vmem>>) dst(%dma_wait3A_122 : memref<128x128xf32, #tpu.memory_space<vmem_shared>>)
      tpu.yield
    }) : () -> ()
    %add3A_11 = arith.constant 128 : i32
    %add3A_12 = arith.addi %mul3A_8, %add3A_11 : i32
    "tpu.region"() ({
      %run_scoped3A = tpu.sem_alloc : memref<!tpu.dma_semaphore, #tpu.memory_space<semaphore_mem>>
      %dma_start3A_115 = arith.constant 0 : i32
      %dma_start3A_116 = tpu.memref_slice %arg6[%add3A_12, %dma_start3A_115] : memref<10112x128xf32, #tpu.memory_space<vmem_shared>> -> memref<128x128xf32, #tpu.memory_space<vmem_shared>>
      %dma_start3A_117 = arith.constant 0 : i32
      %dma_start3A_118 = tpu.memref_slice %arg6[%add3A_12, %dma_start3A_117] : memref<10112x128xf32, #tpu.memory_space<vmem_shared>> -> memref<128x128xf32, #tpu.memory_space<vmem_shared>>
      tpu.enqueue_dma source(%arg13 : memref<128x128xf32, #tpu.memory_space<vmem>>) target(%dma_start3A_118 : memref<128x128xf32, #tpu.memory_space<vmem_shared>>) target_semaphore(%run_scoped3A : memref<!tpu.dma_semaphore, #tpu.memory_space<semaphore_mem>>)
      %dma_wait3A_119 = arith.constant 0 : i32
      %dma_wait3A_120 = tpu.memref_slice %arg6[%add3A_12, %dma_wait3A_119] : memref<10112x128xf32, #tpu.memory_space<vmem_shared>> -> memref<128x128xf32, #tpu.memory_space<vmem_shared>>
      %dma_wait3A_121 = arith.constant 0 : i32
      %dma_wait3A_122 = tpu.memref_slice %arg6[%add3A_12, %dma_wait3A_121] : memref<10112x128xf32, #tpu.memory_space<vmem_shared>> -> memref<128x128xf32, #tpu.memory_space<vmem_shared>>
      tpu.wait_dma2 semaphore(%run_scoped3A : memref<!tpu.dma_semaphore, #tpu.memory_space<semaphore_mem>>) src(%arg13 : memref<128x128xf32, #tpu.memory_space<vmem>>) dst(%dma_wait3A_122 : memref<128x128xf32, #tpu.memory_space<vmem_shared>>)
      tpu.yield
    }) : () -> ()
    %add3A_13 = arith.constant 256 : i32
    %add3A_14 = arith.addi %mul3A_8, %add3A_13 : i32
    "tpu.region"() ({
      %run_scoped3A = tpu.sem_alloc : memref<!tpu.dma_semaphore, #tpu.memory_space<semaphore_mem>>
      %dma_start3A_115 = arith.constant 0 : i32
      %dma_start3A_116 = tpu.memref_slice %arg6[%add3A_14, %dma_start3A_115] : memref<10112x128xf32, #tpu.memory_space<vmem_shared>> -> memref<128x128xf32, #tpu.memory_space<vmem_shared>>
      %dma_start3A_117 = arith.constant 0 : i32
      %dma_start3A_118 = tpu.memref_slice %arg6[%add3A_14, %dma_start3A_117] : memref<10112x128xf32, #tpu.memory_space<vmem_shared>> -> memref<128x128xf32, #tpu.memory_space<vmem_shared>>
      tpu.enqueue_dma source(%arg13 : memref<128x128xf32, #tpu.memory_space<vmem>>) target(%dma_start3A_118 : memref<128x128xf32, #tpu.memory_space<vmem_shared>>) target_semaphore(%run_scoped3A : memref<!tpu.dma_semaphore, #tpu.memory_space<semaphore_mem>>)
      %dma_wait3A_119 = arith.constant 0 : i32
      %dma_wait3A_120 = tpu.memref_slice %arg6[%add3A_14, %dma_wait3A_119] : memref<10112x128xf32, #tpu.memory_space<vmem_shared>> -> memref<128x128xf32, #tpu.memory_space<vmem_shared>>
      %dma_wait3A_121 = arith.constant 0 : i32
      %dma_wait3A_122 = tpu.memref_slice %arg6[%add3A_14, %dma_wait3A_121] : memref<10112x128xf32, #tpu.memory_space<vmem_shared>> -> memref<128x128xf32, #tpu.memory_space<vmem_shared>>
      tpu.wait_dma2 semaphore(%run_scoped3A : memref<!tpu.dma_semaphore, #tpu.memory_space<semaphore_mem>>) src(%arg13 : memref<128x128xf32, #tpu.memory_space<vmem>>) dst(%dma_wait3A_122 : memref<128x128xf32, #tpu.memory_space<vmem_shared>>)
      tpu.yield
    }) : () -> ()
    %add3A_15 = arith.constant 384 : i32
    %add3A_16 = arith.addi %mul3A_8, %add3A_15 : i32
    "tpu.region"() ({
      %run_scoped3A = tpu.sem_alloc : memref<!tpu.dma_semaphore, #tpu.memory_space<semaphore_mem>>
      %dma_start3A_115 = arith.constant 0 : i32
      %dma_start3A_116 = tpu.memref_slice %arg6[%add3A_16, %dma_start3A_115] : memref<10112x128xf32, #tpu.memory_space<vmem_shared>> -> memref<128x128xf32, #tpu.memory_space<vmem_shared>>
      %dma_start3A_117 = arith.constant 0 : i32
      %dma_start3A_118 = tpu.memref_slice %arg6[%add3A_16, %dma_start3A_117] : memref<10112x128xf32, #tpu.memory_space<vmem_shared>> -> memref<128x128xf32, #tpu.memory_space<vmem_shared>>
      tpu.enqueue_dma source(%arg13 : memref<128x128xf32, #tpu.memory_space<vmem>>) target(%dma_start3A_118 : memref<128x128xf32, #tpu.memory_space<vmem_shared>>) target_semaphore(%run_scoped3A : memref<!tpu.dma_semaphore, #tpu.memory_space<semaphore_mem>>)
      %dma_wait3A_119 = arith.constant 0 : i32
      %dma_wait3A_120 = tpu.memref_slice %arg6[%add3A_16, %dma_wait3A_119] : memref<10112x128xf32, #tpu.memory_space<vmem_shared>> -> memref<128x128xf32, #tpu.memory_space<vmem_shared>>
      %dma_wait3A_121 = arith.constant 0 : i32
      %dma_wait3A_122 = tpu.memref_slice %arg6[%add3A_16, %dma_wait3A_121] : memref<10112x128xf32, #tpu.memory_space<vmem_shared>> -> memref<128x128xf32, #tpu.memory_space<vmem_shared>>
      tpu.wait_dma2 semaphore(%run_scoped3A : memref<!tpu.dma_semaphore, #tpu.memory_space<semaphore_mem>>) src(%arg13 : memref<128x128xf32, #tpu.memory_space<vmem>>) dst(%dma_wait3A_122 : memref<128x128xf32, #tpu.memory_space<vmem_shared>>)
      tpu.yield
    }) : () -> ()
    %add3A_17 = arith.constant 512 : i32
    %add3A_18 = arith.addi %mul3A_8, %add3A_17 : i32
    "tpu.region"() ({
      %run_scoped3A = tpu.sem_alloc : memref<!tpu.dma_semaphore, #tpu.memory_space<semaphore_mem>>
      %dma_start3A_115 = arith.constant 0 : i32
      %dma_start3A_116 = arith.constant 0 : i32
      %dma_start3A_117 = tpu.memref_slice %arg13[%dma_start3A_115, %dma_start3A_116] : memref<128x128xf32, #tpu.memory_space<vmem>> -> memref<120x128xf32, #tpu.memory_space<vmem>>
      %dma_start3A_118 = arith.constant 0 : i32
      %dma_start3A_119 = tpu.memref_slice %arg6[%add3A_18, %dma_start3A_118] : memref<10112x128xf32, #tpu.memory_space<vmem_shared>> -> memref<120x128xf32, #tpu.memory_space<vmem_shared>>
      %dma_start3A_120 = arith.constant 0 : i32
      %dma_start3A_121 = tpu.memref_slice %arg6[%add3A_18, %dma_start3A_120] : memref<10112x128xf32, #tpu.memory_space<vmem_shared>> -> memref<120x128xf32, #tpu.memory_space<vmem_shared>>
      %dma_start3A_122 = arith.constant 0 : i32
      %dma_start3A_123 = arith.constant 0 : i32
      %dma_start3A_124 = tpu.memref_slice %arg13[%dma_start3A_122, %dma_start3A_123] : memref<128x128xf32, #tpu.memory_space<vmem>> -> memref<120x128xf32, #tpu.memory_space<vmem>>
      tpu.enqueue_dma source(%dma_start3A_124 : memref<120x128xf32, #tpu.memory_space<vmem>>) target(%dma_start3A_121 : memref<120x128xf32, #tpu.memory_space<vmem_shared>>) target_semaphore(%run_scoped3A : memref<!tpu.dma_semaphore, #tpu.memory_space<semaphore_mem>>)
      %dma_wait3A_125 = arith.constant 0 : i32
      %dma_wait3A_126 = arith.constant 0 : i32
      %dma_wait3A_127 = tpu.memref_slice %arg13[%dma_wait3A_125, %dma_wait3A_126] : memref<128x128xf32, #tpu.memory_space<vmem>> -> memref<120x128xf32, #tpu.memory_space<vmem>>
      %dma_wait3A_128 = arith.constant 0 : i32
      %dma_wait3A_129 = tpu.memref_slice %arg6[%add3A_18, %dma_wait3A_128] : memref<10112x128xf32, #tpu.memory_space<vmem_shared>> -> memref<120x128xf32, #tpu.memory_space<vmem_shared>>
      %dma_wait3A_130 = arith.constant 0 : i32
      %dma_wait3A_131 = tpu.memref_slice %arg6[%add3A_18, %dma_wait3A_130] : memref<10112x128xf32, #tpu.memory_space<vmem_shared>> -> memref<120x128xf32, #tpu.memory_space<vmem_shared>>
      %dma_wait3A_132 = arith.constant 0 : i32
      %dma_wait3A_133 = arith.constant 0 : i32
      %dma_wait3A_134 = tpu.memref_slice %arg13[%dma_wait3A_132, %dma_wait3A_133] : memref<128x128xf32, #tpu.memory_space<vmem>> -> memref<120x128xf32, #tpu.memory_space<vmem>>
      tpu.wait_dma2 semaphore(%run_scoped3A : memref<!tpu.dma_semaphore, #tpu.memory_space<semaphore_mem>>) src(%dma_wait3A_134 : memref<120x128xf32, #tpu.memory_space<vmem>>) dst(%dma_wait3A_131 : memref<120x128xf32, #tpu.memory_space<vmem_shared>>)
      tpu.yield
    }) : () -> ()
    %barrier3A = arith.constant 0 : index
    tpu.barrier barrier_id(%barrier3A)
    %mul3A_19 = arith.constant 10000 : i32
    %mul3A_20 = arith.muli %add3A, %mul3A_19 : i32
    %add3A_21 = arith.constant 0 : i32
    %add3A_22 = arith.addi %mul3A_20, %add3A_21 : i32
    "tpu.region"() ({
      %run_scoped3A = tpu.sem_alloc : memref<!tpu.dma_semaphore, #tpu.memory_space<semaphore_mem>>
      %dma_start3A_115 = tpu.memref_slice %arg3[%add3A_22] : memref<320000xi32, #tpu.memory_space<hbm>> -> memref<128xi32, #tpu.memory_space<hbm>>
      %dma_start3A_116 = tpu.memref_slice %arg3[%add3A_22] : memref<320000xi32, #tpu.memory_space<hbm>> -> memref<128xi32, #tpu.memory_space<hbm>>
      tpu.enqueue_dma source(%dma_start3A_116 : memref<128xi32, #tpu.memory_space<hbm>>) target(%arg7 : memref<128xi32, #tpu.memory_space<vmem>>) target_semaphore(%run_scoped3A : memref<!tpu.dma_semaphore, #tpu.memory_space<semaphore_mem>>)
      %dma_wait3A_117 = tpu.memref_slice %arg3[%add3A_22] : memref<320000xi32, #tpu.memory_space<hbm>> -> memref<128xi32, #tpu.memory_space<hbm>>
      %dma_wait3A_118 = tpu.memref_slice %arg3[%add3A_22] : memref<320000xi32, #tpu.memory_space<hbm>> -> memref<128xi32, #tpu.memory_space<hbm>>
      tpu.wait_dma2 semaphore(%run_scoped3A : memref<!tpu.dma_semaphore, #tpu.memory_space<semaphore_mem>>) src(%dma_wait3A_118 : memref<128xi32, #tpu.memory_space<hbm>>) dst(%arg7 : memref<128xi32, #tpu.memory_space<vmem>>)
      tpu.yield
    }) : () -> ()
    %add3A_23 = arith.constant 0 : i32
    %add3A_24 = arith.addi %mul3A_20, %add3A_23 : i32
    "tpu.region"() ({
      %run_scoped3A = tpu.sem_alloc : memref<!tpu.dma_semaphore, #tpu.memory_space<semaphore_mem>>
      %dma_start3A_115 = tpu.memref_slice %arg4[%add3A_24] : memref<320000xi32, #tpu.memory_space<hbm>> -> memref<128xi32, #tpu.memory_space<hbm>>
      %dma_start3A_116 = tpu.memref_slice %arg4[%add3A_24] : memref<320000xi32, #tpu.memory_space<hbm>> -> memref<128xi32, #tpu.memory_space<hbm>>
      tpu.enqueue_dma source(%dma_start3A_116 : memref<128xi32, #tpu.memory_space<hbm>>) target(%arg10 : memref<128xi32, #tpu.memory_space<vmem>>) target_semaphore(%run_scoped3A : memref<!tpu.dma_semaphore, #tpu.memory_space<semaphore_mem>>)
      %dma_wait3A_117 = tpu.memref_slice %arg4[%add3A_24] : memref<320000xi32, #tpu.memory_space<hbm>> -> memref<128xi32, #tpu.memory_space<hbm>>
      %dma_wait3A_118 = tpu.memref_slice %arg4[%add3A_24] : memref<320000xi32, #tpu.memory_space<hbm>> -> memref<128xi32, #tpu.memory_space<hbm>>
      tpu.wait_dma2 semaphore(%run_scoped3A : memref<!tpu.dma_semaphore, #tpu.memory_space<semaphore_mem>>) src(%dma_wait3A_118 : memref<128xi32, #tpu.memory_space<hbm>>) dst(%arg10 : memref<128xi32, #tpu.memory_space<vmem>>)
      tpu.yield
    }) : () -> ()
    %dma_start3A = arith.constant 0 : i32
    %dma_start3A_25 = arith.constant 0 : i32
    %dma_start3A_26 = tpu.memref_slice %arg2[%dma_start3A, %dma_start3A_25] : memref<10000x128xf32, #tpu.memory_space<hbm>> -> memref<10000x128xf32, #tpu.memory_space<hbm>>
    tpu.enqueue_indirect_dma source(%dma_start3A_26 : memref<10000x128xf32, #tpu.memory_space<hbm>>) target(%arg13 : memref<128x128xf32, #tpu.memory_space<vmem>>) offsets(%arg7 : memref<128xi32, #tpu.memory_space<vmem>>) semaphore(%arg18 : memref<!tpu.dma_semaphore, #tpu.memory_space<semaphore_mem>>)
    %add3A_27 = arith.constant 128 : i32
    %add3A_28 = arith.addi %mul3A_20, %add3A_27 : i32
    "tpu.region"() ({
      %run_scoped3A = tpu.sem_alloc : memref<!tpu.dma_semaphore, #tpu.memory_space<semaphore_mem>>
      %dma_start3A_115 = tpu.memref_slice %arg3[%add3A_28] : memref<320000xi32, #tpu.memory_space<hbm>> -> memref<128xi32, #tpu.memory_space<hbm>>
      %dma_start3A_116 = tpu.memref_slice %arg3[%add3A_28] : memref<320000xi32, #tpu.memory_space<hbm>> -> memref<128xi32, #tpu.memory_space<hbm>>
      tpu.enqueue_dma source(%dma_start3A_116 : memref<128xi32, #tpu.memory_space<hbm>>) target(%arg8 : memref<128xi32, #tpu.memory_space<vmem>>) target_semaphore(%run_scoped3A : memref<!tpu.dma_semaphore, #tpu.memory_space<semaphore_mem>>)
      %dma_wait3A_117 = tpu.memref_slice %arg3[%add3A_28] : memref<320000xi32, #tpu.memory_space<hbm>> -> memref<128xi32, #tpu.memory_space<hbm>>
      %dma_wait3A_118 = tpu.memref_slice %arg3[%add3A_28] : memref<320000xi32, #tpu.memory_space<hbm>> -> memref<128xi32, #tpu.memory_space<hbm>>
      tpu.wait_dma2 semaphore(%run_scoped3A : memref<!tpu.dma_semaphore, #tpu.memory_space<semaphore_mem>>) src(%dma_wait3A_118 : memref<128xi32, #tpu.memory_space<hbm>>) dst(%arg8 : memref<128xi32, #tpu.memory_space<vmem>>)
      tpu.yield
    }) : () -> ()
    %add3A_29 = arith.constant 128 : i32
    %add3A_30 = arith.addi %mul3A_20, %add3A_29 : i32
    "tpu.region"() ({
      %run_scoped3A = tpu.sem_alloc : memref<!tpu.dma_semaphore, #tpu.memory_space<semaphore_mem>>
      %dma_start3A_115 = tpu.memref_slice %arg4[%add3A_30] : memref<320000xi32, #tpu.memory_space<hbm>> -> memref<128xi32, #tpu.memory_space<hbm>>
      %dma_start3A_116 = tpu.memref_slice %arg4[%add3A_30] : memref<320000xi32, #tpu.memory_space<hbm>> -> memref<128xi32, #tpu.memory_space<hbm>>
      tpu.enqueue_dma source(%dma_start3A_116 : memref<128xi32, #tpu.memory_space<hbm>>) target(%arg11 : memref<128xi32, #tpu.memory_space<vmem>>) target_semaphore(%run_scoped3A : memref<!tpu.dma_semaphore, #tpu.memory_space<semaphore_mem>>)
      %dma_wait3A_117 = tpu.memref_slice %arg4[%add3A_30] : memref<320000xi32, #tpu.memory_space<hbm>> -> memref<128xi32, #tpu.memory_space<hbm>>
      %dma_wait3A_118 = tpu.memref_slice %arg4[%add3A_30] : memref<320000xi32, #tpu.memory_space<hbm>> -> memref<128xi32, #tpu.memory_space<hbm>>
      tpu.wait_dma2 semaphore(%run_scoped3A : memref<!tpu.dma_semaphore, #tpu.memory_space<semaphore_mem>>) src(%dma_wait3A_118 : memref<128xi32, #tpu.memory_space<hbm>>) dst(%arg11 : memref<128xi32, #tpu.memory_space<vmem>>)
      tpu.yield
    }) : () -> ()
    %dma_start3A_31 = arith.constant 0 : i32
    %dma_start3A_32 = arith.constant 0 : i32
    %dma_start3A_33 = tpu.memref_slice %arg2[%dma_start3A_31, %dma_start3A_32] : memref<10000x128xf32, #tpu.memory_space<hbm>> -> memref<10000x128xf32, #tpu.memory_space<hbm>>
    tpu.enqueue_indirect_dma source(%dma_start3A_33 : memref<10000x128xf32, #tpu.memory_space<hbm>>) target(%arg14 : memref<128x128xf32, #tpu.memory_space<vmem>>) offsets(%arg8 : memref<128xi32, #tpu.memory_space<vmem>>) semaphore(%arg19 : memref<!tpu.dma_semaphore, #tpu.memory_space<semaphore_mem>>)
    %dma_wait3A = arith.constant 0 : i32
    %dma_wait3A_34 = arith.constant 0 : i32
    %dma_wait3A_35 = tpu.memref_slice %arg2[%dma_wait3A, %dma_wait3A_34] : memref<10000x128xf32, #tpu.memory_space<hbm>> -> memref<10000x128xf32, #tpu.memory_space<hbm>>
    tpu.wait_indirect_dma semaphore(%arg18 : memref<!tpu.dma_semaphore, #tpu.memory_space<semaphore_mem>>) src(%dma_wait3A_35 : memref<10000x128xf32, #tpu.memory_space<hbm>>) dst(%arg13 : memref<128x128xf32, #tpu.memory_space<vmem>>)
    %dma_start3A_36 = arith.constant 0 : i32
    %dma_start3A_37 = arith.constant 0 : i32
    %dma_start3A_38 = tpu.memref_slice %arg6[%dma_start3A_36, %dma_start3A_37] : memref<10112x128xf32, #tpu.memory_space<vmem_shared>> -> memref<10112x128xf32, #tpu.memory_space<vmem_shared>>
    tpu.enqueue_indirect_dma source(%arg13 : memref<128x128xf32, #tpu.memory_space<vmem>>) target(%dma_start3A_38 : memref<10112x128xf32, #tpu.memory_space<vmem_shared>>) offsets(%arg10 : memref<128xi32, #tpu.memory_space<vmem>>) semaphore(%arg21 : memref<!tpu.dma_semaphore, #tpu.memory_space<semaphore_mem>>) {add = true}
    %add3A_39 = arith.constant 256 : i32
    %add3A_40 = arith.addi %mul3A_20, %add3A_39 : i32
    %dma_start3A_41 = tpu.memref_slice %arg3[%add3A_40] : memref<320000xi32, #tpu.memory_space<hbm>> -> memref<128xi32, #tpu.memory_space<hbm>>
    %dma_start3A_42 = tpu.memref_slice %arg3[%add3A_40] : memref<320000xi32, #tpu.memory_space<hbm>> -> memref<128xi32, #tpu.memory_space<hbm>>
    tpu.enqueue_dma source(%dma_start3A_42 : memref<128xi32, #tpu.memory_space<hbm>>) target(%arg9 : memref<128xi32, #tpu.memory_space<vmem>>) target_semaphore(%arg24 : memref<!tpu.dma_semaphore, #tpu.memory_space<semaphore_mem>>)
    %dma_start3A_43 = tpu.memref_slice %arg4[%add3A_40] : memref<320000xi32, #tpu.memory_space<hbm>> -> memref<128xi32, #tpu.memory_space<hbm>>
    %dma_start3A_44 = tpu.memref_slice %arg4[%add3A_40] : memref<320000xi32, #tpu.memory_space<hbm>> -> memref<128xi32, #tpu.memory_space<hbm>>
    tpu.enqueue_dma source(%dma_start3A_44 : memref<128xi32, #tpu.memory_space<hbm>>) target(%arg12 : memref<128xi32, #tpu.memory_space<vmem>>) target_semaphore(%arg25 : memref<!tpu.dma_semaphore, #tpu.memory_space<semaphore_mem>>)
    %dma_wait3A_45 = tpu.memref_slice %arg3[%add3A_40] : memref<320000xi32, #tpu.memory_space<hbm>> -> memref<128xi32, #tpu.memory_space<hbm>>
    %dma_wait3A_46 = tpu.memref_slice %arg3[%add3A_40] : memref<320000xi32, #tpu.memory_space<hbm>> -> memref<128xi32, #tpu.memory_space<hbm>>
    tpu.wait_dma2 semaphore(%arg24 : memref<!tpu.dma_semaphore, #tpu.memory_space<semaphore_mem>>) src(%dma_wait3A_46 : memref<128xi32, #tpu.memory_space<hbm>>) dst(%arg9 : memref<128xi32, #tpu.memory_space<vmem>>)
    %dma_wait3A_47 = tpu.memref_slice %arg4[%add3A_40] : memref<320000xi32, #tpu.memory_space<hbm>> -> memref<128xi32, #tpu.memory_space<hbm>>
    %dma_wait3A_48 = tpu.memref_slice %arg4[%add3A_40] : memref<320000xi32, #tpu.memory_space<hbm>> -> memref<128xi32, #tpu.memory_space<hbm>>
    tpu.wait_dma2 semaphore(%arg25 : memref<!tpu.dma_semaphore, #tpu.memory_space<semaphore_mem>>) src(%dma_wait3A_48 : memref<128xi32, #tpu.memory_space<hbm>>) dst(%arg12 : memref<128xi32, #tpu.memory_space<vmem>>)
    %dma_start3A_49 = arith.constant 0 : i32
    %dma_start3A_50 = arith.constant 0 : i32
    %dma_start3A_51 = tpu.memref_slice %arg2[%dma_start3A_49, %dma_start3A_50] : memref<10000x128xf32, #tpu.memory_space<hbm>> -> memref<10000x128xf32, #tpu.memory_space<hbm>>
    tpu.enqueue_indirect_dma source(%dma_start3A_51 : memref<10000x128xf32, #tpu.memory_space<hbm>>) target(%arg15 : memref<128x128xf32, #tpu.memory_space<vmem>>) offsets(%arg9 : memref<128xi32, #tpu.memory_space<vmem>>) semaphore(%arg20 : memref<!tpu.dma_semaphore, #tpu.memory_space<semaphore_mem>>)
    %scan3A_52 = arith.constant 0 : i32
    %scan3A_53 = arith.constant 0 : i32
    %scan3A_54 = arith.constant 26 : i32
    %scan3A_55 = arith.addi %scan3A_53, %scan3A_54 : i32
    %scan3A_56 = arith.constant 1 : i32
    %scan3A_57 = scf.for %scan3A_115 = %scan3A_53 to %scan3A_55 step %scan3A_56 iter_args(%scan3A_116 = %scan3A_52) -> (i32)  : i32 {
      %mul3A_117 = arith.constant 3 : i32
      %mul3A_118 = arith.muli %mul3A_117, %scan3A_115 : i32
      %add3A_119 = arith.constant 0 : i32
      %add3A_120 = arith.addi %mul3A_118, %add3A_119 : i32
      %gt3A = arith.constant 0 : i32
      %gt3A_121 = arith.cmpi sgt, %add3A_120, %gt3A : i32
      %lt3A = arith.constant 76 : i32
      %lt3A_122 = arith.cmpi slt, %add3A_120, %lt3A : i32
      %and3A = arith.andi %gt3A_121, %lt3A_122 : i1
      %convert_element_type3A = arith.extui %and3A : i1 to i32
      %cond3A = arith.constant 0 : i32
      %cond3A_123 = arith.cmpi ne, %convert_element_type3A, %cond3A : i32
      scf.if %cond3A_123 {
        %dma_wait3A_149 = arith.constant 0 : i32
        %dma_wait3A_150 = arith.constant 0 : i32
        %dma_wait3A_151 = tpu.memref_slice %arg2[%dma_wait3A_149, %dma_wait3A_150] : memref<10000x128xf32, #tpu.memory_space<hbm>> -> memref<10000x128xf32, #tpu.memory_space<hbm>>
        tpu.wait_indirect_dma semaphore(%arg18 : memref<!tpu.dma_semaphore, #tpu.memory_space<semaphore_mem>>) src(%dma_wait3A_151 : memref<10000x128xf32, #tpu.memory_space<hbm>>) dst(%arg13 : memref<128x128xf32, #tpu.memory_space<vmem>>)
        %dma_start3A_152 = arith.constant 0 : i32
        %dma_start3A_153 = arith.constant 0 : i32
        %dma_start3A_154 = tpu.memref_slice %arg6[%dma_start3A_152, %dma_start3A_153] : memref<10112x128xf32, #tpu.memory_space<vmem_shared>> -> memref<10112x128xf32, #tpu.memory_space<vmem_shared>>
        tpu.enqueue_indirect_dma source(%arg13 : memref<128x128xf32, #tpu.memory_space<vmem>>) target(%dma_start3A_154 : memref<10112x128xf32, #tpu.memory_space<vmem_shared>>) offsets(%arg10 : memref<128xi32, #tpu.memory_space<vmem>>) semaphore(%arg21 : memref<!tpu.dma_semaphore, #tpu.memory_space<semaphore_mem>>) {add = true}
        %add3A_155 = arith.constant 2 : i32
        %add3A_156 = arith.addi %add3A_120, %add3A_155 : i32
        %mul3A_157 = arith.constant 128 : i32
        %mul3A_158 = arith.muli %add3A_156, %mul3A_157 : i32
        %add3A_159 = arith.addi %mul3A_20, %mul3A_158 : i32
        %dma_start3A_160 = tpu.memref_slice %arg3[%add3A_159] : memref<320000xi32, #tpu.memory_space<hbm>> -> memref<128xi32, #tpu.memory_space<hbm>>
        %dma_start3A_161 = tpu.memref_slice %arg3[%add3A_159] : memref<320000xi32, #tpu.memory_space<hbm>> -> memref<128xi32, #tpu.memory_space<hbm>>
        tpu.enqueue_dma source(%dma_start3A_161 : memref<128xi32, #tpu.memory_space<hbm>>) target(%arg9 : memref<128xi32, #tpu.memory_space<vmem>>) target_semaphore(%arg24 : memref<!tpu.dma_semaphore, #tpu.memory_space<semaphore_mem>>)
        %dma_wait3A_162 = arith.constant 0 : i32
        %dma_wait3A_163 = arith.constant 0 : i32
        %dma_wait3A_164 = tpu.memref_slice %arg6[%dma_wait3A_162, %dma_wait3A_163] : memref<10112x128xf32, #tpu.memory_space<vmem_shared>> -> memref<10112x128xf32, #tpu.memory_space<vmem_shared>>
        tpu.wait_indirect_dma semaphore(%arg23 : memref<!tpu.dma_semaphore, #tpu.memory_space<semaphore_mem>>) src(%arg15 : memref<128x128xf32, #tpu.memory_space<vmem>>) dst(%dma_wait3A_164 : memref<10112x128xf32, #tpu.memory_space<vmem_shared>>)
        %dma_start3A_165 = tpu.memref_slice %arg4[%add3A_159] : memref<320000xi32, #tpu.memory_space<hbm>> -> memref<128xi32, #tpu.memory_space<hbm>>
        %dma_start3A_166 = tpu.memref_slice %arg4[%add3A_159] : memref<320000xi32, #tpu.memory_space<hbm>> -> memref<128xi32, #tpu.memory_space<hbm>>
        tpu.enqueue_dma source(%dma_start3A_166 : memref<128xi32, #tpu.memory_space<hbm>>) target(%arg12 : memref<128xi32, #tpu.memory_space<vmem>>) target_semaphore(%arg25 : memref<!tpu.dma_semaphore, #tpu.memory_space<semaphore_mem>>)
        %dma_wait3A_167 = tpu.memref_slice %arg3[%add3A_159] : memref<320000xi32, #tpu.memory_space<hbm>> -> memref<128xi32, #tpu.memory_space<hbm>>
        %dma_wait3A_168 = tpu.memref_slice %arg3[%add3A_159] : memref<320000xi32, #tpu.memory_space<hbm>> -> memref<128xi32, #tpu.memory_space<hbm>>
        tpu.wait_dma2 semaphore(%arg24 : memref<!tpu.dma_semaphore, #tpu.memory_space<semaphore_mem>>) src(%dma_wait3A_168 : memref<128xi32, #tpu.memory_space<hbm>>) dst(%arg9 : memref<128xi32, #tpu.memory_space<vmem>>)
        %dma_wait3A_169 = tpu.memref_slice %arg4[%add3A_159] : memref<320000xi32, #tpu.memory_space<hbm>> -> memref<128xi32, #tpu.memory_space<hbm>>
        %dma_wait3A_170 = tpu.memref_slice %arg4[%add3A_159] : memref<320000xi32, #tpu.memory_space<hbm>> -> memref<128xi32, #tpu.memory_space<hbm>>
        tpu.wait_dma2 semaphore(%arg25 : memref<!tpu.dma_semaphore, #tpu.memory_space<semaphore_mem>>) src(%dma_wait3A_170 : memref<128xi32, #tpu.memory_space<hbm>>) dst(%arg12 : memref<128xi32, #tpu.memory_space<vmem>>)
        %dma_start3A_171 = arith.constant 0 : i32
        %dma_start3A_172 = arith.constant 0 : i32
        %dma_start3A_173 = tpu.memref_slice %arg2[%dma_start3A_171, %dma_start3A_172] : memref<10000x128xf32, #tpu.memory_space<hbm>> -> memref<10000x128xf32, #tpu.memory_space<hbm>>
        tpu.enqueue_indirect_dma source(%dma_start3A_173 : memref<10000x128xf32, #tpu.memory_space<hbm>>) target(%arg15 : memref<128x128xf32, #tpu.memory_space<vmem>>) offsets(%arg9 : memref<128xi32, #tpu.memory_space<vmem>>) semaphore(%arg20 : memref<!tpu.dma_semaphore, #tpu.memory_space<semaphore_mem>>)
      } else {
      }
      %mul3A_124 = arith.constant 3 : i32
      %mul3A_125 = arith.muli %mul3A_124, %scan3A_115 : i32
      %add3A_126 = arith.constant 1 : i32
      %add3A_127 = arith.addi %mul3A_125, %add3A_126 : i32
      %gt3A_128 = arith.constant 0 : i32
      %gt3A_129 = arith.cmpi sgt, %add3A_127, %gt3A_128 : i32
      %lt3A_130 = arith.constant 76 : i32
      %lt3A_131 = arith.cmpi slt, %add3A_127, %lt3A_130 : i32
      %and3A_132 = arith.andi %gt3A_129, %lt3A_131 : i1
      %convert_element_type3A_133 = arith.extui %and3A_132 : i1 to i32
      %cond3A_134 = arith.constant 0 : i32
      %cond3A_135 = arith.cmpi ne, %convert_element_type3A_133, %cond3A_134 : i32
      scf.if %cond3A_135 {
        %dma_wait3A_149 = arith.constant 0 : i32
        %dma_wait3A_150 = arith.constant 0 : i32
        %dma_wait3A_151 = tpu.memref_slice %arg2[%dma_wait3A_149, %dma_wait3A_150] : memref<10000x128xf32, #tpu.memory_space<hbm>> -> memref<10000x128xf32, #tpu.memory_space<hbm>>
        tpu.wait_indirect_dma semaphore(%arg19 : memref<!tpu.dma_semaphore, #tpu.memory_space<semaphore_mem>>) src(%dma_wait3A_151 : memref<10000x128xf32, #tpu.memory_space<hbm>>) dst(%arg14 : memref<128x128xf32, #tpu.memory_space<vmem>>)
        %dma_start3A_152 = arith.constant 0 : i32
        %dma_start3A_153 = arith.constant 0 : i32
        %dma_start3A_154 = tpu.memref_slice %arg6[%dma_start3A_152, %dma_start3A_153] : memref<10112x128xf32, #tpu.memory_space<vmem_shared>> -> memref<10112x128xf32, #tpu.memory_space<vmem_shared>>
        tpu.enqueue_indirect_dma source(%arg14 : memref<128x128xf32, #tpu.memory_space<vmem>>) target(%dma_start3A_154 : memref<10112x128xf32, #tpu.memory_space<vmem_shared>>) offsets(%arg11 : memref<128xi32, #tpu.memory_space<vmem>>) semaphore(%arg22 : memref<!tpu.dma_semaphore, #tpu.memory_space<semaphore_mem>>) {add = true}
        %add3A_155 = arith.constant 2 : i32
        %add3A_156 = arith.addi %add3A_127, %add3A_155 : i32
        %mul3A_157 = arith.constant 128 : i32
        %mul3A_158 = arith.muli %add3A_156, %mul3A_157 : i32
        %add3A_159 = arith.addi %mul3A_20, %mul3A_158 : i32
        %dma_start3A_160 = tpu.memref_slice %arg3[%add3A_159] : memref<320000xi32, #tpu.memory_space<hbm>> -> memref<128xi32, #tpu.memory_space<hbm>>
        %dma_start3A_161 = tpu.memref_slice %arg3[%add3A_159] : memref<320000xi32, #tpu.memory_space<hbm>> -> memref<128xi32, #tpu.memory_space<hbm>>
        tpu.enqueue_dma source(%dma_start3A_161 : memref<128xi32, #tpu.memory_space<hbm>>) target(%arg7 : memref<128xi32, #tpu.memory_space<vmem>>) target_semaphore(%arg24 : memref<!tpu.dma_semaphore, #tpu.memory_space<semaphore_mem>>)
        %dma_wait3A_162 = arith.constant 0 : i32
        %dma_wait3A_163 = arith.constant 0 : i32
        %dma_wait3A_164 = tpu.memref_slice %arg6[%dma_wait3A_162, %dma_wait3A_163] : memref<10112x128xf32, #tpu.memory_space<vmem_shared>> -> memref<10112x128xf32, #tpu.memory_space<vmem_shared>>
        tpu.wait_indirect_dma semaphore(%arg21 : memref<!tpu.dma_semaphore, #tpu.memory_space<semaphore_mem>>) src(%arg13 : memref<128x128xf32, #tpu.memory_space<vmem>>) dst(%dma_wait3A_164 : memref<10112x128xf32, #tpu.memory_space<vmem_shared>>)
        %dma_start3A_165 = tpu.memref_slice %arg4[%add3A_159] : memref<320000xi32, #tpu.memory_space<hbm>> -> memref<128xi32, #tpu.memory_space<hbm>>
        %dma_start3A_166 = tpu.memref_slice %arg4[%add3A_159] : memref<320000xi32, #tpu.memory_space<hbm>> -> memref<128xi32, #tpu.memory_space<hbm>>
        tpu.enqueue_dma source(%dma_start3A_166 : memref<128xi32, #tpu.memory_space<hbm>>) target(%arg10 : memref<128xi32, #tpu.memory_space<vmem>>) target_semaphore(%arg25 : memref<!tpu.dma_semaphore, #tpu.memory_space<semaphore_mem>>)
        %dma_wait3A_167 = tpu.memref_slice %arg3[%add3A_159] : memref<320000xi32, #tpu.memory_space<hbm>> -> memref<128xi32, #tpu.memory_space<hbm>>
        %dma_wait3A_168 = tpu.memref_slice %arg3[%add3A_159] : memref<320000xi32, #tpu.memory_space<hbm>> -> memref<128xi32, #tpu.memory_space<hbm>>
        tpu.wait_dma2 semaphore(%arg24 : memref<!tpu.dma_semaphore, #tpu.memory_space<semaphore_mem>>) src(%dma_wait3A_168 : memref<128xi32, #tpu.memory_space<hbm>>) dst(%arg7 : memref<128xi32, #tpu.memory_space<vmem>>)
        %dma_wait3A_169 = tpu.memref_slice %arg4[%add3A_159] : memref<320000xi32, #tpu.memory_space<hbm>> -> memref<128xi32, #tpu.memory_space<hbm>>
        %dma_wait3A_170 = tpu.memref_slice %arg4[%add3A_159] : memref<320000xi32, #tpu.memory_space<hbm>> -> memref<128xi32, #tpu.memory_space<hbm>>
        tpu.wait_dma2 semaphore(%arg25 : memref<!tpu.dma_semaphore, #tpu.memory_space<semaphore_mem>>) src(%dma_wait3A_170 : memref<128xi32, #tpu.memory_space<hbm>>) dst(%arg10 : memref<128xi32, #tpu.memory_space<vmem>>)
        %dma_start3A_171 = arith.constant 0 : i32
        %dma_start3A_172 = arith.constant 0 : i32
        %dma_start3A_173 = tpu.memref_slice %arg2[%dma_start3A_171, %dma_start3A_172] : memref<10000x128xf32, #tpu.memory_space<hbm>> -> memref<10000x128xf32, #tpu.memory_space<hbm>>
        tpu.enqueue_indirect_dma source(%dma_start3A_173 : memref<10000x128xf32, #tpu.memory_space<hbm>>) target(%arg13 : memref<128x128xf32, #tpu.memory_space<vmem>>) offsets(%arg7 : memref<128xi32, #tpu.memory_space<vmem>>) semaphore(%arg18 : memref<!tpu.dma_semaphore, #tpu.memory_space<semaphore_mem>>)
      } else {
      }
      %mul3A_136 = arith.constant 3 : i32
      %mul3A_137 = arith.muli %mul3A_136, %scan3A_115 : i32
      %add3A_138 = arith.constant 2 : i32
      %add3A_139 = arith.addi %mul3A_137, %add3A_138 : i32
      %gt3A_140 = arith.constant 0 : i32
      %gt3A_141 = arith.cmpi sgt, %add3A_139, %gt3A_140 : i32
      %lt3A_142 = arith.constant 76 : i32
      %lt3A_143 = arith.cmpi slt, %add3A_139, %lt3A_142 : i32
      %and3A_144 = arith.andi %gt3A_141, %lt3A_143 : i1
      %convert_element_type3A_145 = arith.extui %and3A_144 : i1 to i32
      %cond3A_146 = arith.constant 0 : i32
      %cond3A_147 = arith.cmpi ne, %convert_element_type3A_145, %cond3A_146 : i32
      scf.if %cond3A_147 {
        %dma_wait3A_149 = arith.constant 0 : i32
        %dma_wait3A_150 = arith.constant 0 : i32
        %dma_wait3A_151 = tpu.memref_slice %arg2[%dma_wait3A_149, %dma_wait3A_150] : memref<10000x128xf32, #tpu.memory_space<hbm>> -> memref<10000x128xf32, #tpu.memory_space<hbm>>
        tpu.wait_indirect_dma semaphore(%arg20 : memref<!tpu.dma_semaphore, #tpu.memory_space<semaphore_mem>>) src(%dma_wait3A_151 : memref<10000x128xf32, #tpu.memory_space<hbm>>) dst(%arg15 : memref<128x128xf32, #tpu.memory_space<vmem>>)
        %dma_start3A_152 = arith.constant 0 : i32
        %dma_start3A_153 = arith.constant 0 : i32
        %dma_start3A_154 = tpu.memref_slice %arg6[%dma_start3A_152, %dma_start3A_153] : memref<10112x128xf32, #tpu.memory_space<vmem_shared>> -> memref<10112x128xf32, #tpu.memory_space<vmem_shared>>
        tpu.enqueue_indirect_dma source(%arg15 : memref<128x128xf32, #tpu.memory_space<vmem>>) target(%dma_start3A_154 : memref<10112x128xf32, #tpu.memory_space<vmem_shared>>) offsets(%arg12 : memref<128xi32, #tpu.memory_space<vmem>>) semaphore(%arg23 : memref<!tpu.dma_semaphore, #tpu.memory_space<semaphore_mem>>) {add = true}
        %add3A_155 = arith.constant 2 : i32
        %add3A_156 = arith.addi %add3A_139, %add3A_155 : i32
        %mul3A_157 = arith.constant 128 : i32
        %mul3A_158 = arith.muli %add3A_156, %mul3A_157 : i32
        %add3A_159 = arith.addi %mul3A_20, %mul3A_158 : i32
        %dma_start3A_160 = tpu.memref_slice %arg3[%add3A_159] : memref<320000xi32, #tpu.memory_space<hbm>> -> memref<128xi32, #tpu.memory_space<hbm>>
        %dma_start3A_161 = tpu.memref_slice %arg3[%add3A_159] : memref<320000xi32, #tpu.memory_space<hbm>> -> memref<128xi32, #tpu.memory_space<hbm>>
        tpu.enqueue_dma source(%dma_start3A_161 : memref<128xi32, #tpu.memory_space<hbm>>) target(%arg8 : memref<128xi32, #tpu.memory_space<vmem>>) target_semaphore(%arg24 : memref<!tpu.dma_semaphore, #tpu.memory_space<semaphore_mem>>)
        %dma_wait3A_162 = arith.constant 0 : i32
        %dma_wait3A_163 = arith.constant 0 : i32
        %dma_wait3A_164 = tpu.memref_slice %arg6[%dma_wait3A_162, %dma_wait3A_163] : memref<10112x128xf32, #tpu.memory_space<vmem_shared>> -> memref<10112x128xf32, #tpu.memory_space<vmem_shared>>
        tpu.wait_indirect_dma semaphore(%arg22 : memref<!tpu.dma_semaphore, #tpu.memory_space<semaphore_mem>>) src(%arg14 : memref<128x128xf32, #tpu.memory_space<vmem>>) dst(%dma_wait3A_164 : memref<10112x128xf32, #tpu.memory_space<vmem_shared>>)
        %dma_start3A_165 = tpu.memref_slice %arg4[%add3A_159] : memref<320000xi32, #tpu.memory_space<hbm>> -> memref<128xi32, #tpu.memory_space<hbm>>
        %dma_start3A_166 = tpu.memref_slice %arg4[%add3A_159] : memref<320000xi32, #tpu.memory_space<hbm>> -> memref<128xi32, #tpu.memory_space<hbm>>
        tpu.enqueue_dma source(%dma_start3A_166 : memref<128xi32, #tpu.memory_space<hbm>>) target(%arg11 : memref<128xi32, #tpu.memory_space<vmem>>) target_semaphore(%arg25 : memref<!tpu.dma_semaphore, #tpu.memory_space<semaphore_mem>>)
        %dma_wait3A_167 = tpu.memref_slice %arg3[%add3A_159] : memref<320000xi32, #tpu.memory_space<hbm>> -> memref<128xi32, #tpu.memory_space<hbm>>
        %dma_wait3A_168 = tpu.memref_slice %arg3[%add3A_159] : memref<320000xi32, #tpu.memory_space<hbm>> -> memref<128xi32, #tpu.memory_space<hbm>>
        tpu.wait_dma2 semaphore(%arg24 : memref<!tpu.dma_semaphore, #tpu.memory_space<semaphore_mem>>) src(%dma_wait3A_168 : memref<128xi32, #tpu.memory_space<hbm>>) dst(%arg8 : memref<128xi32, #tpu.memory_space<vmem>>)
        %dma_wait3A_169 = tpu.memref_slice %arg4[%add3A_159] : memref<320000xi32, #tpu.memory_space<hbm>> -> memref<128xi32, #tpu.memory_space<hbm>>
        %dma_wait3A_170 = tpu.memref_slice %arg4[%add3A_159] : memref<320000xi32, #tpu.memory_space<hbm>> -> memref<128xi32, #tpu.memory_space<hbm>>
        tpu.wait_dma2 semaphore(%arg25 : memref<!tpu.dma_semaphore, #tpu.memory_space<semaphore_mem>>) src(%dma_wait3A_170 : memref<128xi32, #tpu.memory_space<hbm>>) dst(%arg11 : memref<128xi32, #tpu.memory_space<vmem>>)
        %dma_start3A_171 = arith.constant 0 : i32
        %dma_start3A_172 = arith.constant 0 : i32
        %dma_start3A_173 = tpu.memref_slice %arg2[%dma_start3A_171, %dma_start3A_172] : memref<10000x128xf32, #tpu.memory_space<hbm>> -> memref<10000x128xf32, #tpu.memory_space<hbm>>
        tpu.enqueue_indirect_dma source(%dma_start3A_173 : memref<10000x128xf32, #tpu.memory_space<hbm>>) target(%arg14 : memref<128x128xf32, #tpu.memory_space<vmem>>) offsets(%arg8 : memref<128xi32, #tpu.memory_space<vmem>>) semaphore(%arg19 : memref<!tpu.dma_semaphore, #tpu.memory_space<semaphore_mem>>)
      } else {
      }
      %scan3A_148 = arith.constant 0 : i32
      scf.yield %scan3A_148 : i32
    }
    %scan3A_58 = arith.constant 26 : i32
    %dma_wait3A_59 = arith.constant 0 : i32
    %dma_wait3A_60 = arith.constant 0 : i32
    %dma_wait3A_61 = tpu.memref_slice %arg2[%dma_wait3A_59, %dma_wait3A_60] : memref<10000x128xf32, #tpu.memory_space<hbm>> -> memref<10000x128xf32, #tpu.memory_space<hbm>>
    tpu.wait_indirect_dma semaphore(%arg19 : memref<!tpu.dma_semaphore, #tpu.memory_space<semaphore_mem>>) src(%dma_wait3A_61 : memref<10000x128xf32, #tpu.memory_space<hbm>>) dst(%arg14 : memref<128x128xf32, #tpu.memory_space<vmem>>)
    %dma_start3A_62 = arith.constant 0 : i32
    %dma_start3A_63 = arith.constant 0 : i32
    %dma_start3A_64 = tpu.memref_slice %arg6[%dma_start3A_62, %dma_start3A_63] : memref<10112x128xf32, #tpu.memory_space<vmem_shared>> -> memref<10112x128xf32, #tpu.memory_space<vmem_shared>>
    tpu.enqueue_indirect_dma source(%arg14 : memref<128x128xf32, #tpu.memory_space<vmem>>) target(%dma_start3A_64 : memref<10112x128xf32, #tpu.memory_space<vmem_shared>>) offsets(%arg11 : memref<128xi32, #tpu.memory_space<vmem>>) semaphore(%arg22 : memref<!tpu.dma_semaphore, #tpu.memory_space<semaphore_mem>>) {add = true}
    %dma_wait3A_65 = arith.constant 0 : i32
    %dma_wait3A_66 = arith.constant 0 : i32
    %dma_wait3A_67 = tpu.memref_slice %arg6[%dma_wait3A_65, %dma_wait3A_66] : memref<10112x128xf32, #tpu.memory_space<vmem_shared>> -> memref<10112x128xf32, #tpu.memory_space<vmem_shared>>
    tpu.wait_indirect_dma semaphore(%arg21 : memref<!tpu.dma_semaphore, #tpu.memory_space<semaphore_mem>>) src(%arg13 : memref<128x128xf32, #tpu.memory_space<vmem>>) dst(%dma_wait3A_67 : memref<10112x128xf32, #tpu.memory_space<vmem_shared>>)
    %dma_wait3A_68 = arith.constant 0 : i32
    %dma_wait3A_69 = arith.constant 0 : i32
    %dma_wait3A_70 = tpu.memref_slice %arg2[%dma_wait3A_68, %dma_wait3A_69] : memref<10000x128xf32, #tpu.memory_space<hbm>> -> memref<10000x128xf32, #tpu.memory_space<hbm>>
    tpu.wait_indirect_dma semaphore(%arg20 : memref<!tpu.dma_semaphore, #tpu.memory_space<semaphore_mem>>) src(%dma_wait3A_70 : memref<10000x128xf32, #tpu.memory_space<hbm>>) dst(%arg15 : memref<128x128xf32, #tpu.memory_space<vmem>>)
    %dma_start3A_71 = arith.constant 0 : i32
    %dma_start3A_72 = arith.constant 0 : i32
    %dma_start3A_73 = tpu.memref_slice %arg6[%dma_start3A_71, %dma_start3A_72] : memref<10112x128xf32, #tpu.memory_space<vmem_shared>> -> memref<10112x128xf32, #tpu.memory_space<vmem_shared>>
    tpu.enqueue_indirect_dma source(%arg15 : memref<128x128xf32, #tpu.memory_space<vmem>>) target(%dma_start3A_73 : memref<10112x128xf32, #tpu.memory_space<vmem_shared>>) offsets(%arg12 : memref<128xi32, #tpu.memory_space<vmem>>) semaphore(%arg23 : memref<!tpu.dma_semaphore, #tpu.memory_space<semaphore_mem>>) {add = true}
    %dma_wait3A_74 = arith.constant 0 : i32
    %dma_wait3A_75 = arith.constant 0 : i32
    %dma_wait3A_76 = tpu.memref_slice %arg6[%dma_wait3A_74, %dma_wait3A_75] : memref<10112x128xf32, #tpu.memory_space<vmem_shared>> -> memref<10112x128xf32, #tpu.memory_space<vmem_shared>>
    tpu.wait_indirect_dma semaphore(%arg22 : memref<!tpu.dma_semaphore, #tpu.memory_space<semaphore_mem>>) src(%arg14 : memref<128x128xf32, #tpu.memory_space<vmem>>) dst(%dma_wait3A_76 : memref<10112x128xf32, #tpu.memory_space<vmem_shared>>)
    %dma_wait3A_77 = arith.constant 0 : i32
    %dma_wait3A_78 = arith.constant 0 : i32
    %dma_wait3A_79 = tpu.memref_slice %arg6[%dma_wait3A_77, %dma_wait3A_78] : memref<10112x128xf32, #tpu.memory_space<vmem_shared>> -> memref<10112x128xf32, #tpu.memory_space<vmem_shared>>
    tpu.wait_indirect_dma semaphore(%arg23 : memref<!tpu.dma_semaphore, #tpu.memory_space<semaphore_mem>>) src(%arg15 : memref<128x128xf32, #tpu.memory_space<vmem>>) dst(%dma_wait3A_79 : memref<10112x128xf32, #tpu.memory_space<vmem_shared>>)
    %add3A_80 = arith.constant 9984 : i32
    %add3A_81 = arith.addi %mul3A_20, %add3A_80 : i32
    "tpu.region"() ({
      %run_scoped3A = tpu.sem_alloc : memref<!tpu.dma_semaphore, #tpu.memory_space<semaphore_mem>>
      %dma_start3A_115 = tpu.memref_slice %arg3[%add3A_81] : memref<320000xi32, #tpu.memory_space<hbm>> -> memref<16xi32, #tpu.memory_space<hbm>>
      %dma_start3A_116 = tpu.memref_slice %arg3[%add3A_81] : memref<320000xi32, #tpu.memory_space<hbm>> -> memref<16xi32, #tpu.memory_space<hbm>>
      tpu.enqueue_dma source(%dma_start3A_116 : memref<16xi32, #tpu.memory_space<hbm>>) target(%arg16 : memref<16xi32, #tpu.memory_space<vmem>>) target_semaphore(%run_scoped3A : memref<!tpu.dma_semaphore, #tpu.memory_space<semaphore_mem>>)
      %dma_wait3A_117 = tpu.memref_slice %arg3[%add3A_81] : memref<320000xi32, #tpu.memory_space<hbm>> -> memref<16xi32, #tpu.memory_space<hbm>>
      %dma_wait3A_118 = tpu.memref_slice %arg3[%add3A_81] : memref<320000xi32, #tpu.memory_space<hbm>> -> memref<16xi32, #tpu.memory_space<hbm>>
      tpu.wait_dma2 semaphore(%run_scoped3A : memref<!tpu.dma_semaphore, #tpu.memory_space<semaphore_mem>>) src(%dma_wait3A_118 : memref<16xi32, #tpu.memory_space<hbm>>) dst(%arg16 : memref<16xi32, #tpu.memory_space<vmem>>)
      tpu.yield
    }) : () -> ()
    "tpu.region"() ({
      %run_scoped3A = tpu.sem_alloc : memref<!tpu.dma_semaphore, #tpu.memory_space<semaphore_mem>>
      %dma_start3A_115 = tpu.memref_slice %arg4[%add3A_81] : memref<320000xi32, #tpu.memory_space<hbm>> -> memref<16xi32, #tpu.memory_space<hbm>>
      %dma_start3A_116 = tpu.memref_slice %arg4[%add3A_81] : memref<320000xi32, #tpu.memory_space<hbm>> -> memref<16xi32, #tpu.memory_space<hbm>>
      tpu.enqueue_dma source(%dma_start3A_116 : memref<16xi32, #tpu.memory_space<hbm>>) target(%arg17 : memref<16xi32, #tpu.memory_space<vmem>>) target_semaphore(%run_scoped3A : memref<!tpu.dma_semaphore, #tpu.memory_space<semaphore_mem>>)
      %dma_wait3A_117 = tpu.memref_slice %arg4[%add3A_81] : memref<320000xi32, #tpu.memory_space<hbm>> -> memref<16xi32, #tpu.memory_space<hbm>>
      %dma_wait3A_118 = tpu.memref_slice %arg4[%add3A_81] : memref<320000xi32, #tpu.memory_space<hbm>> -> memref<16xi32, #tpu.memory_space<hbm>>
      tpu.wait_dma2 semaphore(%run_scoped3A : memref<!tpu.dma_semaphore, #tpu.memory_space<semaphore_mem>>) src(%dma_wait3A_118 : memref<16xi32, #tpu.memory_space<hbm>>) dst(%arg17 : memref<16xi32, #tpu.memory_space<vmem>>)
      tpu.yield
    }) : () -> ()
    %dma_start3A_82 = arith.constant 0 : i32
    %dma_start3A_83 = arith.constant 0 : i32
    %dma_start3A_84 = tpu.memref_slice %arg13[%dma_start3A_82, %dma_start3A_83] : memref<128x128xf32, #tpu.memory_space<vmem>> -> memref<16x128xf32, #tpu.memory_space<vmem>>
    %dma_start3A_85 = arith.constant 0 : i32
    %dma_start3A_86 = arith.constant 0 : i32
    %dma_start3A_87 = tpu.memref_slice %arg2[%dma_start3A_85, %dma_start3A_86] : memref<10000x128xf32, #tpu.memory_space<hbm>> -> memref<10000x128xf32, #tpu.memory_space<hbm>>
    tpu.enqueue_indirect_dma source(%dma_start3A_87 : memref<10000x128xf32, #tpu.memory_space<hbm>>) target(%dma_start3A_84 : memref<16x128xf32, #tpu.memory_space<vmem>>) offsets(%arg16 : memref<16xi32, #tpu.memory_space<vmem>>) semaphore(%arg18 : memref<!tpu.dma_semaphore, #tpu.memory_space<semaphore_mem>>)
    %dma_wait3A_88 = arith.constant 0 : i32
    %dma_wait3A_89 = arith.constant 0 : i32
    %dma_wait3A_90 = tpu.memref_slice %arg13[%dma_wait3A_88, %dma_wait3A_89] : memref<128x128xf32, #tpu.memory_space<vmem>> -> memref<16x128xf32, #tpu.memory_space<vmem>>
    %dma_wait3A_91 = arith.constant 0 : i32
    %dma_wait3A_92 = arith.constant 0 : i32
    %dma_wait3A_93 = tpu.memref_slice %arg2[%dma_wait3A_91, %dma_wait3A_92] : memref<10000x128xf32, #tpu.memory_space<hbm>> -> memref<10000x128xf32, #tpu.memory_space<hbm>>
    tpu.wait_indirect_dma semaphore(%arg18 : memref<!tpu.dma_semaphore, #tpu.memory_space<semaphore_mem>>) src(%dma_wait3A_93 : memref<10000x128xf32, #tpu.memory_space<hbm>>) dst(%dma_wait3A_90 : memref<16x128xf32, #tpu.memory_space<vmem>>)
    "tpu.region"() ({
      %run_scoped3A = tpu.sem_alloc : memref<!tpu.dma_semaphore, #tpu.memory_space<semaphore_mem>>
      %dma_start3A_115 = arith.constant 0 : i32
      %dma_start3A_116 = arith.constant 0 : i32
      %dma_start3A_117 = tpu.memref_slice %arg13[%dma_start3A_115, %dma_start3A_116] : memref<128x128xf32, #tpu.memory_space<vmem>> -> memref<16x128xf32, #tpu.memory_space<vmem>>
      %dma_start3A_118 = arith.constant 0 : i32
      %dma_start3A_119 = arith.constant 0 : i32
      %dma_start3A_120 = tpu.memref_slice %arg6[%dma_start3A_118, %dma_start3A_119] : memref<10112x128xf32, #tpu.memory_space<vmem_shared>> -> memref<10112x128xf32, #tpu.memory_space<vmem_shared>>
      tpu.enqueue_indirect_dma source(%dma_start3A_117 : memref<16x128xf32, #tpu.memory_space<vmem>>) target(%dma_start3A_120 : memref<10112x128xf32, #tpu.memory_space<vmem_shared>>) offsets(%arg17 : memref<16xi32, #tpu.memory_space<vmem>>) semaphore(%run_scoped3A : memref<!tpu.dma_semaphore, #tpu.memory_space<semaphore_mem>>) {add = true}
      %dma_wait3A_121 = arith.constant 0 : i32
      %dma_wait3A_122 = arith.constant 0 : i32
      %dma_wait3A_123 = tpu.memref_slice %arg13[%dma_wait3A_121, %dma_wait3A_122] : memref<128x128xf32, #tpu.memory_space<vmem>> -> memref<16x128xf32, #tpu.memory_space<vmem>>
      %dma_wait3A_124 = arith.constant 0 : i32
      %dma_wait3A_125 = arith.constant 0 : i32
      %dma_wait3A_126 = tpu.memref_slice %arg6[%dma_wait3A_124, %dma_wait3A_125] : memref<10112x128xf32, #tpu.memory_space<vmem_shared>> -> memref<10112x128xf32, #tpu.memory_space<vmem_shared>>
      tpu.wait_indirect_dma semaphore(%run_scoped3A : memref<!tpu.dma_semaphore, #tpu.memory_space<semaphore_mem>>) src(%dma_wait3A_123 : memref<16x128xf32, #tpu.memory_space<vmem>>) dst(%dma_wait3A_126 : memref<10112x128xf32, #tpu.memory_space<vmem_shared>>)
      tpu.yield
    }) : () -> ()
    %barrier3A_94 = arith.constant 0 : index
    tpu.barrier barrier_id(%barrier3A_94)
    %add3A_95 = arith.constant 0 : i32
    %add3A_96 = arith.addi %mul3A_8, %add3A_95 : i32
    "tpu.region"() ({
      %run_scoped3A = tpu.sem_alloc : memref<!tpu.dma_semaphore, #tpu.memory_space<semaphore_mem>>
      %dma_start3A_115 = arith.constant 0 : i32
      %dma_start3A_116 = tpu.memref_slice %arg6[%add3A_96, %dma_start3A_115] : memref<10112x128xf32, #tpu.memory_space<vmem_shared>> -> memref<128x128xf32, #tpu.memory_space<vmem_shared>>
      %dma_start3A_117 = arith.constant 0 : i32
      %dma_start3A_118 = tpu.memref_slice %arg6[%add3A_96, %dma_start3A_117] : memref<10112x128xf32, #tpu.memory_space<vmem_shared>> -> memref<128x128xf32, #tpu.memory_space<vmem_shared>>
      tpu.enqueue_dma source(%dma_start3A_118 : memref<128x128xf32, #tpu.memory_space<vmem_shared>>) target(%arg13 : memref<128x128xf32, #tpu.memory_space<vmem>>) target_semaphore(%run_scoped3A : memref<!tpu.dma_semaphore, #tpu.memory_space<semaphore_mem>>)
      %dma_wait3A_119 = arith.constant 0 : i32
      %dma_wait3A_120 = tpu.memref_slice %arg6[%add3A_96, %dma_wait3A_119] : memref<10112x128xf32, #tpu.memory_space<vmem_shared>> -> memref<128x128xf32, #tpu.memory_space<vmem_shared>>
      %dma_wait3A_121 = arith.constant 0 : i32
      %dma_wait3A_122 = tpu.memref_slice %arg6[%add3A_96, %dma_wait3A_121] : memref<10112x128xf32, #tpu.memory_space<vmem_shared>> -> memref<128x128xf32, #tpu.memory_space<vmem_shared>>
      tpu.wait_dma2 semaphore(%run_scoped3A : memref<!tpu.dma_semaphore, #tpu.memory_space<semaphore_mem>>) src(%dma_wait3A_122 : memref<128x128xf32, #tpu.memory_space<vmem_shared>>) dst(%arg13 : memref<128x128xf32, #tpu.memory_space<vmem>>)
      tpu.yield
    }) : () -> ()
    %add3A_97 = arith.constant 0 : i32
    %add3A_98 = arith.addi %mul3A_8, %add3A_97 : i32
    "tpu.region"() ({
      %run_scoped3A = tpu.sem_alloc : memref<!tpu.dma_semaphore, #tpu.memory_space<semaphore_mem>>
      %dma_start3A_115 = arith.constant 0 : i32
      %dma_start3A_116 = tpu.memref_slice %arg5[%arg0, %add3A_98, %dma_start3A_115] : memref<2x10112x128xf32, #tpu.memory_space<hbm>> -> memref<1x128x128xf32, #tpu.memory_space<hbm>>
      %dma_start3A_117 = tpu.memref_squeeze %dma_start3A_116 : memref<1x128x128xf32, #tpu.memory_space<hbm>> -> memref<128x128xf32, #tpu.memory_space<hbm>>
      %dma_start3A_118 = arith.constant 0 : i32
      %dma_start3A_119 = tpu.memref_slice %arg5[%arg0, %add3A_98, %dma_start3A_118] : memref<2x10112x128xf32, #tpu.memory_space<hbm>> -> memref<1x128x128xf32, #tpu.memory_space<hbm>>
      %dma_start3A_120 = tpu.memref_squeeze %dma_start3A_119 : memref<1x128x128xf32, #tpu.memory_space<hbm>> -> memref<128x128xf32, #tpu.memory_space<hbm>>
      tpu.enqueue_dma source(%arg13 : memref<128x128xf32, #tpu.memory_space<vmem>>) target(%dma_start3A_120 : memref<128x128xf32, #tpu.memory_space<hbm>>) target_semaphore(%run_scoped3A : memref<!tpu.dma_semaphore, #tpu.memory_space<semaphore_mem>>)
      %dma_wait3A_121 = arith.constant 0 : i32
      %dma_wait3A_122 = tpu.memref_slice %arg5[%arg0, %add3A_98, %dma_wait3A_121] : memref<2x10112x128xf32, #tpu.memory_space<hbm>> -> memref<1x128x128xf32, #tpu.memory_space<hbm>>
      %dma_wait3A_123 = tpu.memref_squeeze %dma_wait3A_122 : memref<1x128x128xf32, #tpu.memory_space<hbm>> -> memref<128x128xf32, #tpu.memory_space<hbm>>
      %dma_wait3A_124 = arith.constant 0 : i32
      %dma_wait3A_125 = tpu.memref_slice %arg5[%arg0, %add3A_98, %dma_wait3A_124] : memref<2x10112x128xf32, #tpu.memory_space<hbm>> -> memref<1x128x128xf32, #tpu.memory_space<hbm>>
      %dma_wait3A_126 = tpu.memref_squeeze %dma_wait3A_125 : memref<1x128x128xf32, #tpu.memory_space<hbm>> -> memref<128x128xf32, #tpu.memory_space<hbm>>
      tpu.wait_dma2 semaphore(%run_scoped3A : memref<!tpu.dma_semaphore, #tpu.memory_space<semaphore_mem>>) src(%arg13 : memref<128x128xf32, #tpu.memory_space<vmem>>) dst(%dma_wait3A_126 : memref<128x128xf32, #tpu.memory_space<hbm>>)
      tpu.yield
    }) : () -> ()
    %add3A_99 = arith.constant 128 : i32
    %add3A_100 = arith.addi %mul3A_8, %add3A_99 : i32
    "tpu.region"() ({
      %run_scoped3A = tpu.sem_alloc : memref<!tpu.dma_semaphore, #tpu.memory_space<semaphore_mem>>
      %dma_start3A_115 = arith.constant 0 : i32
      %dma_start3A_116 = tpu.memref_slice %arg6[%add3A_100, %dma_start3A_115] : memref<10112x128xf32, #tpu.memory_space<vmem_shared>> -> memref<128x128xf32, #tpu.memory_space<vmem_shared>>
      %dma_start3A_117 = arith.constant 0 : i32
      %dma_start3A_118 = tpu.memref_slice %arg6[%add3A_100, %dma_start3A_117] : memref<10112x128xf32, #tpu.memory_space<vmem_shared>> -> memref<128x128xf32, #tpu.memory_space<vmem_shared>>
      tpu.enqueue_dma source(%dma_start3A_118 : memref<128x128xf32, #tpu.memory_space<vmem_shared>>) target(%arg13 : memref<128x128xf32, #tpu.memory_space<vmem>>) target_semaphore(%run_scoped3A : memref<!tpu.dma_semaphore, #tpu.memory_space<semaphore_mem>>)
      %dma_wait3A_119 = arith.constant 0 : i32
      %dma_wait3A_120 = tpu.memref_slice %arg6[%add3A_100, %dma_wait3A_119] : memref<10112x128xf32, #tpu.memory_space<vmem_shared>> -> memref<128x128xf32, #tpu.memory_space<vmem_shared>>
      %dma_wait3A_121 = arith.constant 0 : i32
      %dma_wait3A_122 = tpu.memref_slice %arg6[%add3A_100, %dma_wait3A_121] : memref<10112x128xf32, #tpu.memory_space<vmem_shared>> -> memref<128x128xf32, #tpu.memory_space<vmem_shared>>
      tpu.wait_dma2 semaphore(%run_scoped3A : memref<!tpu.dma_semaphore, #tpu.memory_space<semaphore_mem>>) src(%dma_wait3A_122 : memref<128x128xf32, #tpu.memory_space<vmem_shared>>) dst(%arg13 : memref<128x128xf32, #tpu.memory_space<vmem>>)
      tpu.yield
    }) : () -> ()
    %add3A_101 = arith.constant 128 : i32
    %add3A_102 = arith.addi %mul3A_8, %add3A_101 : i32
    "tpu.region"() ({
      %run_scoped3A = tpu.sem_alloc : memref<!tpu.dma_semaphore, #tpu.memory_space<semaphore_mem>>
      %dma_start3A_115 = arith.constant 0 : i32
      %dma_start3A_116 = tpu.memref_slice %arg5[%arg0, %add3A_102, %dma_start3A_115] : memref<2x10112x128xf32, #tpu.memory_space<hbm>> -> memref<1x128x128xf32, #tpu.memory_space<hbm>>
      %dma_start3A_117 = tpu.memref_squeeze %dma_start3A_116 : memref<1x128x128xf32, #tpu.memory_space<hbm>> -> memref<128x128xf32, #tpu.memory_space<hbm>>
      %dma_start3A_118 = arith.constant 0 : i32
      %dma_start3A_119 = tpu.memref_slice %arg5[%arg0, %add3A_102, %dma_start3A_118] : memref<2x10112x128xf32, #tpu.memory_space<hbm>> -> memref<1x128x128xf32, #tpu.memory_space<hbm>>
      %dma_start3A_120 = tpu.memref_squeeze %dma_start3A_119 : memref<1x128x128xf32, #tpu.memory_space<hbm>> -> memref<128x128xf32, #tpu.memory_space<hbm>>
      tpu.enqueue_dma source(%arg13 : memref<128x128xf32, #tpu.memory_space<vmem>>) target(%dma_start3A_120 : memref<128x128xf32, #tpu.memory_space<hbm>>) target_semaphore(%run_scoped3A : memref<!tpu.dma_semaphore, #tpu.memory_space<semaphore_mem>>)
      %dma_wait3A_121 = arith.constant 0 : i32
      %dma_wait3A_122 = tpu.memref_slice %arg5[%arg0, %add3A_102, %dma_wait3A_121] : memref<2x10112x128xf32, #tpu.memory_space<hbm>> -> memref<1x128x128xf32, #tpu.memory_space<hbm>>
      %dma_wait3A_123 = tpu.memref_squeeze %dma_wait3A_122 : memref<1x128x128xf32, #tpu.memory_space<hbm>> -> memref<128x128xf32, #tpu.memory_space<hbm>>
      %dma_wait3A_124 = arith.constant 0 : i32
      %dma_wait3A_125 = tpu.memref_slice %arg5[%arg0, %add3A_102, %dma_wait3A_124] : memref<2x10112x128xf32, #tpu.memory_space<hbm>> -> memref<1x128x128xf32, #tpu.memory_space<hbm>>
      %dma_wait3A_126 = tpu.memref_squeeze %dma_wait3A_125 : memref<1x128x128xf32, #tpu.memory_space<hbm>> -> memref<128x128xf32, #tpu.memory_space<hbm>>
      tpu.wait_dma2 semaphore(%run_scoped3A : memref<!tpu.dma_semaphore, #tpu.memory_space<semaphore_mem>>) src(%arg13 : memref<128x128xf32, #tpu.memory_space<vmem>>) dst(%dma_wait3A_126 : memref<128x128xf32, #tpu.memory_space<hbm>>)
      tpu.yield
    }) : () -> ()
    %add3A_103 = arith.constant 256 : i32
    %add3A_104 = arith.addi %mul3A_8, %add3A_103 : i32
    "tpu.region"() ({
      %run_scoped3A = tpu.sem_alloc : memref<!tpu.dma_semaphore, #tpu.memory_space<semaphore_mem>>
      %dma_start3A_115 = arith.constant 0 : i32
      %dma_start3A_116 = tpu.memref_slice %arg6[%add3A_104, %dma_start3A_115] : memref<10112x128xf32, #tpu.memory_space<vmem_shared>> -> memref<128x128xf32, #tpu.memory_space<vmem_shared>>
      %dma_start3A_117 = arith.constant 0 : i32
      %dma_start3A_118 = tpu.memref_slice %arg6[%add3A_104, %dma_start3A_117] : memref<10112x128xf32, #tpu.memory_space<vmem_shared>> -> memref<128x128xf32, #tpu.memory_space<vmem_shared>>
      tpu.enqueue_dma source(%dma_start3A_118 : memref<128x128xf32, #tpu.memory_space<vmem_shared>>) target(%arg13 : memref<128x128xf32, #tpu.memory_space<vmem>>) target_semaphore(%run_scoped3A : memref<!tpu.dma_semaphore, #tpu.memory_space<semaphore_mem>>)
      %dma_wait3A_119 = arith.constant 0 : i32
      %dma_wait3A_120 = tpu.memref_slice %arg6[%add3A_104, %dma_wait3A_119] : memref<10112x128xf32, #tpu.memory_space<vmem_shared>> -> memref<128x128xf32, #tpu.memory_space<vmem_shared>>
      %dma_wait3A_121 = arith.constant 0 : i32
      %dma_wait3A_122 = tpu.memref_slice %arg6[%add3A_104, %dma_wait3A_121] : memref<10112x128xf32, #tpu.memory_space<vmem_shared>> -> memref<128x128xf32, #tpu.memory_space<vmem_shared>>
      tpu.wait_dma2 semaphore(%run_scoped3A : memref<!tpu.dma_semaphore, #tpu.memory_space<semaphore_mem>>) src(%dma_wait3A_122 : memref<128x128xf32, #tpu.memory_space<vmem_shared>>) dst(%arg13 : memref<128x128xf32, #tpu.memory_space<vmem>>)
      tpu.yield
    }) : () -> ()
    %add3A_105 = arith.constant 256 : i32
    %add3A_106 = arith.addi %mul3A_8, %add3A_105 : i32
    "tpu.region"() ({
      %run_scoped3A = tpu.sem_alloc : memref<!tpu.dma_semaphore, #tpu.memory_space<semaphore_mem>>
      %dma_start3A_115 = arith.constant 0 : i32
      %dma_start3A_116 = tpu.memref_slice %arg5[%arg0, %add3A_106, %dma_start3A_115] : memref<2x10112x128xf32, #tpu.memory_space<hbm>> -> memref<1x128x128xf32, #tpu.memory_space<hbm>>
      %dma_start3A_117 = tpu.memref_squeeze %dma_start3A_116 : memref<1x128x128xf32, #tpu.memory_space<hbm>> -> memref<128x128xf32, #tpu.memory_space<hbm>>
      %dma_start3A_118 = arith.constant 0 : i32
      %dma_start3A_119 = tpu.memref_slice %arg5[%arg0, %add3A_106, %dma_start3A_118] : memref<2x10112x128xf32, #tpu.memory_space<hbm>> -> memref<1x128x128xf32, #tpu.memory_space<hbm>>
      %dma_start3A_120 = tpu.memref_squeeze %dma_start3A_119 : memref<1x128x128xf32, #tpu.memory_space<hbm>> -> memref<128x128xf32, #tpu.memory_space<hbm>>
      tpu.enqueue_dma source(%arg13 : memref<128x128xf32, #tpu.memory_space<vmem>>) target(%dma_start3A_120 : memref<128x128xf32, #tpu.memory_space<hbm>>) target_semaphore(%run_scoped3A : memref<!tpu.dma_semaphore, #tpu.memory_space<semaphore_mem>>)
      %dma_wait3A_121 = arith.constant 0 : i32
      %dma_wait3A_122 = tpu.memref_slice %arg5[%arg0, %add3A_106, %dma_wait3A_121] : memref<2x10112x128xf32, #tpu.memory_space<hbm>> -> memref<1x128x128xf32, #tpu.memory_space<hbm>>
      %dma_wait3A_123 = tpu.memref_squeeze %dma_wait3A_122 : memref<1x128x128xf32, #tpu.memory_space<hbm>> -> memref<128x128xf32, #tpu.memory_space<hbm>>
      %dma_wait3A_124 = arith.constant 0 : i32
      %dma_wait3A_125 = tpu.memref_slice %arg5[%arg0, %add3A_106, %dma_wait3A_124] : memref<2x10112x128xf32, #tpu.memory_space<hbm>> -> memref<1x128x128xf32, #tpu.memory_space<hbm>>
      %dma_wait3A_126 = tpu.memref_squeeze %dma_wait3A_125 : memref<1x128x128xf32, #tpu.memory_space<hbm>> -> memref<128x128xf32, #tpu.memory_space<hbm>>
      tpu.wait_dma2 semaphore(%run_scoped3A : memref<!tpu.dma_semaphore, #tpu.memory_space<semaphore_mem>>) src(%arg13 : memref<128x128xf32, #tpu.memory_space<vmem>>) dst(%dma_wait3A_126 : memref<128x128xf32, #tpu.memory_space<hbm>>)
      tpu.yield
    }) : () -> ()
    %add3A_107 = arith.constant 384 : i32
    %add3A_108 = arith.addi %mul3A_8, %add3A_107 : i32
    "tpu.region"() ({
      %run_scoped3A = tpu.sem_alloc : memref<!tpu.dma_semaphore, #tpu.memory_space<semaphore_mem>>
      %dma_start3A_115 = arith.constant 0 : i32
      %dma_start3A_116 = tpu.memref_slice %arg6[%add3A_108, %dma_start3A_115] : memref<10112x128xf32, #tpu.memory_space<vmem_shared>> -> memref<128x128xf32, #tpu.memory_space<vmem_shared>>
      %dma_start3A_117 = arith.constant 0 : i32
      %dma_start3A_118 = tpu.memref_slice %arg6[%add3A_108, %dma_start3A_117] : memref<10112x128xf32, #tpu.memory_space<vmem_shared>> -> memref<128x128xf32, #tpu.memory_space<vmem_shared>>
      tpu.enqueue_dma source(%dma_start3A_118 : memref<128x128xf32, #tpu.memory_space<vmem_shared>>) target(%arg13 : memref<128x128xf32, #tpu.memory_space<vmem>>) target_semaphore(%run_scoped3A : memref<!tpu.dma_semaphore, #tpu.memory_space<semaphore_mem>>)
      %dma_wait3A_119 = arith.constant 0 : i32
      %dma_wait3A_120 = tpu.memref_slice %arg6[%add3A_108, %dma_wait3A_119] : memref<10112x128xf32, #tpu.memory_space<vmem_shared>> -> memref<128x128xf32, #tpu.memory_space<vmem_shared>>
      %dma_wait3A_121 = arith.constant 0 : i32
      %dma_wait3A_122 = tpu.memref_slice %arg6[%add3A_108, %dma_wait3A_121] : memref<10112x128xf32, #tpu.memory_space<vmem_shared>> -> memref<128x128xf32, #tpu.memory_space<vmem_shared>>
      tpu.wait_dma2 semaphore(%run_scoped3A : memref<!tpu.dma_semaphore, #tpu.memory_space<semaphore_mem>>) src(%dma_wait3A_122 : memref<128x128xf32, #tpu.memory_space<vmem_shared>>) dst(%arg13 : memref<128x128xf32, #tpu.memory_space<vmem>>)
      tpu.yield
    }) : () -> ()
    %add3A_109 = arith.constant 384 : i32
    %add3A_110 = arith.addi %mul3A_8, %add3A_109 : i32
    "tpu.region"() ({
      %run_scoped3A = tpu.sem_alloc : memref<!tpu.dma_semaphore, #tpu.memory_space<semaphore_mem>>
      %dma_start3A_115 = arith.constant 0 : i32
      %dma_start3A_116 = tpu.memref_slice %arg5[%arg0, %add3A_110, %dma_start3A_115] : memref<2x10112x128xf32, #tpu.memory_space<hbm>> -> memref<1x128x128xf32, #tpu.memory_space<hbm>>
      %dma_start3A_117 = tpu.memref_squeeze %dma_start3A_116 : memref<1x128x128xf32, #tpu.memory_space<hbm>> -> memref<128x128xf32, #tpu.memory_space<hbm>>
      %dma_start3A_118 = arith.constant 0 : i32
      %dma_start3A_119 = tpu.memref_slice %arg5[%arg0, %add3A_110, %dma_start3A_118] : memref<2x10112x128xf32, #tpu.memory_space<hbm>> -> memref<1x128x128xf32, #tpu.memory_space<hbm>>
      %dma_start3A_120 = tpu.memref_squeeze %dma_start3A_119 : memref<1x128x128xf32, #tpu.memory_space<hbm>> -> memref<128x128xf32, #tpu.memory_space<hbm>>
      tpu.enqueue_dma source(%arg13 : memref<128x128xf32, #tpu.memory_space<vmem>>) target(%dma_start3A_120 : memref<128x128xf32, #tpu.memory_space<hbm>>) target_semaphore(%run_scoped3A : memref<!tpu.dma_semaphore, #tpu.memory_space<semaphore_mem>>)
      %dma_wait3A_121 = arith.constant 0 : i32
      %dma_wait3A_122 = tpu.memref_slice %arg5[%arg0, %add3A_110, %dma_wait3A_121] : memref<2x10112x128xf32, #tpu.memory_space<hbm>> -> memref<1x128x128xf32, #tpu.memory_space<hbm>>
      %dma_wait3A_123 = tpu.memref_squeeze %dma_wait3A_122 : memref<1x128x128xf32, #tpu.memory_space<hbm>> -> memref<128x128xf32, #tpu.memory_space<hbm>>
      %dma_wait3A_124 = arith.constant 0 : i32
      %dma_wait3A_125 = tpu.memref_slice %arg5[%arg0, %add3A_110, %dma_wait3A_124] : memref<2x10112x128xf32, #tpu.memory_space<hbm>> -> memref<1x128x128xf32, #tpu.memory_space<hbm>>
      %dma_wait3A_126 = tpu.memref_squeeze %dma_wait3A_125 : memref<1x128x128xf32, #tpu.memory_space<hbm>> -> memref<128x128xf32, #tpu.memory_space<hbm>>
      tpu.wait_dma2 semaphore(%run_scoped3A : memref<!tpu.dma_semaphore, #tpu.memory_space<semaphore_mem>>) src(%arg13 : memref<128x128xf32, #tpu.memory_space<vmem>>) dst(%dma_wait3A_126 : memref<128x128xf32, #tpu.memory_space<hbm>>)
      tpu.yield
    }) : () -> ()
    %add3A_111 = arith.constant 512 : i32
    %add3A_112 = arith.addi %mul3A_8, %add3A_111 : i32
    "tpu.region"() ({
      %run_scoped3A = tpu.sem_alloc : memref<!tpu.dma_semaphore, #tpu.memory_space<semaphore_mem>>
      %dma_start3A_115 = arith.constant 0 : i32
      %dma_start3A_116 = arith.constant 0 : i32
      %dma_start3A_117 = tpu.memref_slice %arg13[%dma_start3A_115, %dma_start3A_116] : memref<128x128xf32, #tpu.memory_space<vmem>> -> memref<120x128xf32, #tpu.memory_space<vmem>>
      %dma_start3A_118 = arith.constant 0 : i32
      %dma_start3A_119 = tpu.memref_slice %arg6[%add3A_112, %dma_start3A_118] : memref<10112x128xf32, #tpu.memory_space<vmem_shared>> -> memref<120x128xf32, #tpu.memory_space<vmem_shared>>
      %dma_start3A_120 = arith.constant 0 : i32
      %dma_start3A_121 = arith.constant 0 : i32
      %dma_start3A_122 = tpu.memref_slice %arg13[%dma_start3A_120, %dma_start3A_121] : memref<128x128xf32, #tpu.memory_space<vmem>> -> memref<120x128xf32, #tpu.memory_space<vmem>>
      %dma_start3A_123 = arith.constant 0 : i32
      %dma_start3A_124 = tpu.memref_slice %arg6[%add3A_112, %dma_start3A_123] : memref<10112x128xf32, #tpu.memory_space<vmem_shared>> -> memref<120x128xf32, #tpu.memory_space<vmem_shared>>
      tpu.enqueue_dma source(%dma_start3A_124 : memref<120x128xf32, #tpu.memory_space<vmem_shared>>) target(%dma_start3A_122 : memref<120x128xf32, #tpu.memory_space<vmem>>) target_semaphore(%run_scoped3A : memref<!tpu.dma_semaphore, #tpu.memory_space<semaphore_mem>>)
      %dma_wait3A_125 = arith.constant 0 : i32
      %dma_wait3A_126 = arith.constant 0 : i32
      %dma_wait3A_127 = tpu.memref_slice %arg13[%dma_wait3A_125, %dma_wait3A_126] : memref<128x128xf32, #tpu.memory_space<vmem>> -> memref<120x128xf32, #tpu.memory_space<vmem>>
      %dma_wait3A_128 = arith.constant 0 : i32
      %dma_wait3A_129 = tpu.memref_slice %arg6[%add3A_112, %dma_wait3A_128] : memref<10112x128xf32, #tpu.memory_space<vmem_shared>> -> memref<120x128xf32, #tpu.memory_space<vmem_shared>>
      %dma_wait3A_130 = arith.constant 0 : i32
      %dma_wait3A_131 = arith.constant 0 : i32
      %dma_wait3A_132 = tpu.memref_slice %arg13[%dma_wait3A_130, %dma_wait3A_131] : memref<128x128xf32, #tpu.memory_space<vmem>> -> memref<120x128xf32, #tpu.memory_space<vmem>>
      %dma_wait3A_133 = arith.constant 0 : i32
      %dma_wait3A_134 = tpu.memref_slice %arg6[%add3A_112, %dma_wait3A_133] : memref<10112x128xf32, #tpu.memory_space<vmem_shared>> -> memref<120x128xf32, #tpu.memory_space<vmem_shared>>
      tpu.wait_dma2 semaphore(%run_scoped3A : memref<!tpu.dma_semaphore, #tpu.memory_space<semaphore_mem>>) src(%dma_wait3A_134 : memref<120x128xf32, #tpu.memory_space<vmem_shared>>) dst(%dma_wait3A_132 : memref<120x128xf32, #tpu.memory_space<vmem>>)
      tpu.yield
    }) : () -> ()
    %add3A_113 = arith.constant 512 : i32
    %add3A_114 = arith.addi %mul3A_8, %add3A_113 : i32
    "tpu.region"() ({
      %run_scoped3A = tpu.sem_alloc : memref<!tpu.dma_semaphore, #tpu.memory_space<semaphore_mem>>
      %dma_start3A_115 = arith.constant 0 : i32
      %dma_start3A_116 = arith.constant 0 : i32
      %dma_start3A_117 = tpu.memref_slice %arg13[%dma_start3A_115, %dma_start3A_116] : memref<128x128xf32, #tpu.memory_space<vmem>> -> memref<120x128xf32, #tpu.memory_space<vmem>>
      %dma_start3A_118 = arith.constant 0 : i32
      %dma_start3A_119 = tpu.memref_slice %arg5[%arg0, %add3A_114, %dma_start3A_118] : memref<2x10112x128xf32, #tpu.memory_space<hbm>> -> memref<1x120x128xf32, #tpu.memory_space<hbm>>
      %dma_start3A_120 = tpu.memref_squeeze %dma_start3A_119 : memref<1x120x128xf32, #tpu.memory_space<hbm>> -> memref<120x128xf32, #tpu.memory_space<hbm>>
      %dma_start3A_121 = arith.constant 0 : i32
      %dma_start3A_122 = tpu.memref_slice %arg5[%arg0, %add3A_114, %dma_start3A_121] : memref<2x10112x128xf32, #tpu.memory_space<hbm>> -> memref<1x120x128xf32, #tpu.memory_space<hbm>>
      %dma_start3A_123 = tpu.memref_squeeze %dma_start3A_122 : memref<1x120x128xf32, #tpu.memory_space<hbm>> -> memref<120x128xf32, #tpu.memory_space<hbm>>
      %dma_start3A_124 = arith.constant 0 : i32
      %dma_start3A_125 = arith.constant 0 : i32
      %dma_start3A_126 = tpu.memref_slice %arg13[%dma_start3A_124, %dma_start3A_125] : memref<128x128xf32, #tpu.memory_space<vmem>> -> memref<120x128xf32, #tpu.memory_space<vmem>>
      tpu.enqueue_dma source(%dma_start3A_126 : memref<120x128xf32, #tpu.memory_space<vmem>>) target(%dma_start3A_123 : memref<120x128xf32, #tpu.memory_space<hbm>>) target_semaphore(%run_scoped3A : memref<!tpu.dma_semaphore, #tpu.memory_space<semaphore_mem>>)
      %dma_wait3A_127 = arith.constant 0 : i32
      %dma_wait3A_128 = arith.constant 0 : i32
      %dma_wait3A_129 = tpu.memref_slice %arg13[%dma_wait3A_127, %dma_wait3A_128] : memref<128x128xf32, #tpu.memory_space<vmem>> -> memref<120x128xf32, #tpu.memory_space<vmem>>
      %dma_wait3A_130 = arith.constant 0 : i32
      %dma_wait3A_131 = tpu.memref_slice %arg5[%arg0, %add3A_114, %dma_wait3A_130] : memref<2x10112x128xf32, #tpu.memory_space<hbm>> -> memref<1x120x128xf32, #tpu.memory_space<hbm>>
      %dma_wait3A_132 = tpu.memref_squeeze %dma_wait3A_131 : memref<1x120x128xf32, #tpu.memory_space<hbm>> -> memref<120x128xf32, #tpu.memory_space<hbm>>
      %dma_wait3A_133 = arith.constant 0 : i32
      %dma_wait3A_134 = tpu.memref_slice %arg5[%arg0, %add3A_114, %dma_wait3A_133] : memref<2x10112x128xf32, #tpu.memory_space<hbm>> -> memref<1x120x128xf32, #tpu.memory_space<hbm>>
      %dma_wait3A_135 = tpu.memref_squeeze %dma_wait3A_134 : memref<1x120x128xf32, #tpu.memory_space<hbm>> -> memref<120x128xf32, #tpu.memory_space<hbm>>
      %dma_wait3A_136 = arith.constant 0 : i32
      %dma_wait3A_137 = arith.constant 0 : i32
      %dma_wait3A_138 = tpu.memref_slice %arg13[%dma_wait3A_136, %dma_wait3A_137] : memref<128x128xf32, #tpu.memory_space<vmem>> -> memref<120x128xf32, #tpu.memory_space<vmem>>
      tpu.wait_dma2 semaphore(%run_scoped3A : memref<!tpu.dma_semaphore, #tpu.memory_space<semaphore_mem>>) src(%dma_wait3A_138 : memref<120x128xf32, #tpu.memory_space<vmem>>) dst(%dma_wait3A_135 : memref<120x128xf32, #tpu.memory_space<hbm>>)
      tpu.yield
    }) : () -> ()
    return
  }
}

#map = affine_map<(d0, d1) -> (0, 0)>
#map1 = affine_map<(d0, d1) -> (0)>
#map2 = affine_map<(d0, d1) -> (0, 0, 0)>
module attributes {stable_mosaic.version = 14 : i64} {
  func.func @_agg_kernel(%arg0: i32, %arg1: i32, %arg2: memref<10000x128xf32, #tpu.memory_space<hbm>>, %arg3: memref<320000xi32, #tpu.memory_space<hbm>>, %arg4: memref<320000xi32, #tpu.memory_space<hbm>>, %arg5: memref<2x10112x128xf32, #tpu.memory_space<hbm>>, %arg6: memref<10112x128xf32, #tpu.memory_space<vmem_shared>>, %arg7: memref<128xi32, #tpu.memory_space<vmem>>, %arg8: memref<128xi32, #tpu.memory_space<vmem>>, %arg9: memref<128xi32, #tpu.memory_space<vmem>>, %arg10: memref<128xi32, #tpu.memory_space<vmem>>, %arg11: memref<128xi32, #tpu.memory_space<vmem>>, %arg12: memref<128xi32, #tpu.memory_space<vmem>>, %arg13: memref<128x128xf32, #tpu.memory_space<vmem>>, %arg14: memref<128x128xf32, #tpu.memory_space<vmem>>, %arg15: memref<128x128xf32, #tpu.memory_space<vmem>>, %arg16: memref<16xi32, #tpu.memory_space<vmem>>, %arg17: memref<16xi32, #tpu.memory_space<vmem>>, %arg18: memref<!tpu.dma_semaphore, #tpu.memory_space<semaphore_mem>>, %arg19: memref<!tpu.dma_semaphore, #tpu.memory_space<semaphore_mem>>, %arg20: memref<!tpu.dma_semaphore, #tpu.memory_space<semaphore_mem>>, %arg21: memref<!tpu.dma_semaphore, #tpu.memory_space<semaphore_mem>>, %arg22: memref<!tpu.dma_semaphore, #tpu.memory_space<semaphore_mem>>, %arg23: memref<!tpu.dma_semaphore, #tpu.memory_space<semaphore_mem>>, %arg24: memref<!tpu.dma_semaphore, #tpu.memory_space<semaphore_mem>>, %arg25: memref<!tpu.dma_semaphore, #tpu.memory_space<semaphore_mem>>) attributes {dimension_semantics = [#tpu.dimension_semantics<core_parallel>, #tpu.dimension_semantics<subcore_parallel>], iteration_bounds = array<i64: 2, 16>, scalar_prefetch = 0 : i64, scratch_operands = 20 : i64, tpu.core_type = #tpu.core_type<sc_vector_subcore>, window_params = [{transform_indices = #map}, {transform_indices = #map1}, {transform_indices = #map1}, {transform_indices = #map2}]} {
    %mul3A = arith.constant 2 : i32
    %mul3A_0 = arith.muli %arg1, %mul3A : i32
    %add3A = arith.addi %mul3A_0, %arg0 : i32
    %scan3A = arith.constant 0 : i32
    %scan3A_1 = arith.constant 0 : i32
    %scan3A_2 = arith.constant 128 : i32
    %scan3A_3 = arith.addi %scan3A_1, %scan3A_2 : i32
    %scan3A_4 = arith.constant 1 : i32
    %scan3A_5 = scf.for %scan3A_115 = %scan3A_1 to %scan3A_3 step %scan3A_4 iter_args(%scan3A_116 = %scan3A) -> (i32)  : i32 {
      %scan3A_117 = arith.constant 0 : i32
      %scan3A_118 = arith.constant 0 : i32
      %scan3A_119 = arith.constant 8 : i32
      %scan3A_120 = arith.addi %scan3A_118, %scan3A_119 : i32
      %scan3A_121 = arith.constant 1 : i32
      %scan3A_122 = scf.for %scan3A_125 = %scan3A_118 to %scan3A_120 step %scan3A_121 iter_args(%scan3A_126 = %scan3A_117) -> (i32)  : i32 {
        %broadcast_in_dim3A = arith.constant 0.000000e+00 : f32
        %broadcast_in_dim3A_127 = vector.broadcast %broadcast_in_dim3A : f32 to vector<16xf32>
        %mul3A_128 = arith.constant 16 : i32
        %mul3A_129 = arith.muli %scan3A_125, %mul3A_128 : i32
        %swap3A = arith.index_cast %scan3A_115 : i32 to index
        %swap3A_130 = arith.index_cast %mul3A_129 : i32 to index
        %swap3A_131 = tpu.vector_load %arg13[%swap3A, %swap3A_130] {strides = array<i32>} : memref<128x128xf32, #tpu.memory_space<vmem>>, vector<1x16xf32>,
        %swap3A_132 = vector.shape_cast %swap3A_131 : vector<1x16xf32> to vector<16xf32>
        %swap3A_133 = vector.shape_cast %broadcast_in_dim3A_127 : vector<16xf32> to vector<1x16xf32>
        tpu.vector_store %arg13[%swap3A, %swap3A_130], %swap3A_133 {strides = array<i32>} : memref<128x128xf32, #tpu.memory_space<vmem>>, vector<1x16xf32>,
        %scan3A_134 = arith.constant 0 : i32
        scf.yield %scan3A_134 : i32
      }
      %scan3A_123 = arith.constant 8 : i32
      %scan3A_124 = arith.constant 0 : i32
      scf.yield %scan3A_124 : i32
    }
    %scan3A_6 = arith.constant 128 : i32
    %mul3A_7 = arith.constant 632 : i32
    %mul3A_8 = arith.muli %arg1, %mul3A_7 : i32
    %add3A_9 = arith.constant 0 : i32
    %add3A_10 = arith.addi %mul3A_8, %add3A_9 : i32
    "tpu.region"() ({
      %run_scoped3A = tpu.sem_alloc : memref<!tpu.dma_semaphore, #tpu.memory_space<semaphore_mem>>
      %dma_start3A_115 = arith.constant 0 : i32
      %dma_start3A_116 = tpu.memref_slice %arg6[%add3A_10, %dma_start3A_115] : memref<10112x128xf32, #tpu.memory_space<vmem_shared>> -> memref<128x128xf32, #tpu.memory_space<vmem_shared>>
      %dma_start3A_117 = arith.constant 0 : i32
      %dma_start3A_118 = tpu.memref_slice %arg6[%add3A_10, %dma_start3A_117] : memref<10112x128xf32, #tpu.memory_space<vmem_shared>> -> memref<128x128xf32, #tpu.memory_space<vmem_shared>>
      tpu.enqueue_dma source(%arg13 : memref<128x128xf32, #tpu.memory_space<vmem>>) target(%dma_start3A_118 : memref<128x128xf32, #tpu.memory_space<vmem_shared>>) target_semaphore(%run_scoped3A : memref<!tpu.dma_semaphore, #tpu.memory_space<semaphore_mem>>)
      %dma_wait3A_119 = arith.constant 0 : i32
      %dma_wait3A_120 = tpu.memref_slice %arg6[%add3A_10, %dma_wait3A_119] : memref<10112x128xf32, #tpu.memory_space<vmem_shared>> -> memref<128x128xf32, #tpu.memory_space<vmem_shared>>
      %dma_wait3A_121 = arith.constant 0 : i32
      %dma_wait3A_122 = tpu.memref_slice %arg6[%add3A_10, %dma_wait3A_121] : memref<10112x128xf32, #tpu.memory_space<vmem_shared>> -> memref<128x128xf32, #tpu.memory_space<vmem_shared>>
      tpu.wait_dma2 semaphore(%run_scoped3A : memref<!tpu.dma_semaphore, #tpu.memory_space<semaphore_mem>>) src(%arg13 : memref<128x128xf32, #tpu.memory_space<vmem>>) dst(%dma_wait3A_122 : memref<128x128xf32, #tpu.memory_space<vmem_shared>>)
      tpu.yield
    }) : () -> ()
    %add3A_11 = arith.constant 128 : i32
    %add3A_12 = arith.addi %mul3A_8, %add3A_11 : i32
    "tpu.region"() ({
      %run_scoped3A = tpu.sem_alloc : memref<!tpu.dma_semaphore, #tpu.memory_space<semaphore_mem>>
      %dma_start3A_115 = arith.constant 0 : i32
      %dma_start3A_116 = tpu.memref_slice %arg6[%add3A_12, %dma_start3A_115] : memref<10112x128xf32, #tpu.memory_space<vmem_shared>> -> memref<128x128xf32, #tpu.memory_space<vmem_shared>>
      %dma_start3A_117 = arith.constant 0 : i32
      %dma_start3A_118 = tpu.memref_slice %arg6[%add3A_12, %dma_start3A_117] : memref<10112x128xf32, #tpu.memory_space<vmem_shared>> -> memref<128x128xf32, #tpu.memory_space<vmem_shared>>
      tpu.enqueue_dma source(%arg13 : memref<128x128xf32, #tpu.memory_space<vmem>>) target(%dma_start3A_118 : memref<128x128xf32, #tpu.memory_space<vmem_shared>>) target_semaphore(%run_scoped3A : memref<!tpu.dma_semaphore, #tpu.memory_space<semaphore_mem>>)
      %dma_wait3A_119 = arith.constant 0 : i32
      %dma_wait3A_120 = tpu.memref_slice %arg6[%add3A_12, %dma_wait3A_119] : memref<10112x128xf32, #tpu.memory_space<vmem_shared>> -> memref<128x128xf32, #tpu.memory_space<vmem_shared>>
      %dma_wait3A_121 = arith.constant 0 : i32
      %dma_wait3A_122 = tpu.memref_slice %arg6[%add3A_12, %dma_wait3A_121] : memref<10112x128xf32, #tpu.memory_space<vmem_shared>> -> memref<128x128xf32, #tpu.memory_space<vmem_shared>>
      tpu.wait_dma2 semaphore(%run_scoped3A : memref<!tpu.dma_semaphore, #tpu.memory_space<semaphore_mem>>) src(%arg13 : memref<128x128xf32, #tpu.memory_space<vmem>>) dst(%dma_wait3A_122 : memref<128x128xf32, #tpu.memory_space<vmem_shared>>)
      tpu.yield
    }) : () -> ()
    %add3A_13 = arith.constant 256 : i32
    %add3A_14 = arith.addi %mul3A_8, %add3A_13 : i32
    "tpu.region"() ({
      %run_scoped3A = tpu.sem_alloc : memref<!tpu.dma_semaphore, #tpu.memory_space<semaphore_mem>>
      %dma_start3A_115 = arith.constant 0 : i32
      %dma_start3A_116 = tpu.memref_slice %arg6[%add3A_14, %dma_start3A_115] : memref<10112x128xf32, #tpu.memory_space<vmem_shared>> -> memref<128x128xf32, #tpu.memory_space<vmem_shared>>
      %dma_start3A_117 = arith.constant 0 : i32
      %dma_start3A_118 = tpu.memref_slice %arg6[%add3A_14, %dma_start3A_117] : memref<10112x128xf32, #tpu.memory_space<vmem_shared>> -> memref<128x128xf32, #tpu.memory_space<vmem_shared>>
      tpu.enqueue_dma source(%arg13 : memref<128x128xf32, #tpu.memory_space<vmem>>) target(%dma_start3A_118 : memref<128x128xf32, #tpu.memory_space<vmem_shared>>) target_semaphore(%run_scoped3A : memref<!tpu.dma_semaphore, #tpu.memory_space<semaphore_mem>>)
      %dma_wait3A_119 = arith.constant 0 : i32
      %dma_wait3A_120 = tpu.memref_slice %arg6[%add3A_14, %dma_wait3A_119] : memref<10112x128xf32, #tpu.memory_space<vmem_shared>> -> memref<128x128xf32, #tpu.memory_space<vmem_shared>>
      %dma_wait3A_121 = arith.constant 0 : i32
      %dma_wait3A_122 = tpu.memref_slice %arg6[%add3A_14, %dma_wait3A_121] : memref<10112x128xf32, #tpu.memory_space<vmem_shared>> -> memref<128x128xf32, #tpu.memory_space<vmem_shared>>
      tpu.wait_dma2 semaphore(%run_scoped3A : memref<!tpu.dma_semaphore, #tpu.memory_space<semaphore_mem>>) src(%arg13 : memref<128x128xf32, #tpu.memory_space<vmem>>) dst(%dma_wait3A_122 : memref<128x128xf32, #tpu.memory_space<vmem_shared>>)
      tpu.yield
    }) : () -> ()
    %add3A_15 = arith.constant 384 : i32
    %add3A_16 = arith.addi %mul3A_8, %add3A_15 : i32
    "tpu.region"() ({
      %run_scoped3A = tpu.sem_alloc : memref<!tpu.dma_semaphore, #tpu.memory_space<semaphore_mem>>
      %dma_start3A_115 = arith.constant 0 : i32
      %dma_start3A_116 = tpu.memref_slice %arg6[%add3A_16, %dma_start3A_115] : memref<10112x128xf32, #tpu.memory_space<vmem_shared>> -> memref<128x128xf32, #tpu.memory_space<vmem_shared>>
      %dma_start3A_117 = arith.constant 0 : i32
      %dma_start3A_118 = tpu.memref_slice %arg6[%add3A_16, %dma_start3A_117] : memref<10112x128xf32, #tpu.memory_space<vmem_shared>> -> memref<128x128xf32, #tpu.memory_space<vmem_shared>>
      tpu.enqueue_dma source(%arg13 : memref<128x128xf32, #tpu.memory_space<vmem>>) target(%dma_start3A_118 : memref<128x128xf32, #tpu.memory_space<vmem_shared>>) target_semaphore(%run_scoped3A : memref<!tpu.dma_semaphore, #tpu.memory_space<semaphore_mem>>)
      %dma_wait3A_119 = arith.constant 0 : i32
      %dma_wait3A_120 = tpu.memref_slice %arg6[%add3A_16, %dma_wait3A_119] : memref<10112x128xf32, #tpu.memory_space<vmem_shared>> -> memref<128x128xf32, #tpu.memory_space<vmem_shared>>
      %dma_wait3A_121 = arith.constant 0 : i32
      %dma_wait3A_122 = tpu.memref_slice %arg6[%add3A_16, %dma_wait3A_121] : memref<10112x128xf32, #tpu.memory_space<vmem_shared>> -> memref<128x128xf32, #tpu.memory_space<vmem_shared>>
      tpu.wait_dma2 semaphore(%run_scoped3A : memref<!tpu.dma_semaphore, #tpu.memory_space<semaphore_mem>>) src(%arg13 : memref<128x128xf32, #tpu.memory_space<vmem>>) dst(%dma_wait3A_122 : memref<128x128xf32, #tpu.memory_space<vmem_shared>>)
      tpu.yield
    }) : () -> ()
    %add3A_17 = arith.constant 512 : i32
    %add3A_18 = arith.addi %mul3A_8, %add3A_17 : i32
    "tpu.region"() ({
      %run_scoped3A = tpu.sem_alloc : memref<!tpu.dma_semaphore, #tpu.memory_space<semaphore_mem>>
      %dma_start3A_115 = arith.constant 0 : i32
      %dma_start3A_116 = arith.constant 0 : i32
      %dma_start3A_117 = tpu.memref_slice %arg13[%dma_start3A_115, %dma_start3A_116] : memref<128x128xf32, #tpu.memory_space<vmem>> -> memref<120x128xf32, #tpu.memory_space<vmem>>
      %dma_start3A_118 = arith.constant 0 : i32
      %dma_start3A_119 = tpu.memref_slice %arg6[%add3A_18, %dma_start3A_118] : memref<10112x128xf32, #tpu.memory_space<vmem_shared>> -> memref<120x128xf32, #tpu.memory_space<vmem_shared>>
      %dma_start3A_120 = arith.constant 0 : i32
      %dma_start3A_121 = tpu.memref_slice %arg6[%add3A_18, %dma_start3A_120] : memref<10112x128xf32, #tpu.memory_space<vmem_shared>> -> memref<120x128xf32, #tpu.memory_space<vmem_shared>>
      %dma_start3A_122 = arith.constant 0 : i32
      %dma_start3A_123 = arith.constant 0 : i32
      %dma_start3A_124 = tpu.memref_slice %arg13[%dma_start3A_122, %dma_start3A_123] : memref<128x128xf32, #tpu.memory_space<vmem>> -> memref<120x128xf32, #tpu.memory_space<vmem>>
      tpu.enqueue_dma source(%dma_start3A_124 : memref<120x128xf32, #tpu.memory_space<vmem>>) target(%dma_start3A_121 : memref<120x128xf32, #tpu.memory_space<vmem_shared>>) target_semaphore(%run_scoped3A : memref<!tpu.dma_semaphore, #tpu.memory_space<semaphore_mem>>)
      %dma_wait3A_125 = arith.constant 0 : i32
      %dma_wait3A_126 = arith.constant 0 : i32
      %dma_wait3A_127 = tpu.memref_slice %arg13[%dma_wait3A_125, %dma_wait3A_126] : memref<128x128xf32, #tpu.memory_space<vmem>> -> memref<120x128xf32, #tpu.memory_space<vmem>>
      %dma_wait3A_128 = arith.constant 0 : i32
      %dma_wait3A_129 = tpu.memref_slice %arg6[%add3A_18, %dma_wait3A_128] : memref<10112x128xf32, #tpu.memory_space<vmem_shared>> -> memref<120x128xf32, #tpu.memory_space<vmem_shared>>
      %dma_wait3A_130 = arith.constant 0 : i32
      %dma_wait3A_131 = tpu.memref_slice %arg6[%add3A_18, %dma_wait3A_130] : memref<10112x128xf32, #tpu.memory_space<vmem_shared>> -> memref<120x128xf32, #tpu.memory_space<vmem_shared>>
      %dma_wait3A_132 = arith.constant 0 : i32
      %dma_wait3A_133 = arith.constant 0 : i32
      %dma_wait3A_134 = tpu.memref_slice %arg13[%dma_wait3A_132, %dma_wait3A_133] : memref<128x128xf32, #tpu.memory_space<vmem>> -> memref<120x128xf32, #tpu.memory_space<vmem>>
      tpu.wait_dma2 semaphore(%run_scoped3A : memref<!tpu.dma_semaphore, #tpu.memory_space<semaphore_mem>>) src(%dma_wait3A_134 : memref<120x128xf32, #tpu.memory_space<vmem>>) dst(%dma_wait3A_131 : memref<120x128xf32, #tpu.memory_space<vmem_shared>>)
      tpu.yield
    }) : () -> ()
    %barrier3A = arith.constant 0 : index
    tpu.barrier barrier_id(%barrier3A)
    %mul3A_19 = arith.constant 10000 : i32
    %mul3A_20 = arith.muli %add3A, %mul3A_19 : i32
    %add3A_21 = arith.constant 0 : i32
    %add3A_22 = arith.addi %mul3A_20, %add3A_21 : i32
    "tpu.region"() ({
      %run_scoped3A = tpu.sem_alloc : memref<!tpu.dma_semaphore, #tpu.memory_space<semaphore_mem>>
      %dma_start3A_115 = tpu.memref_slice %arg3[%add3A_22] : memref<320000xi32, #tpu.memory_space<hbm>> -> memref<128xi32, #tpu.memory_space<hbm>>
      %dma_start3A_116 = tpu.memref_slice %arg3[%add3A_22] : memref<320000xi32, #tpu.memory_space<hbm>> -> memref<128xi32, #tpu.memory_space<hbm>>
      tpu.enqueue_dma source(%dma_start3A_116 : memref<128xi32, #tpu.memory_space<hbm>>) target(%arg7 : memref<128xi32, #tpu.memory_space<vmem>>) target_semaphore(%run_scoped3A : memref<!tpu.dma_semaphore, #tpu.memory_space<semaphore_mem>>)
      %dma_wait3A_117 = tpu.memref_slice %arg3[%add3A_22] : memref<320000xi32, #tpu.memory_space<hbm>> -> memref<128xi32, #tpu.memory_space<hbm>>
      %dma_wait3A_118 = tpu.memref_slice %arg3[%add3A_22] : memref<320000xi32, #tpu.memory_space<hbm>> -> memref<128xi32, #tpu.memory_space<hbm>>
      tpu.wait_dma2 semaphore(%run_scoped3A : memref<!tpu.dma_semaphore, #tpu.memory_space<semaphore_mem>>) src(%dma_wait3A_118 : memref<128xi32, #tpu.memory_space<hbm>>) dst(%arg7 : memref<128xi32, #tpu.memory_space<vmem>>)
      tpu.yield
    }) : () -> ()
    %add3A_23 = arith.constant 0 : i32
    %add3A_24 = arith.addi %mul3A_20, %add3A_23 : i32
    "tpu.region"() ({
      %run_scoped3A = tpu.sem_alloc : memref<!tpu.dma_semaphore, #tpu.memory_space<semaphore_mem>>
      %dma_start3A_115 = tpu.memref_slice %arg4[%add3A_24] : memref<320000xi32, #tpu.memory_space<hbm>> -> memref<128xi32, #tpu.memory_space<hbm>>
      %dma_start3A_116 = tpu.memref_slice %arg4[%add3A_24] : memref<320000xi32, #tpu.memory_space<hbm>> -> memref<128xi32, #tpu.memory_space<hbm>>
      tpu.enqueue_dma source(%dma_start3A_116 : memref<128xi32, #tpu.memory_space<hbm>>) target(%arg10 : memref<128xi32, #tpu.memory_space<vmem>>) target_semaphore(%run_scoped3A : memref<!tpu.dma_semaphore, #tpu.memory_space<semaphore_mem>>)
      %dma_wait3A_117 = tpu.memref_slice %arg4[%add3A_24] : memref<320000xi32, #tpu.memory_space<hbm>> -> memref<128xi32, #tpu.memory_space<hbm>>
      %dma_wait3A_118 = tpu.memref_slice %arg4[%add3A_24] : memref<320000xi32, #tpu.memory_space<hbm>> -> memref<128xi32, #tpu.memory_space<hbm>>
      tpu.wait_dma2 semaphore(%run_scoped3A : memref<!tpu.dma_semaphore, #tpu.memory_space<semaphore_mem>>) src(%dma_wait3A_118 : memref<128xi32, #tpu.memory_space<hbm>>) dst(%arg10 : memref<128xi32, #tpu.memory_space<vmem>>)
      tpu.yield
    }) : () -> ()
    %dma_start3A = arith.constant 0 : i32
    %dma_start3A_25 = arith.constant 0 : i32
    %dma_start3A_26 = tpu.memref_slice %arg2[%dma_start3A, %dma_start3A_25] : memref<10000x128xf32, #tpu.memory_space<hbm>> -> memref<10000x128xf32, #tpu.memory_space<hbm>>
    tpu.enqueue_indirect_dma source(%dma_start3A_26 : memref<10000x128xf32, #tpu.memory_space<hbm>>) target(%arg13 : memref<128x128xf32, #tpu.memory_space<vmem>>) offsets(%arg7 : memref<128xi32, #tpu.memory_space<vmem>>) semaphore(%arg18 : memref<!tpu.dma_semaphore, #tpu.memory_space<semaphore_mem>>)
    %add3A_27 = arith.constant 128 : i32
    %add3A_28 = arith.addi %mul3A_20, %add3A_27 : i32
    "tpu.region"() ({
      %run_scoped3A = tpu.sem_alloc : memref<!tpu.dma_semaphore, #tpu.memory_space<semaphore_mem>>
      %dma_start3A_115 = tpu.memref_slice %arg3[%add3A_28] : memref<320000xi32, #tpu.memory_space<hbm>> -> memref<128xi32, #tpu.memory_space<hbm>>
      %dma_start3A_116 = tpu.memref_slice %arg3[%add3A_28] : memref<320000xi32, #tpu.memory_space<hbm>> -> memref<128xi32, #tpu.memory_space<hbm>>
      tpu.enqueue_dma source(%dma_start3A_116 : memref<128xi32, #tpu.memory_space<hbm>>) target(%arg8 : memref<128xi32, #tpu.memory_space<vmem>>) target_semaphore(%run_scoped3A : memref<!tpu.dma_semaphore, #tpu.memory_space<semaphore_mem>>)
      %dma_wait3A_117 = tpu.memref_slice %arg3[%add3A_28] : memref<320000xi32, #tpu.memory_space<hbm>> -> memref<128xi32, #tpu.memory_space<hbm>>
      %dma_wait3A_118 = tpu.memref_slice %arg3[%add3A_28] : memref<320000xi32, #tpu.memory_space<hbm>> -> memref<128xi32, #tpu.memory_space<hbm>>
      tpu.wait_dma2 semaphore(%run_scoped3A : memref<!tpu.dma_semaphore, #tpu.memory_space<semaphore_mem>>) src(%dma_wait3A_118 : memref<128xi32, #tpu.memory_space<hbm>>) dst(%arg8 : memref<128xi32, #tpu.memory_space<vmem>>)
      tpu.yield
    }) : () -> ()
    %add3A_29 = arith.constant 128 : i32
    %add3A_30 = arith.addi %mul3A_20, %add3A_29 : i32
    "tpu.region"() ({
      %run_scoped3A = tpu.sem_alloc : memref<!tpu.dma_semaphore, #tpu.memory_space<semaphore_mem>>
      %dma_start3A_115 = tpu.memref_slice %arg4[%add3A_30] : memref<320000xi32, #tpu.memory_space<hbm>> -> memref<128xi32, #tpu.memory_space<hbm>>
      %dma_start3A_116 = tpu.memref_slice %arg4[%add3A_30] : memref<320000xi32, #tpu.memory_space<hbm>> -> memref<128xi32, #tpu.memory_space<hbm>>
      tpu.enqueue_dma source(%dma_start3A_116 : memref<128xi32, #tpu.memory_space<hbm>>) target(%arg11 : memref<128xi32, #tpu.memory_space<vmem>>) target_semaphore(%run_scoped3A : memref<!tpu.dma_semaphore, #tpu.memory_space<semaphore_mem>>)
      %dma_wait3A_117 = tpu.memref_slice %arg4[%add3A_30] : memref<320000xi32, #tpu.memory_space<hbm>> -> memref<128xi32, #tpu.memory_space<hbm>>
      %dma_wait3A_118 = tpu.memref_slice %arg4[%add3A_30] : memref<320000xi32, #tpu.memory_space<hbm>> -> memref<128xi32, #tpu.memory_space<hbm>>
      tpu.wait_dma2 semaphore(%run_scoped3A : memref<!tpu.dma_semaphore, #tpu.memory_space<semaphore_mem>>) src(%dma_wait3A_118 : memref<128xi32, #tpu.memory_space<hbm>>) dst(%arg11 : memref<128xi32, #tpu.memory_space<vmem>>)
      tpu.yield
    }) : () -> ()
    %dma_start3A_31 = arith.constant 0 : i32
    %dma_start3A_32 = arith.constant 0 : i32
    %dma_start3A_33 = tpu.memref_slice %arg2[%dma_start3A_31, %dma_start3A_32] : memref<10000x128xf32, #tpu.memory_space<hbm>> -> memref<10000x128xf32, #tpu.memory_space<hbm>>
    tpu.enqueue_indirect_dma source(%dma_start3A_33 : memref<10000x128xf32, #tpu.memory_space<hbm>>) target(%arg14 : memref<128x128xf32, #tpu.memory_space<vmem>>) offsets(%arg8 : memref<128xi32, #tpu.memory_space<vmem>>) semaphore(%arg19 : memref<!tpu.dma_semaphore, #tpu.memory_space<semaphore_mem>>)
    %dma_wait3A = arith.constant 0 : i32
    %dma_wait3A_34 = arith.constant 0 : i32
    %dma_wait3A_35 = tpu.memref_slice %arg2[%dma_wait3A, %dma_wait3A_34] : memref<10000x128xf32, #tpu.memory_space<hbm>> -> memref<10000x128xf32, #tpu.memory_space<hbm>>
    tpu.wait_indirect_dma semaphore(%arg18 : memref<!tpu.dma_semaphore, #tpu.memory_space<semaphore_mem>>) src(%dma_wait3A_35 : memref<10000x128xf32, #tpu.memory_space<hbm>>) dst(%arg13 : memref<128x128xf32, #tpu.memory_space<vmem>>)
    %dma_start3A_36 = arith.constant 0 : i32
    %dma_start3A_37 = arith.constant 0 : i32
    %dma_start3A_38 = tpu.memref_slice %arg6[%dma_start3A_36, %dma_start3A_37] : memref<10112x128xf32, #tpu.memory_space<vmem_shared>> -> memref<10112x128xf32, #tpu.memory_space<vmem_shared>>
    tpu.enqueue_indirect_dma source(%arg13 : memref<128x128xf32, #tpu.memory_space<vmem>>) target(%dma_start3A_38 : memref<10112x128xf32, #tpu.memory_space<vmem_shared>>) offsets(%arg10 : memref<128xi32, #tpu.memory_space<vmem>>) semaphore(%arg21 : memref<!tpu.dma_semaphore, #tpu.memory_space<semaphore_mem>>) {add = true}
    %add3A_39 = arith.constant 256 : i32
    %add3A_40 = arith.addi %mul3A_20, %add3A_39 : i32
    %dma_start3A_41 = tpu.memref_slice %arg3[%add3A_40] : memref<320000xi32, #tpu.memory_space<hbm>> -> memref<128xi32, #tpu.memory_space<hbm>>
    %dma_start3A_42 = tpu.memref_slice %arg3[%add3A_40] : memref<320000xi32, #tpu.memory_space<hbm>> -> memref<128xi32, #tpu.memory_space<hbm>>
    tpu.enqueue_dma source(%dma_start3A_42 : memref<128xi32, #tpu.memory_space<hbm>>) target(%arg9 : memref<128xi32, #tpu.memory_space<vmem>>) target_semaphore(%arg24 : memref<!tpu.dma_semaphore, #tpu.memory_space<semaphore_mem>>)
    %dma_start3A_43 = tpu.memref_slice %arg4[%add3A_40] : memref<320000xi32, #tpu.memory_space<hbm>> -> memref<128xi32, #tpu.memory_space<hbm>>
    %dma_start3A_44 = tpu.memref_slice %arg4[%add3A_40] : memref<320000xi32, #tpu.memory_space<hbm>> -> memref<128xi32, #tpu.memory_space<hbm>>
    tpu.enqueue_dma source(%dma_start3A_44 : memref<128xi32, #tpu.memory_space<hbm>>) target(%arg12 : memref<128xi32, #tpu.memory_space<vmem>>) target_semaphore(%arg25 : memref<!tpu.dma_semaphore, #tpu.memory_space<semaphore_mem>>)
    %dma_wait3A_45 = tpu.memref_slice %arg3[%add3A_40] : memref<320000xi32, #tpu.memory_space<hbm>> -> memref<128xi32, #tpu.memory_space<hbm>>
    %dma_wait3A_46 = tpu.memref_slice %arg3[%add3A_40] : memref<320000xi32, #tpu.memory_space<hbm>> -> memref<128xi32, #tpu.memory_space<hbm>>
    tpu.wait_dma2 semaphore(%arg24 : memref<!tpu.dma_semaphore, #tpu.memory_space<semaphore_mem>>) src(%dma_wait3A_46 : memref<128xi32, #tpu.memory_space<hbm>>) dst(%arg9 : memref<128xi32, #tpu.memory_space<vmem>>)
    %dma_wait3A_47 = tpu.memref_slice %arg4[%add3A_40] : memref<320000xi32, #tpu.memory_space<hbm>> -> memref<128xi32, #tpu.memory_space<hbm>>
    %dma_wait3A_48 = tpu.memref_slice %arg4[%add3A_40] : memref<320000xi32, #tpu.memory_space<hbm>> -> memref<128xi32, #tpu.memory_space<hbm>>
    tpu.wait_dma2 semaphore(%arg25 : memref<!tpu.dma_semaphore, #tpu.memory_space<semaphore_mem>>) src(%dma_wait3A_48 : memref<128xi32, #tpu.memory_space<hbm>>) dst(%arg12 : memref<128xi32, #tpu.memory_space<vmem>>)
    %dma_start3A_49 = arith.constant 0 : i32
    %dma_start3A_50 = arith.constant 0 : i32
    %dma_start3A_51 = tpu.memref_slice %arg2[%dma_start3A_49, %dma_start3A_50] : memref<10000x128xf32, #tpu.memory_space<hbm>> -> memref<10000x128xf32, #tpu.memory_space<hbm>>
    tpu.enqueue_indirect_dma source(%dma_start3A_51 : memref<10000x128xf32, #tpu.memory_space<hbm>>) target(%arg15 : memref<128x128xf32, #tpu.memory_space<vmem>>) offsets(%arg9 : memref<128xi32, #tpu.memory_space<vmem>>) semaphore(%arg20 : memref<!tpu.dma_semaphore, #tpu.memory_space<semaphore_mem>>)
    %scan3A_52 = arith.constant 0 : i32
    %scan3A_53 = arith.constant 0 : i32
    %scan3A_54 = arith.constant 26 : i32
    %scan3A_55 = arith.addi %scan3A_53, %scan3A_54 : i32
    %scan3A_56 = arith.constant 1 : i32
    %scan3A_57 = scf.for %scan3A_115 = %scan3A_53 to %scan3A_55 step %scan3A_56 iter_args(%scan3A_116 = %scan3A_52) -> (i32)  : i32 {
      %mul3A_117 = arith.constant 3 : i32
      %mul3A_118 = arith.muli %mul3A_117, %scan3A_115 : i32
      %add3A_119 = arith.constant 0 : i32
      %add3A_120 = arith.addi %mul3A_118, %add3A_119 : i32
      %gt3A = arith.constant 0 : i32
      %gt3A_121 = arith.cmpi sgt, %add3A_120, %gt3A : i32
      %lt3A = arith.constant 76 : i32
      %lt3A_122 = arith.cmpi slt, %add3A_120, %lt3A : i32
      %and3A = arith.andi %gt3A_121, %lt3A_122 : i1
      %convert_element_type3A = arith.extui %and3A : i1 to i32
      %cond3A = arith.constant 0 : i32
      %cond3A_123 = arith.cmpi ne, %convert_element_type3A, %cond3A : i32
      scf.if %cond3A_123 {
        %dma_wait3A_149 = arith.constant 0 : i32
        %dma_wait3A_150 = arith.constant 0 : i32
        %dma_wait3A_151 = tpu.memref_slice %arg2[%dma_wait3A_149, %dma_wait3A_150] : memref<10000x128xf32, #tpu.memory_space<hbm>> -> memref<10000x128xf32, #tpu.memory_space<hbm>>
        tpu.wait_indirect_dma semaphore(%arg18 : memref<!tpu.dma_semaphore, #tpu.memory_space<semaphore_mem>>) src(%dma_wait3A_151 : memref<10000x128xf32, #tpu.memory_space<hbm>>) dst(%arg13 : memref<128x128xf32, #tpu.memory_space<vmem>>)
        %dma_start3A_152 = arith.constant 0 : i32
        %dma_start3A_153 = arith.constant 0 : i32
        %dma_start3A_154 = tpu.memref_slice %arg6[%dma_start3A_152, %dma_start3A_153] : memref<10112x128xf32, #tpu.memory_space<vmem_shared>> -> memref<10112x128xf32, #tpu.memory_space<vmem_shared>>
        tpu.enqueue_indirect_dma source(%arg13 : memref<128x128xf32, #tpu.memory_space<vmem>>) target(%dma_start3A_154 : memref<10112x128xf32, #tpu.memory_space<vmem_shared>>) offsets(%arg10 : memref<128xi32, #tpu.memory_space<vmem>>) semaphore(%arg21 : memref<!tpu.dma_semaphore, #tpu.memory_space<semaphore_mem>>) {add = true}
        %add3A_155 = arith.constant 2 : i32
        %add3A_156 = arith.addi %add3A_120, %add3A_155 : i32
        %mul3A_157 = arith.constant 128 : i32
        %mul3A_158 = arith.muli %add3A_156, %mul3A_157 : i32
        %add3A_159 = arith.addi %mul3A_20, %mul3A_158 : i32
        %dma_start3A_160 = tpu.memref_slice %arg3[%add3A_159] : memref<320000xi32, #tpu.memory_space<hbm>> -> memref<128xi32, #tpu.memory_space<hbm>>
        %dma_start3A_161 = tpu.memref_slice %arg3[%add3A_159] : memref<320000xi32, #tpu.memory_space<hbm>> -> memref<128xi32, #tpu.memory_space<hbm>>
        tpu.enqueue_dma source(%dma_start3A_161 : memref<128xi32, #tpu.memory_space<hbm>>) target(%arg9 : memref<128xi32, #tpu.memory_space<vmem>>) target_semaphore(%arg24 : memref<!tpu.dma_semaphore, #tpu.memory_space<semaphore_mem>>)
        %dma_wait3A_162 = arith.constant 0 : i32
        %dma_wait3A_163 = arith.constant 0 : i32
        %dma_wait3A_164 = tpu.memref_slice %arg6[%dma_wait3A_162, %dma_wait3A_163] : memref<10112x128xf32, #tpu.memory_space<vmem_shared>> -> memref<10112x128xf32, #tpu.memory_space<vmem_shared>>
        tpu.wait_indirect_dma semaphore(%arg23 : memref<!tpu.dma_semaphore, #tpu.memory_space<semaphore_mem>>) src(%arg15 : memref<128x128xf32, #tpu.memory_space<vmem>>) dst(%dma_wait3A_164 : memref<10112x128xf32, #tpu.memory_space<vmem_shared>>)
        %dma_start3A_165 = tpu.memref_slice %arg4[%add3A_159] : memref<320000xi32, #tpu.memory_space<hbm>> -> memref<128xi32, #tpu.memory_space<hbm>>
        %dma_start3A_166 = tpu.memref_slice %arg4[%add3A_159] : memref<320000xi32, #tpu.memory_space<hbm>> -> memref<128xi32, #tpu.memory_space<hbm>>
        tpu.enqueue_dma source(%dma_start3A_166 : memref<128xi32, #tpu.memory_space<hbm>>) target(%arg12 : memref<128xi32, #tpu.memory_space<vmem>>) target_semaphore(%arg25 : memref<!tpu.dma_semaphore, #tpu.memory_space<semaphore_mem>>)
        %dma_wait3A_167 = tpu.memref_slice %arg3[%add3A_159] : memref<320000xi32, #tpu.memory_space<hbm>> -> memref<128xi32, #tpu.memory_space<hbm>>
        %dma_wait3A_168 = tpu.memref_slice %arg3[%add3A_159] : memref<320000xi32, #tpu.memory_space<hbm>> -> memref<128xi32, #tpu.memory_space<hbm>>
        tpu.wait_dma2 semaphore(%arg24 : memref<!tpu.dma_semaphore, #tpu.memory_space<semaphore_mem>>) src(%dma_wait3A_168 : memref<128xi32, #tpu.memory_space<hbm>>) dst(%arg9 : memref<128xi32, #tpu.memory_space<vmem>>)
        %dma_wait3A_169 = tpu.memref_slice %arg4[%add3A_159] : memref<320000xi32, #tpu.memory_space<hbm>> -> memref<128xi32, #tpu.memory_space<hbm>>
        %dma_wait3A_170 = tpu.memref_slice %arg4[%add3A_159] : memref<320000xi32, #tpu.memory_space<hbm>> -> memref<128xi32, #tpu.memory_space<hbm>>
        tpu.wait_dma2 semaphore(%arg25 : memref<!tpu.dma_semaphore, #tpu.memory_space<semaphore_mem>>) src(%dma_wait3A_170 : memref<128xi32, #tpu.memory_space<hbm>>) dst(%arg12 : memref<128xi32, #tpu.memory_space<vmem>>)
        %dma_start3A_171 = arith.constant 0 : i32
        %dma_start3A_172 = arith.constant 0 : i32
        %dma_start3A_173 = tpu.memref_slice %arg2[%dma_start3A_171, %dma_start3A_172] : memref<10000x128xf32, #tpu.memory_space<hbm>> -> memref<10000x128xf32, #tpu.memory_space<hbm>>
        tpu.enqueue_indirect_dma source(%dma_start3A_173 : memref<10000x128xf32, #tpu.memory_space<hbm>>) target(%arg15 : memref<128x128xf32, #tpu.memory_space<vmem>>) offsets(%arg9 : memref<128xi32, #tpu.memory_space<vmem>>) semaphore(%arg20 : memref<!tpu.dma_semaphore, #tpu.memory_space<semaphore_mem>>)
      } else {
      }
      %mul3A_124 = arith.constant 3 : i32
      %mul3A_125 = arith.muli %mul3A_124, %scan3A_115 : i32
      %add3A_126 = arith.constant 1 : i32
      %add3A_127 = arith.addi %mul3A_125, %add3A_126 : i32
      %gt3A_128 = arith.constant 0 : i32
      %gt3A_129 = arith.cmpi sgt, %add3A_127, %gt3A_128 : i32
      %lt3A_130 = arith.constant 76 : i32
      %lt3A_131 = arith.cmpi slt, %add3A_127, %lt3A_130 : i32
      %and3A_132 = arith.andi %gt3A_129, %lt3A_131 : i1
      %convert_element_type3A_133 = arith.extui %and3A_132 : i1 to i32
      %cond3A_134 = arith.constant 0 : i32
      %cond3A_135 = arith.cmpi ne, %convert_element_type3A_133, %cond3A_134 : i32
      scf.if %cond3A_135 {
        %dma_wait3A_149 = arith.constant 0 : i32
        %dma_wait3A_150 = arith.constant 0 : i32
        %dma_wait3A_151 = tpu.memref_slice %arg2[%dma_wait3A_149, %dma_wait3A_150] : memref<10000x128xf32, #tpu.memory_space<hbm>> -> memref<10000x128xf32, #tpu.memory_space<hbm>>
        tpu.wait_indirect_dma semaphore(%arg19 : memref<!tpu.dma_semaphore, #tpu.memory_space<semaphore_mem>>) src(%dma_wait3A_151 : memref<10000x128xf32, #tpu.memory_space<hbm>>) dst(%arg14 : memref<128x128xf32, #tpu.memory_space<vmem>>)
        %dma_start3A_152 = arith.constant 0 : i32
        %dma_start3A_153 = arith.constant 0 : i32
        %dma_start3A_154 = tpu.memref_slice %arg6[%dma_start3A_152, %dma_start3A_153] : memref<10112x128xf32, #tpu.memory_space<vmem_shared>> -> memref<10112x128xf32, #tpu.memory_space<vmem_shared>>
        tpu.enqueue_indirect_dma source(%arg14 : memref<128x128xf32, #tpu.memory_space<vmem>>) target(%dma_start3A_154 : memref<10112x128xf32, #tpu.memory_space<vmem_shared>>) offsets(%arg11 : memref<128xi32, #tpu.memory_space<vmem>>) semaphore(%arg22 : memref<!tpu.dma_semaphore, #tpu.memory_space<semaphore_mem>>) {add = true}
        %add3A_155 = arith.constant 2 : i32
        %add3A_156 = arith.addi %add3A_127, %add3A_155 : i32
        %mul3A_157 = arith.constant 128 : i32
        %mul3A_158 = arith.muli %add3A_156, %mul3A_157 : i32
        %add3A_159 = arith.addi %mul3A_20, %mul3A_158 : i32
        %dma_start3A_160 = tpu.memref_slice %arg3[%add3A_159] : memref<320000xi32, #tpu.memory_space<hbm>> -> memref<128xi32, #tpu.memory_space<hbm>>
        %dma_start3A_161 = tpu.memref_slice %arg3[%add3A_159] : memref<320000xi32, #tpu.memory_space<hbm>> -> memref<128xi32, #tpu.memory_space<hbm>>
        tpu.enqueue_dma source(%dma_start3A_161 : memref<128xi32, #tpu.memory_space<hbm>>) target(%arg7 : memref<128xi32, #tpu.memory_space<vmem>>) target_semaphore(%arg24 : memref<!tpu.dma_semaphore, #tpu.memory_space<semaphore_mem>>)
        %dma_wait3A_162 = arith.constant 0 : i32
        %dma_wait3A_163 = arith.constant 0 : i32
        %dma_wait3A_164 = tpu.memref_slice %arg6[%dma_wait3A_162, %dma_wait3A_163] : memref<10112x128xf32, #tpu.memory_space<vmem_shared>> -> memref<10112x128xf32, #tpu.memory_space<vmem_shared>>
        tpu.wait_indirect_dma semaphore(%arg21 : memref<!tpu.dma_semaphore, #tpu.memory_space<semaphore_mem>>) src(%arg13 : memref<128x128xf32, #tpu.memory_space<vmem>>) dst(%dma_wait3A_164 : memref<10112x128xf32, #tpu.memory_space<vmem_shared>>)
        %dma_start3A_165 = tpu.memref_slice %arg4[%add3A_159] : memref<320000xi32, #tpu.memory_space<hbm>> -> memref<128xi32, #tpu.memory_space<hbm>>
        %dma_start3A_166 = tpu.memref_slice %arg4[%add3A_159] : memref<320000xi32, #tpu.memory_space<hbm>> -> memref<128xi32, #tpu.memory_space<hbm>>
        tpu.enqueue_dma source(%dma_start3A_166 : memref<128xi32, #tpu.memory_space<hbm>>) target(%arg10 : memref<128xi32, #tpu.memory_space<vmem>>) target_semaphore(%arg25 : memref<!tpu.dma_semaphore, #tpu.memory_space<semaphore_mem>>)
        %dma_wait3A_167 = tpu.memref_slice %arg3[%add3A_159] : memref<320000xi32, #tpu.memory_space<hbm>> -> memref<128xi32, #tpu.memory_space<hbm>>
        %dma_wait3A_168 = tpu.memref_slice %arg3[%add3A_159] : memref<320000xi32, #tpu.memory_space<hbm>> -> memref<128xi32, #tpu.memory_space<hbm>>
        tpu.wait_dma2 semaphore(%arg24 : memref<!tpu.dma_semaphore, #tpu.memory_space<semaphore_mem>>) src(%dma_wait3A_168 : memref<128xi32, #tpu.memory_space<hbm>>) dst(%arg7 : memref<128xi32, #tpu.memory_space<vmem>>)
        %dma_wait3A_169 = tpu.memref_slice %arg4[%add3A_159] : memref<320000xi32, #tpu.memory_space<hbm>> -> memref<128xi32, #tpu.memory_space<hbm>>
        %dma_wait3A_170 = tpu.memref_slice %arg4[%add3A_159] : memref<320000xi32, #tpu.memory_space<hbm>> -> memref<128xi32, #tpu.memory_space<hbm>>
        tpu.wait_dma2 semaphore(%arg25 : memref<!tpu.dma_semaphore, #tpu.memory_space<semaphore_mem>>) src(%dma_wait3A_170 : memref<128xi32, #tpu.memory_space<hbm>>) dst(%arg10 : memref<128xi32, #tpu.memory_space<vmem>>)
        %dma_start3A_171 = arith.constant 0 : i32
        %dma_start3A_172 = arith.constant 0 : i32
        %dma_start3A_173 = tpu.memref_slice %arg2[%dma_start3A_171, %dma_start3A_172] : memref<10000x128xf32, #tpu.memory_space<hbm>> -> memref<10000x128xf32, #tpu.memory_space<hbm>>
        tpu.enqueue_indirect_dma source(%dma_start3A_173 : memref<10000x128xf32, #tpu.memory_space<hbm>>) target(%arg13 : memref<128x128xf32, #tpu.memory_space<vmem>>) offsets(%arg7 : memref<128xi32, #tpu.memory_space<vmem>>) semaphore(%arg18 : memref<!tpu.dma_semaphore, #tpu.memory_space<semaphore_mem>>)
      } else {
      }
      %mul3A_136 = arith.constant 3 : i32
      %mul3A_137 = arith.muli %mul3A_136, %scan3A_115 : i32
      %add3A_138 = arith.constant 2 : i32
      %add3A_139 = arith.addi %mul3A_137, %add3A_138 : i32
      %gt3A_140 = arith.constant 0 : i32
      %gt3A_141 = arith.cmpi sgt, %add3A_139, %gt3A_140 : i32
      %lt3A_142 = arith.constant 76 : i32
      %lt3A_143 = arith.cmpi slt, %add3A_139, %lt3A_142 : i32
      %and3A_144 = arith.andi %gt3A_141, %lt3A_143 : i1
      %convert_element_type3A_145 = arith.extui %and3A_144 : i1 to i32
      %cond3A_146 = arith.constant 0 : i32
      %cond3A_147 = arith.cmpi ne, %convert_element_type3A_145, %cond3A_146 : i32
      scf.if %cond3A_147 {
        %dma_wait3A_149 = arith.constant 0 : i32
        %dma_wait3A_150 = arith.constant 0 : i32
        %dma_wait3A_151 = tpu.memref_slice %arg2[%dma_wait3A_149, %dma_wait3A_150] : memref<10000x128xf32, #tpu.memory_space<hbm>> -> memref<10000x128xf32, #tpu.memory_space<hbm>>
        tpu.wait_indirect_dma semaphore(%arg20 : memref<!tpu.dma_semaphore, #tpu.memory_space<semaphore_mem>>) src(%dma_wait3A_151 : memref<10000x128xf32, #tpu.memory_space<hbm>>) dst(%arg15 : memref<128x128xf32, #tpu.memory_space<vmem>>)
        %dma_start3A_152 = arith.constant 0 : i32
        %dma_start3A_153 = arith.constant 0 : i32
        %dma_start3A_154 = tpu.memref_slice %arg6[%dma_start3A_152, %dma_start3A_153] : memref<10112x128xf32, #tpu.memory_space<vmem_shared>> -> memref<10112x128xf32, #tpu.memory_space<vmem_shared>>
        tpu.enqueue_indirect_dma source(%arg15 : memref<128x128xf32, #tpu.memory_space<vmem>>) target(%dma_start3A_154 : memref<10112x128xf32, #tpu.memory_space<vmem_shared>>) offsets(%arg12 : memref<128xi32, #tpu.memory_space<vmem>>) semaphore(%arg23 : memref<!tpu.dma_semaphore, #tpu.memory_space<semaphore_mem>>) {add = true}
        %add3A_155 = arith.constant 2 : i32
        %add3A_156 = arith.addi %add3A_139, %add3A_155 : i32
        %mul3A_157 = arith.constant 128 : i32
        %mul3A_158 = arith.muli %add3A_156, %mul3A_157 : i32
        %add3A_159 = arith.addi %mul3A_20, %mul3A_158 : i32
        %dma_start3A_160 = tpu.memref_slice %arg3[%add3A_159] : memref<320000xi32, #tpu.memory_space<hbm>> -> memref<128xi32, #tpu.memory_space<hbm>>
        %dma_start3A_161 = tpu.memref_slice %arg3[%add3A_159] : memref<320000xi32, #tpu.memory_space<hbm>> -> memref<128xi32, #tpu.memory_space<hbm>>
        tpu.enqueue_dma source(%dma_start3A_161 : memref<128xi32, #tpu.memory_space<hbm>>) target(%arg8 : memref<128xi32, #tpu.memory_space<vmem>>) target_semaphore(%arg24 : memref<!tpu.dma_semaphore, #tpu.memory_space<semaphore_mem>>)
        %dma_wait3A_162 = arith.constant 0 : i32
        %dma_wait3A_163 = arith.constant 0 : i32
        %dma_wait3A_164 = tpu.memref_slice %arg6[%dma_wait3A_162, %dma_wait3A_163] : memref<10112x128xf32, #tpu.memory_space<vmem_shared>> -> memref<10112x128xf32, #tpu.memory_space<vmem_shared>>
        tpu.wait_indirect_dma semaphore(%arg22 : memref<!tpu.dma_semaphore, #tpu.memory_space<semaphore_mem>>) src(%arg14 : memref<128x128xf32, #tpu.memory_space<vmem>>) dst(%dma_wait3A_164 : memref<10112x128xf32, #tpu.memory_space<vmem_shared>>)
        %dma_start3A_165 = tpu.memref_slice %arg4[%add3A_159] : memref<320000xi32, #tpu.memory_space<hbm>> -> memref<128xi32, #tpu.memory_space<hbm>>
        %dma_start3A_166 = tpu.memref_slice %arg4[%add3A_159] : memref<320000xi32, #tpu.memory_space<hbm>> -> memref<128xi32, #tpu.memory_space<hbm>>
        tpu.enqueue_dma source(%dma_start3A_166 : memref<128xi32, #tpu.memory_space<hbm>>) target(%arg11 : memref<128xi32, #tpu.memory_space<vmem>>) target_semaphore(%arg25 : memref<!tpu.dma_semaphore, #tpu.memory_space<semaphore_mem>>)
        %dma_wait3A_167 = tpu.memref_slice %arg3[%add3A_159] : memref<320000xi32, #tpu.memory_space<hbm>> -> memref<128xi32, #tpu.memory_space<hbm>>
        %dma_wait3A_168 = tpu.memref_slice %arg3[%add3A_159] : memref<320000xi32, #tpu.memory_space<hbm>> -> memref<128xi32, #tpu.memory_space<hbm>>
        tpu.wait_dma2 semaphore(%arg24 : memref<!tpu.dma_semaphore, #tpu.memory_space<semaphore_mem>>) src(%dma_wait3A_168 : memref<128xi32, #tpu.memory_space<hbm>>) dst(%arg8 : memref<128xi32, #tpu.memory_space<vmem>>)
        %dma_wait3A_169 = tpu.memref_slice %arg4[%add3A_159] : memref<320000xi32, #tpu.memory_space<hbm>> -> memref<128xi32, #tpu.memory_space<hbm>>
        %dma_wait3A_170 = tpu.memref_slice %arg4[%add3A_159] : memref<320000xi32, #tpu.memory_space<hbm>> -> memref<128xi32, #tpu.memory_space<hbm>>
        tpu.wait_dma2 semaphore(%arg25 : memref<!tpu.dma_semaphore, #tpu.memory_space<semaphore_mem>>) src(%dma_wait3A_170 : memref<128xi32, #tpu.memory_space<hbm>>) dst(%arg11 : memref<128xi32, #tpu.memory_space<vmem>>)
        %dma_start3A_171 = arith.constant 0 : i32
        %dma_start3A_172 = arith.constant 0 : i32
        %dma_start3A_173 = tpu.memref_slice %arg2[%dma_start3A_171, %dma_start3A_172] : memref<10000x128xf32, #tpu.memory_space<hbm>> -> memref<10000x128xf32, #tpu.memory_space<hbm>>
        tpu.enqueue_indirect_dma source(%dma_start3A_173 : memref<10000x128xf32, #tpu.memory_space<hbm>>) target(%arg14 : memref<128x128xf32, #tpu.memory_space<vmem>>) offsets(%arg8 : memref<128xi32, #tpu.memory_space<vmem>>) semaphore(%arg19 : memref<!tpu.dma_semaphore, #tpu.memory_space<semaphore_mem>>)
      } else {
      }
      %scan3A_148 = arith.constant 0 : i32
      scf.yield %scan3A_148 : i32
    }
    %scan3A_58 = arith.constant 26 : i32
    %dma_wait3A_59 = arith.constant 0 : i32
    %dma_wait3A_60 = arith.constant 0 : i32
    %dma_wait3A_61 = tpu.memref_slice %arg2[%dma_wait3A_59, %dma_wait3A_60] : memref<10000x128xf32, #tpu.memory_space<hbm>> -> memref<10000x128xf32, #tpu.memory_space<hbm>>
    tpu.wait_indirect_dma semaphore(%arg19 : memref<!tpu.dma_semaphore, #tpu.memory_space<semaphore_mem>>) src(%dma_wait3A_61 : memref<10000x128xf32, #tpu.memory_space<hbm>>) dst(%arg14 : memref<128x128xf32, #tpu.memory_space<vmem>>)
    %dma_start3A_62 = arith.constant 0 : i32
    %dma_start3A_63 = arith.constant 0 : i32
    %dma_start3A_64 = tpu.memref_slice %arg6[%dma_start3A_62, %dma_start3A_63] : memref<10112x128xf32, #tpu.memory_space<vmem_shared>> -> memref<10112x128xf32, #tpu.memory_space<vmem_shared>>
    tpu.enqueue_indirect_dma source(%arg14 : memref<128x128xf32, #tpu.memory_space<vmem>>) target(%dma_start3A_64 : memref<10112x128xf32, #tpu.memory_space<vmem_shared>>) offsets(%arg11 : memref<128xi32, #tpu.memory_space<vmem>>) semaphore(%arg22 : memref<!tpu.dma_semaphore, #tpu.memory_space<semaphore_mem>>) {add = true}
    %dma_wait3A_65 = arith.constant 0 : i32
    %dma_wait3A_66 = arith.constant 0 : i32
    %dma_wait3A_67 = tpu.memref_slice %arg6[%dma_wait3A_65, %dma_wait3A_66] : memref<10112x128xf32, #tpu.memory_space<vmem_shared>> -> memref<10112x128xf32, #tpu.memory_space<vmem_shared>>
    tpu.wait_indirect_dma semaphore(%arg21 : memref<!tpu.dma_semaphore, #tpu.memory_space<semaphore_mem>>) src(%arg13 : memref<128x128xf32, #tpu.memory_space<vmem>>) dst(%dma_wait3A_67 : memref<10112x128xf32, #tpu.memory_space<vmem_shared>>)
    %dma_wait3A_68 = arith.constant 0 : i32
    %dma_wait3A_69 = arith.constant 0 : i32
    %dma_wait3A_70 = tpu.memref_slice %arg2[%dma_wait3A_68, %dma_wait3A_69] : memref<10000x128xf32, #tpu.memory_space<hbm>> -> memref<10000x128xf32, #tpu.memory_space<hbm>>
    tpu.wait_indirect_dma semaphore(%arg20 : memref<!tpu.dma_semaphore, #tpu.memory_space<semaphore_mem>>) src(%dma_wait3A_70 : memref<10000x128xf32, #tpu.memory_space<hbm>>) dst(%arg15 : memref<128x128xf32, #tpu.memory_space<vmem>>)
    %dma_start3A_71 = arith.constant 0 : i32
    %dma_start3A_72 = arith.constant 0 : i32
    %dma_start3A_73 = tpu.memref_slice %arg6[%dma_start3A_71, %dma_start3A_72] : memref<10112x128xf32, #tpu.memory_space<vmem_shared>> -> memref<10112x128xf32, #tpu.memory_space<vmem_shared>>
    tpu.enqueue_indirect_dma source(%arg15 : memref<128x128xf32, #tpu.memory_space<vmem>>) target(%dma_start3A_73 : memref<10112x128xf32, #tpu.memory_space<vmem_shared>>) offsets(%arg12 : memref<128xi32, #tpu.memory_space<vmem>>) semaphore(%arg23 : memref<!tpu.dma_semaphore, #tpu.memory_space<semaphore_mem>>) {add = true}
    %dma_wait3A_74 = arith.constant 0 : i32
    %dma_wait3A_75 = arith.constant 0 : i32
    %dma_wait3A_76 = tpu.memref_slice %arg6[%dma_wait3A_74, %dma_wait3A_75] : memref<10112x128xf32, #tpu.memory_space<vmem_shared>> -> memref<10112x128xf32, #tpu.memory_space<vmem_shared>>
    tpu.wait_indirect_dma semaphore(%arg22 : memref<!tpu.dma_semaphore, #tpu.memory_space<semaphore_mem>>) src(%arg14 : memref<128x128xf32, #tpu.memory_space<vmem>>) dst(%dma_wait3A_76 : memref<10112x128xf32, #tpu.memory_space<vmem_shared>>)
    %dma_wait3A_77 = arith.constant 0 : i32
    %dma_wait3A_78 = arith.constant 0 : i32
    %dma_wait3A_79 = tpu.memref_slice %arg6[%dma_wait3A_77, %dma_wait3A_78] : memref<10112x128xf32, #tpu.memory_space<vmem_shared>> -> memref<10112x128xf32, #tpu.memory_space<vmem_shared>>
    tpu.wait_indirect_dma semaphore(%arg23 : memref<!tpu.dma_semaphore, #tpu.memory_space<semaphore_mem>>) src(%arg15 : memref<128x128xf32, #tpu.memory_space<vmem>>) dst(%dma_wait3A_79 : memref<10112x128xf32, #tpu.memory_space<vmem_shared>>)
    %add3A_80 = arith.constant 9984 : i32
    %add3A_81 = arith.addi %mul3A_20, %add3A_80 : i32
    "tpu.region"() ({
      %run_scoped3A = tpu.sem_alloc : memref<!tpu.dma_semaphore, #tpu.memory_space<semaphore_mem>>
      %dma_start3A_115 = tpu.memref_slice %arg3[%add3A_81] : memref<320000xi32, #tpu.memory_space<hbm>> -> memref<16xi32, #tpu.memory_space<hbm>>
      %dma_start3A_116 = tpu.memref_slice %arg3[%add3A_81] : memref<320000xi32, #tpu.memory_space<hbm>> -> memref<16xi32, #tpu.memory_space<hbm>>
      tpu.enqueue_dma source(%dma_start3A_116 : memref<16xi32, #tpu.memory_space<hbm>>) target(%arg16 : memref<16xi32, #tpu.memory_space<vmem>>) target_semaphore(%run_scoped3A : memref<!tpu.dma_semaphore, #tpu.memory_space<semaphore_mem>>)
      %dma_wait3A_117 = tpu.memref_slice %arg3[%add3A_81] : memref<320000xi32, #tpu.memory_space<hbm>> -> memref<16xi32, #tpu.memory_space<hbm>>
      %dma_wait3A_118 = tpu.memref_slice %arg3[%add3A_81] : memref<320000xi32, #tpu.memory_space<hbm>> -> memref<16xi32, #tpu.memory_space<hbm>>
      tpu.wait_dma2 semaphore(%run_scoped3A : memref<!tpu.dma_semaphore, #tpu.memory_space<semaphore_mem>>) src(%dma_wait3A_118 : memref<16xi32, #tpu.memory_space<hbm>>) dst(%arg16 : memref<16xi32, #tpu.memory_space<vmem>>)
      tpu.yield
    }) : () -> ()
    "tpu.region"() ({
      %run_scoped3A = tpu.sem_alloc : memref<!tpu.dma_semaphore, #tpu.memory_space<semaphore_mem>>
      %dma_start3A_115 = tpu.memref_slice %arg4[%add3A_81] : memref<320000xi32, #tpu.memory_space<hbm>> -> memref<16xi32, #tpu.memory_space<hbm>>
      %dma_start3A_116 = tpu.memref_slice %arg4[%add3A_81] : memref<320000xi32, #tpu.memory_space<hbm>> -> memref<16xi32, #tpu.memory_space<hbm>>
      tpu.enqueue_dma source(%dma_start3A_116 : memref<16xi32, #tpu.memory_space<hbm>>) target(%arg17 : memref<16xi32, #tpu.memory_space<vmem>>) target_semaphore(%run_scoped3A : memref<!tpu.dma_semaphore, #tpu.memory_space<semaphore_mem>>)
      %dma_wait3A_117 = tpu.memref_slice %arg4[%add3A_81] : memref<320000xi32, #tpu.memory_space<hbm>> -> memref<16xi32, #tpu.memory_space<hbm>>
      %dma_wait3A_118 = tpu.memref_slice %arg4[%add3A_81] : memref<320000xi32, #tpu.memory_space<hbm>> -> memref<16xi32, #tpu.memory_space<hbm>>
      tpu.wait_dma2 semaphore(%run_scoped3A : memref<!tpu.dma_semaphore, #tpu.memory_space<semaphore_mem>>) src(%dma_wait3A_118 : memref<16xi32, #tpu.memory_space<hbm>>) dst(%arg17 : memref<16xi32, #tpu.memory_space<vmem>>)
      tpu.yield
    }) : () -> ()
    %dma_start3A_82 = arith.constant 0 : i32
    %dma_start3A_83 = arith.constant 0 : i32
    %dma_start3A_84 = tpu.memref_slice %arg13[%dma_start3A_82, %dma_start3A_83] : memref<128x128xf32, #tpu.memory_space<vmem>> -> memref<16x128xf32, #tpu.memory_space<vmem>>
    %dma_start3A_85 = arith.constant 0 : i32
    %dma_start3A_86 = arith.constant 0 : i32
    %dma_start3A_87 = tpu.memref_slice %arg2[%dma_start3A_85, %dma_start3A_86] : memref<10000x128xf32, #tpu.memory_space<hbm>> -> memref<10000x128xf32, #tpu.memory_space<hbm>>
    tpu.enqueue_indirect_dma source(%dma_start3A_87 : memref<10000x128xf32, #tpu.memory_space<hbm>>) target(%dma_start3A_84 : memref<16x128xf32, #tpu.memory_space<vmem>>) offsets(%arg16 : memref<16xi32, #tpu.memory_space<vmem>>) semaphore(%arg18 : memref<!tpu.dma_semaphore, #tpu.memory_space<semaphore_mem>>)
    %dma_wait3A_88 = arith.constant 0 : i32
    %dma_wait3A_89 = arith.constant 0 : i32
    %dma_wait3A_90 = tpu.memref_slice %arg13[%dma_wait3A_88, %dma_wait3A_89] : memref<128x128xf32, #tpu.memory_space<vmem>> -> memref<16x128xf32, #tpu.memory_space<vmem>>
    %dma_wait3A_91 = arith.constant 0 : i32
    %dma_wait3A_92 = arith.constant 0 : i32
    %dma_wait3A_93 = tpu.memref_slice %arg2[%dma_wait3A_91, %dma_wait3A_92] : memref<10000x128xf32, #tpu.memory_space<hbm>> -> memref<10000x128xf32, #tpu.memory_space<hbm>>
    tpu.wait_indirect_dma semaphore(%arg18 : memref<!tpu.dma_semaphore, #tpu.memory_space<semaphore_mem>>) src(%dma_wait3A_93 : memref<10000x128xf32, #tpu.memory_space<hbm>>) dst(%dma_wait3A_90 : memref<16x128xf32, #tpu.memory_space<vmem>>)
    "tpu.region"() ({
      %run_scoped3A = tpu.sem_alloc : memref<!tpu.dma_semaphore, #tpu.memory_space<semaphore_mem>>
      %dma_start3A_115 = arith.constant 0 : i32
      %dma_start3A_116 = arith.constant 0 : i32
      %dma_start3A_117 = tpu.memref_slice %arg13[%dma_start3A_115, %dma_start3A_116] : memref<128x128xf32, #tpu.memory_space<vmem>> -> memref<16x128xf32, #tpu.memory_space<vmem>>
      %dma_start3A_118 = arith.constant 0 : i32
      %dma_start3A_119 = arith.constant 0 : i32
      %dma_start3A_120 = tpu.memref_slice %arg6[%dma_start3A_118, %dma_start3A_119] : memref<10112x128xf32, #tpu.memory_space<vmem_shared>> -> memref<10112x128xf32, #tpu.memory_space<vmem_shared>>
      tpu.enqueue_indirect_dma source(%dma_start3A_117 : memref<16x128xf32, #tpu.memory_space<vmem>>) target(%dma_start3A_120 : memref<10112x128xf32, #tpu.memory_space<vmem_shared>>) offsets(%arg17 : memref<16xi32, #tpu.memory_space<vmem>>) semaphore(%run_scoped3A : memref<!tpu.dma_semaphore, #tpu.memory_space<semaphore_mem>>) {add = true}
      %dma_wait3A_121 = arith.constant 0 : i32
      %dma_wait3A_122 = arith.constant 0 : i32
      %dma_wait3A_123 = tpu.memref_slice %arg13[%dma_wait3A_121, %dma_wait3A_122] : memref<128x128xf32, #tpu.memory_space<vmem>> -> memref<16x128xf32, #tpu.memory_space<vmem>>
      %dma_wait3A_124 = arith.constant 0 : i32
      %dma_wait3A_125 = arith.constant 0 : i32
      %dma_wait3A_126 = tpu.memref_slice %arg6[%dma_wait3A_124, %dma_wait3A_125] : memref<10112x128xf32, #tpu.memory_space<vmem_shared>> -> memref<10112x128xf32, #tpu.memory_space<vmem_shared>>
      tpu.wait_indirect_dma semaphore(%run_scoped3A : memref<!tpu.dma_semaphore, #tpu.memory_space<semaphore_mem>>) src(%dma_wait3A_123 : memref<16x128xf32, #tpu.memory_space<vmem>>) dst(%dma_wait3A_126 : memref<10112x128xf32, #tpu.memory_space<vmem_shared>>)
      tpu.yield
    }) : () -> ()
    %barrier3A_94 = arith.constant 0 : index
    tpu.barrier barrier_id(%barrier3A_94)
    %add3A_95 = arith.constant 0 : i32
    %add3A_96 = arith.addi %mul3A_8, %add3A_95 : i32
    "tpu.region"() ({
      %run_scoped3A = tpu.sem_alloc : memref<!tpu.dma_semaphore, #tpu.memory_space<semaphore_mem>>
      %dma_start3A_115 = arith.constant 0 : i32
      %dma_start3A_116 = tpu.memref_slice %arg6[%add3A_96, %dma_start3A_115] : memref<10112x128xf32, #tpu.memory_space<vmem_shared>> -> memref<128x128xf32, #tpu.memory_space<vmem_shared>>
      %dma_start3A_117 = arith.constant 0 : i32
      %dma_start3A_118 = tpu.memref_slice %arg6[%add3A_96, %dma_start3A_117] : memref<10112x128xf32, #tpu.memory_space<vmem_shared>> -> memref<128x128xf32, #tpu.memory_space<vmem_shared>>
      tpu.enqueue_dma source(%dma_start3A_118 : memref<128x128xf32, #tpu.memory_space<vmem_shared>>) target(%arg13 : memref<128x128xf32, #tpu.memory_space<vmem>>) target_semaphore(%run_scoped3A : memref<!tpu.dma_semaphore, #tpu.memory_space<semaphore_mem>>)
      %dma_wait3A_119 = arith.constant 0 : i32
      %dma_wait3A_120 = tpu.memref_slice %arg6[%add3A_96, %dma_wait3A_119] : memref<10112x128xf32, #tpu.memory_space<vmem_shared>> -> memref<128x128xf32, #tpu.memory_space<vmem_shared>>
      %dma_wait3A_121 = arith.constant 0 : i32
      %dma_wait3A_122 = tpu.memref_slice %arg6[%add3A_96, %dma_wait3A_121] : memref<10112x128xf32, #tpu.memory_space<vmem_shared>> -> memref<128x128xf32, #tpu.memory_space<vmem_shared>>
      tpu.wait_dma2 semaphore(%run_scoped3A : memref<!tpu.dma_semaphore, #tpu.memory_space<semaphore_mem>>) src(%dma_wait3A_122 : memref<128x128xf32, #tpu.memory_space<vmem_shared>>) dst(%arg13 : memref<128x128xf32, #tpu.memory_space<vmem>>)
      tpu.yield
    }) : () -> ()
    %add3A_97 = arith.constant 0 : i32
    %add3A_98 = arith.addi %mul3A_8, %add3A_97 : i32
    "tpu.region"() ({
      %run_scoped3A = tpu.sem_alloc : memref<!tpu.dma_semaphore, #tpu.memory_space<semaphore_mem>>
      %dma_start3A_115 = arith.constant 0 : i32
      %dma_start3A_116 = tpu.memref_slice %arg5[%arg0, %add3A_98, %dma_start3A_115] : memref<2x10112x128xf32, #tpu.memory_space<hbm>> -> memref<1x128x128xf32, #tpu.memory_space<hbm>>
      %dma_start3A_117 = tpu.memref_squeeze %dma_start3A_116 : memref<1x128x128xf32, #tpu.memory_space<hbm>> -> memref<128x128xf32, #tpu.memory_space<hbm>>
      %dma_start3A_118 = arith.constant 0 : i32
      %dma_start3A_119 = tpu.memref_slice %arg5[%arg0, %add3A_98, %dma_start3A_118] : memref<2x10112x128xf32, #tpu.memory_space<hbm>> -> memref<1x128x128xf32, #tpu.memory_space<hbm>>
      %dma_start3A_120 = tpu.memref_squeeze %dma_start3A_119 : memref<1x128x128xf32, #tpu.memory_space<hbm>> -> memref<128x128xf32, #tpu.memory_space<hbm>>
      tpu.enqueue_dma source(%arg13 : memref<128x128xf32, #tpu.memory_space<vmem>>) target(%dma_start3A_120 : memref<128x128xf32, #tpu.memory_space<hbm>>) target_semaphore(%run_scoped3A : memref<!tpu.dma_semaphore, #tpu.memory_space<semaphore_mem>>)
      %dma_wait3A_121 = arith.constant 0 : i32
      %dma_wait3A_122 = tpu.memref_slice %arg5[%arg0, %add3A_98, %dma_wait3A_121] : memref<2x10112x128xf32, #tpu.memory_space<hbm>> -> memref<1x128x128xf32, #tpu.memory_space<hbm>>
      %dma_wait3A_123 = tpu.memref_squeeze %dma_wait3A_122 : memref<1x128x128xf32, #tpu.memory_space<hbm>> -> memref<128x128xf32, #tpu.memory_space<hbm>>
      %dma_wait3A_124 = arith.constant 0 : i32
      %dma_wait3A_125 = tpu.memref_slice %arg5[%arg0, %add3A_98, %dma_wait3A_124] : memref<2x10112x128xf32, #tpu.memory_space<hbm>> -> memref<1x128x128xf32, #tpu.memory_space<hbm>>
      %dma_wait3A_126 = tpu.memref_squeeze %dma_wait3A_125 : memref<1x128x128xf32, #tpu.memory_space<hbm>> -> memref<128x128xf32, #tpu.memory_space<hbm>>
      tpu.wait_dma2 semaphore(%run_scoped3A : memref<!tpu.dma_semaphore, #tpu.memory_space<semaphore_mem>>) src(%arg13 : memref<128x128xf32, #tpu.memory_space<vmem>>) dst(%dma_wait3A_126 : memref<128x128xf32, #tpu.memory_space<hbm>>)
      tpu.yield
    }) : () -> ()
    %add3A_99 = arith.constant 128 : i32
    %add3A_100 = arith.addi %mul3A_8, %add3A_99 : i32
    "tpu.region"() ({
      %run_scoped3A = tpu.sem_alloc : memref<!tpu.dma_semaphore, #tpu.memory_space<semaphore_mem>>
      %dma_start3A_115 = arith.constant 0 : i32
      %dma_start3A_116 = tpu.memref_slice %arg6[%add3A_100, %dma_start3A_115] : memref<10112x128xf32, #tpu.memory_space<vmem_shared>> -> memref<128x128xf32, #tpu.memory_space<vmem_shared>>
      %dma_start3A_117 = arith.constant 0 : i32
      %dma_start3A_118 = tpu.memref_slice %arg6[%add3A_100, %dma_start3A_117] : memref<10112x128xf32, #tpu.memory_space<vmem_shared>> -> memref<128x128xf32, #tpu.memory_space<vmem_shared>>
      tpu.enqueue_dma source(%dma_start3A_118 : memref<128x128xf32, #tpu.memory_space<vmem_shared>>) target(%arg13 : memref<128x128xf32, #tpu.memory_space<vmem>>) target_semaphore(%run_scoped3A : memref<!tpu.dma_semaphore, #tpu.memory_space<semaphore_mem>>)
      %dma_wait3A_119 = arith.constant 0 : i32
      %dma_wait3A_120 = tpu.memref_slice %arg6[%add3A_100, %dma_wait3A_119] : memref<10112x128xf32, #tpu.memory_space<vmem_shared>> -> memref<128x128xf32, #tpu.memory_space<vmem_shared>>
      %dma_wait3A_121 = arith.constant 0 : i32
      %dma_wait3A_122 = tpu.memref_slice %arg6[%add3A_100, %dma_wait3A_121] : memref<10112x128xf32, #tpu.memory_space<vmem_shared>> -> memref<128x128xf32, #tpu.memory_space<vmem_shared>>
      tpu.wait_dma2 semaphore(%run_scoped3A : memref<!tpu.dma_semaphore, #tpu.memory_space<semaphore_mem>>) src(%dma_wait3A_122 : memref<128x128xf32, #tpu.memory_space<vmem_shared>>) dst(%arg13 : memref<128x128xf32, #tpu.memory_space<vmem>>)
      tpu.yield
    }) : () -> ()
    %add3A_101 = arith.constant 128 : i32
    %add3A_102 = arith.addi %mul3A_8, %add3A_101 : i32
    "tpu.region"() ({
      %run_scoped3A = tpu.sem_alloc : memref<!tpu.dma_semaphore, #tpu.memory_space<semaphore_mem>>
      %dma_start3A_115 = arith.constant 0 : i32
      %dma_start3A_116 = tpu.memref_slice %arg5[%arg0, %add3A_102, %dma_start3A_115] : memref<2x10112x128xf32, #tpu.memory_space<hbm>> -> memref<1x128x128xf32, #tpu.memory_space<hbm>>
      %dma_start3A_117 = tpu.memref_squeeze %dma_start3A_116 : memref<1x128x128xf32, #tpu.memory_space<hbm>> -> memref<128x128xf32, #tpu.memory_space<hbm>>
      %dma_start3A_118 = arith.constant 0 : i32
      %dma_start3A_119 = tpu.memref_slice %arg5[%arg0, %add3A_102, %dma_start3A_118] : memref<2x10112x128xf32, #tpu.memory_space<hbm>> -> memref<1x128x128xf32, #tpu.memory_space<hbm>>
      %dma_start3A_120 = tpu.memref_squeeze %dma_start3A_119 : memref<1x128x128xf32, #tpu.memory_space<hbm>> -> memref<128x128xf32, #tpu.memory_space<hbm>>
      tpu.enqueue_dma source(%arg13 : memref<128x128xf32, #tpu.memory_space<vmem>>) target(%dma_start3A_120 : memref<128x128xf32, #tpu.memory_space<hbm>>) target_semaphore(%run_scoped3A : memref<!tpu.dma_semaphore, #tpu.memory_space<semaphore_mem>>)
      %dma_wait3A_121 = arith.constant 0 : i32
      %dma_wait3A_122 = tpu.memref_slice %arg5[%arg0, %add3A_102, %dma_wait3A_121] : memref<2x10112x128xf32, #tpu.memory_space<hbm>> -> memref<1x128x128xf32, #tpu.memory_space<hbm>>
      %dma_wait3A_123 = tpu.memref_squeeze %dma_wait3A_122 : memref<1x128x128xf32, #tpu.memory_space<hbm>> -> memref<128x128xf32, #tpu.memory_space<hbm>>
      %dma_wait3A_124 = arith.constant 0 : i32
      %dma_wait3A_125 = tpu.memref_slice %arg5[%arg0, %add3A_102, %dma_wait3A_124] : memref<2x10112x128xf32, #tpu.memory_space<hbm>> -> memref<1x128x128xf32, #tpu.memory_space<hbm>>
      %dma_wait3A_126 = tpu.memref_squeeze %dma_wait3A_125 : memref<1x128x128xf32, #tpu.memory_space<hbm>> -> memref<128x128xf32, #tpu.memory_space<hbm>>
      tpu.wait_dma2 semaphore(%run_scoped3A : memref<!tpu.dma_semaphore, #tpu.memory_space<semaphore_mem>>) src(%arg13 : memref<128x128xf32, #tpu.memory_space<vmem>>) dst(%dma_wait3A_126 : memref<128x128xf32, #tpu.memory_space<hbm>>)
      tpu.yield
    }) : () -> ()
    %add3A_103 = arith.constant 256 : i32
    %add3A_104 = arith.addi %mul3A_8, %add3A_103 : i32
    "tpu.region"() ({
      %run_scoped3A = tpu.sem_alloc : memref<!tpu.dma_semaphore, #tpu.memory_space<semaphore_mem>>
      %dma_start3A_115 = arith.constant 0 : i32
      %dma_start3A_116 = tpu.memref_slice %arg6[%add3A_104, %dma_start3A_115] : memref<10112x128xf32, #tpu.memory_space<vmem_shared>> -> memref<128x128xf32, #tpu.memory_space<vmem_shared>>
      %dma_start3A_117 = arith.constant 0 : i32
      %dma_start3A_118 = tpu.memref_slice %arg6[%add3A_104, %dma_start3A_117] : memref<10112x128xf32, #tpu.memory_space<vmem_shared>> -> memref<128x128xf32, #tpu.memory_space<vmem_shared>>
      tpu.enqueue_dma source(%dma_start3A_118 : memref<128x128xf32, #tpu.memory_space<vmem_shared>>) target(%arg13 : memref<128x128xf32, #tpu.memory_space<vmem>>) target_semaphore(%run_scoped3A : memref<!tpu.dma_semaphore, #tpu.memory_space<semaphore_mem>>)
      %dma_wait3A_119 = arith.constant 0 : i32
      %dma_wait3A_120 = tpu.memref_slice %arg6[%add3A_104, %dma_wait3A_119] : memref<10112x128xf32, #tpu.memory_space<vmem_shared>> -> memref<128x128xf32, #tpu.memory_space<vmem_shared>>
      %dma_wait3A_121 = arith.constant 0 : i32
      %dma_wait3A_122 = tpu.memref_slice %arg6[%add3A_104, %dma_wait3A_121] : memref<10112x128xf32, #tpu.memory_space<vmem_shared>> -> memref<128x128xf32, #tpu.memory_space<vmem_shared>>
      tpu.wait_dma2 semaphore(%run_scoped3A : memref<!tpu.dma_semaphore, #tpu.memory_space<semaphore_mem>>) src(%dma_wait3A_122 : memref<128x128xf32, #tpu.memory_space<vmem_shared>>) dst(%arg13 : memref<128x128xf32, #tpu.memory_space<vmem>>)
      tpu.yield
    }) : () -> ()
    %add3A_105 = arith.constant 256 : i32
    %add3A_106 = arith.addi %mul3A_8, %add3A_105 : i32
    "tpu.region"() ({
      %run_scoped3A = tpu.sem_alloc : memref<!tpu.dma_semaphore, #tpu.memory_space<semaphore_mem>>
      %dma_start3A_115 = arith.constant 0 : i32
      %dma_start3A_116 = tpu.memref_slice %arg5[%arg0, %add3A_106, %dma_start3A_115] : memref<2x10112x128xf32, #tpu.memory_space<hbm>> -> memref<1x128x128xf32, #tpu.memory_space<hbm>>
      %dma_start3A_117 = tpu.memref_squeeze %dma_start3A_116 : memref<1x128x128xf32, #tpu.memory_space<hbm>> -> memref<128x128xf32, #tpu.memory_space<hbm>>
      %dma_start3A_118 = arith.constant 0 : i32
      %dma_start3A_119 = tpu.memref_slice %arg5[%arg0, %add3A_106, %dma_start3A_118] : memref<2x10112x128xf32, #tpu.memory_space<hbm>> -> memref<1x128x128xf32, #tpu.memory_space<hbm>>
      %dma_start3A_120 = tpu.memref_squeeze %dma_start3A_119 : memref<1x128x128xf32, #tpu.memory_space<hbm>> -> memref<128x128xf32, #tpu.memory_space<hbm>>
      tpu.enqueue_dma source(%arg13 : memref<128x128xf32, #tpu.memory_space<vmem>>) target(%dma_start3A_120 : memref<128x128xf32, #tpu.memory_space<hbm>>) target_semaphore(%run_scoped3A : memref<!tpu.dma_semaphore, #tpu.memory_space<semaphore_mem>>)
      %dma_wait3A_121 = arith.constant 0 : i32
      %dma_wait3A_122 = tpu.memref_slice %arg5[%arg0, %add3A_106, %dma_wait3A_121] : memref<2x10112x128xf32, #tpu.memory_space<hbm>> -> memref<1x128x128xf32, #tpu.memory_space<hbm>>
      %dma_wait3A_123 = tpu.memref_squeeze %dma_wait3A_122 : memref<1x128x128xf32, #tpu.memory_space<hbm>> -> memref<128x128xf32, #tpu.memory_space<hbm>>
      %dma_wait3A_124 = arith.constant 0 : i32
      %dma_wait3A_125 = tpu.memref_slice %arg5[%arg0, %add3A_106, %dma_wait3A_124] : memref<2x10112x128xf32, #tpu.memory_space<hbm>> -> memref<1x128x128xf32, #tpu.memory_space<hbm>>
      %dma_wait3A_126 = tpu.memref_squeeze %dma_wait3A_125 : memref<1x128x128xf32, #tpu.memory_space<hbm>> -> memref<128x128xf32, #tpu.memory_space<hbm>>
      tpu.wait_dma2 semaphore(%run_scoped3A : memref<!tpu.dma_semaphore, #tpu.memory_space<semaphore_mem>>) src(%arg13 : memref<128x128xf32, #tpu.memory_space<vmem>>) dst(%dma_wait3A_126 : memref<128x128xf32, #tpu.memory_space<hbm>>)
      tpu.yield
    }) : () -> ()
    %add3A_107 = arith.constant 384 : i32
    %add3A_108 = arith.addi %mul3A_8, %add3A_107 : i32
    "tpu.region"() ({
      %run_scoped3A = tpu.sem_alloc : memref<!tpu.dma_semaphore, #tpu.memory_space<semaphore_mem>>
      %dma_start3A_115 = arith.constant 0 : i32
      %dma_start3A_116 = tpu.memref_slice %arg6[%add3A_108, %dma_start3A_115] : memref<10112x128xf32, #tpu.memory_space<vmem_shared>> -> memref<128x128xf32, #tpu.memory_space<vmem_shared>>
      %dma_start3A_117 = arith.constant 0 : i32
      %dma_start3A_118 = tpu.memref_slice %arg6[%add3A_108, %dma_start3A_117] : memref<10112x128xf32, #tpu.memory_space<vmem_shared>> -> memref<128x128xf32, #tpu.memory_space<vmem_shared>>
      tpu.enqueue_dma source(%dma_start3A_118 : memref<128x128xf32, #tpu.memory_space<vmem_shared>>) target(%arg13 : memref<128x128xf32, #tpu.memory_space<vmem>>) target_semaphore(%run_scoped3A : memref<!tpu.dma_semaphore, #tpu.memory_space<semaphore_mem>>)
      %dma_wait3A_119 = arith.constant 0 : i32
      %dma_wait3A_120 = tpu.memref_slice %arg6[%add3A_108, %dma_wait3A_119] : memref<10112x128xf32, #tpu.memory_space<vmem_shared>> -> memref<128x128xf32, #tpu.memory_space<vmem_shared>>
      %dma_wait3A_121 = arith.constant 0 : i32
      %dma_wait3A_122 = tpu.memref_slice %arg6[%add3A_108, %dma_wait3A_121] : memref<10112x128xf32, #tpu.memory_space<vmem_shared>> -> memref<128x128xf32, #tpu.memory_space<vmem_shared>>
      tpu.wait_dma2 semaphore(%run_scoped3A : memref<!tpu.dma_semaphore, #tpu.memory_space<semaphore_mem>>) src(%dma_wait3A_122 : memref<128x128xf32, #tpu.memory_space<vmem_shared>>) dst(%arg13 : memref<128x128xf32, #tpu.memory_space<vmem>>)
      tpu.yield
    }) : () -> ()
    %add3A_109 = arith.constant 384 : i32
    %add3A_110 = arith.addi %mul3A_8, %add3A_109 : i32
    "tpu.region"() ({
      %run_scoped3A = tpu.sem_alloc : memref<!tpu.dma_semaphore, #tpu.memory_space<semaphore_mem>>
      %dma_start3A_115 = arith.constant 0 : i32
      %dma_start3A_116 = tpu.memref_slice %arg5[%arg0, %add3A_110, %dma_start3A_115] : memref<2x10112x128xf32, #tpu.memory_space<hbm>> -> memref<1x128x128xf32, #tpu.memory_space<hbm>>
      %dma_start3A_117 = tpu.memref_squeeze %dma_start3A_116 : memref<1x128x128xf32, #tpu.memory_space<hbm>> -> memref<128x128xf32, #tpu.memory_space<hbm>>
      %dma_start3A_118 = arith.constant 0 : i32
      %dma_start3A_119 = tpu.memref_slice %arg5[%arg0, %add3A_110, %dma_start3A_118] : memref<2x10112x128xf32, #tpu.memory_space<hbm>> -> memref<1x128x128xf32, #tpu.memory_space<hbm>>
      %dma_start3A_120 = tpu.memref_squeeze %dma_start3A_119 : memref<1x128x128xf32, #tpu.memory_space<hbm>> -> memref<128x128xf32, #tpu.memory_space<hbm>>
      tpu.enqueue_dma source(%arg13 : memref<128x128xf32, #tpu.memory_space<vmem>>) target(%dma_start3A_120 : memref<128x128xf32, #tpu.memory_space<hbm>>) target_semaphore(%run_scoped3A : memref<!tpu.dma_semaphore, #tpu.memory_space<semaphore_mem>>)
      %dma_wait3A_121 = arith.constant 0 : i32
      %dma_wait3A_122 = tpu.memref_slice %arg5[%arg0, %add3A_110, %dma_wait3A_121] : memref<2x10112x128xf32, #tpu.memory_space<hbm>> -> memref<1x128x128xf32, #tpu.memory_space<hbm>>
      %dma_wait3A_123 = tpu.memref_squeeze %dma_wait3A_122 : memref<1x128x128xf32, #tpu.memory_space<hbm>> -> memref<128x128xf32, #tpu.memory_space<hbm>>
      %dma_wait3A_124 = arith.constant 0 : i32
      %dma_wait3A_125 = tpu.memref_slice %arg5[%arg0, %add3A_110, %dma_wait3A_124] : memref<2x10112x128xf32, #tpu.memory_space<hbm>> -> memref<1x128x128xf32, #tpu.memory_space<hbm>>
      %dma_wait3A_126 = tpu.memref_squeeze %dma_wait3A_125 : memref<1x128x128xf32, #tpu.memory_space<hbm>> -> memref<128x128xf32, #tpu.memory_space<hbm>>
      tpu.wait_dma2 semaphore(%run_scoped3A : memref<!tpu.dma_semaphore, #tpu.memory_space<semaphore_mem>>) src(%arg13 : memref<128x128xf32, #tpu.memory_space<vmem>>) dst(%dma_wait3A_126 : memref<128x128xf32, #tpu.memory_space<hbm>>)
      tpu.yield
    }) : () -> ()
    %add3A_111 = arith.constant 512 : i32
    %add3A_112 = arith.addi %mul3A_8, %add3A_111 : i32
    "tpu.region"() ({
      %run_scoped3A = tpu.sem_alloc : memref<!tpu.dma_semaphore, #tpu.memory_space<semaphore_mem>>
      %dma_start3A_115 = arith.constant 0 : i32
      %dma_start3A_116 = arith.constant 0 : i32
      %dma_start3A_117 = tpu.memref_slice %arg13[%dma_start3A_115, %dma_start3A_116] : memref<128x128xf32, #tpu.memory_space<vmem>> -> memref<120x128xf32, #tpu.memory_space<vmem>>
      %dma_start3A_118 = arith.constant 0 : i32
      %dma_start3A_119 = tpu.memref_slice %arg6[%add3A_112, %dma_start3A_118] : memref<10112x128xf32, #tpu.memory_space<vmem_shared>> -> memref<120x128xf32, #tpu.memory_space<vmem_shared>>
      %dma_start3A_120 = arith.constant 0 : i32
      %dma_start3A_121 = arith.constant 0 : i32
      %dma_start3A_122 = tpu.memref_slice %arg13[%dma_start3A_120, %dma_start3A_121] : memref<128x128xf32, #tpu.memory_space<vmem>> -> memref<120x128xf32, #tpu.memory_space<vmem>>
      %dma_start3A_123 = arith.constant 0 : i32
      %dma_start3A_124 = tpu.memref_slice %arg6[%add3A_112, %dma_start3A_123] : memref<10112x128xf32, #tpu.memory_space<vmem_shared>> -> memref<120x128xf32, #tpu.memory_space<vmem_shared>>
      tpu.enqueue_dma source(%dma_start3A_124 : memref<120x128xf32, #tpu.memory_space<vmem_shared>>) target(%dma_start3A_122 : memref<120x128xf32, #tpu.memory_space<vmem>>) target_semaphore(%run_scoped3A : memref<!tpu.dma_semaphore, #tpu.memory_space<semaphore_mem>>)
      %dma_wait3A_125 = arith.constant 0 : i32
      %dma_wait3A_126 = arith.constant 0 : i32
      %dma_wait3A_127 = tpu.memref_slice %arg13[%dma_wait3A_125, %dma_wait3A_126] : memref<128x128xf32, #tpu.memory_space<vmem>> -> memref<120x128xf32, #tpu.memory_space<vmem>>
      %dma_wait3A_128 = arith.constant 0 : i32
      %dma_wait3A_129 = tpu.memref_slice %arg6[%add3A_112, %dma_wait3A_128] : memref<10112x128xf32, #tpu.memory_space<vmem_shared>> -> memref<120x128xf32, #tpu.memory_space<vmem_shared>>
      %dma_wait3A_130 = arith.constant 0 : i32
      %dma_wait3A_131 = arith.constant 0 : i32
      %dma_wait3A_132 = tpu.memref_slice %arg13[%dma_wait3A_130, %dma_wait3A_131] : memref<128x128xf32, #tpu.memory_space<vmem>> -> memref<120x128xf32, #tpu.memory_space<vmem>>
      %dma_wait3A_133 = arith.constant 0 : i32
      %dma_wait3A_134 = tpu.memref_slice %arg6[%add3A_112, %dma_wait3A_133] : memref<10112x128xf32, #tpu.memory_space<vmem_shared>> -> memref<120x128xf32, #tpu.memory_space<vmem_shared>>
      tpu.wait_dma2 semaphore(%run_scoped3A : memref<!tpu.dma_semaphore, #tpu.memory_space<semaphore_mem>>) src(%dma_wait3A_134 : memref<120x128xf32, #tpu.memory_space<vmem_shared>>) dst(%dma_wait3A_132 : memref<120x128xf32, #tpu.memory_space<vmem>>)
      tpu.yield
    }) : () -> ()
    %add3A_113 = arith.constant 512 : i32
    %add3A_114 = arith.addi %mul3A_8, %add3A_113 : i32
    "tpu.region"() ({
      %run_scoped3A = tpu.sem_alloc : memref<!tpu.dma_semaphore, #tpu.memory_space<semaphore_mem>>
      %dma_start3A_115 = arith.constant 0 : i32
      %dma_start3A_116 = arith.constant 0 : i32
      %dma_start3A_117 = tpu.memref_slice %arg13[%dma_start3A_115, %dma_start3A_116] : memref<128x128xf32, #tpu.memory_space<vmem>> -> memref<120x128xf32, #tpu.memory_space<vmem>>
      %dma_start3A_118 = arith.constant 0 : i32
      %dma_start3A_119 = tpu.memref_slice %arg5[%arg0, %add3A_114, %dma_start3A_118] : memref<2x10112x128xf32, #tpu.memory_space<hbm>> -> memref<1x120x128xf32, #tpu.memory_space<hbm>>
      %dma_start3A_120 = tpu.memref_squeeze %dma_start3A_119 : memref<1x120x128xf32, #tpu.memory_space<hbm>> -> memref<120x128xf32, #tpu.memory_space<hbm>>
      %dma_start3A_121 = arith.constant 0 : i32
      %dma_start3A_122 = tpu.memref_slice %arg5[%arg0, %add3A_114, %dma_start3A_121] : memref<2x10112x128xf32, #tpu.memory_space<hbm>> -> memref<1x120x128xf32, #tpu.memory_space<hbm>>
      %dma_start3A_123 = tpu.memref_squeeze %dma_start3A_122 : memref<1x120x128xf32, #tpu.memory_space<hbm>> -> memref<120x128xf32, #tpu.memory_space<hbm>>
      %dma_start3A_124 = arith.constant 0 : i32
      %dma_start3A_125 = arith.constant 0 : i32
      %dma_start3A_126 = tpu.memref_slice %arg13[%dma_start3A_124, %dma_start3A_125] : memref<128x128xf32, #tpu.memory_space<vmem>> -> memref<120x128xf32, #tpu.memory_space<vmem>>
      tpu.enqueue_dma source(%dma_start3A_126 : memref<120x128xf32, #tpu.memory_space<vmem>>) target(%dma_start3A_123 : memref<120x128xf32, #tpu.memory_space<hbm>>) target_semaphore(%run_scoped3A : memref<!tpu.dma_semaphore, #tpu.memory_space<semaphore_mem>>)
      %dma_wait3A_127 = arith.constant 0 : i32
      %dma_wait3A_128 = arith.constant 0 : i32
      %dma_wait3A_129 = tpu.memref_slice %arg13[%dma_wait3A_127, %dma_wait3A_128] : memref<128x128xf32, #tpu.memory_space<vmem>> -> memref<120x128xf32, #tpu.memory_space<vmem>>
      %dma_wait3A_130 = arith.constant 0 : i32
      %dma_wait3A_131 = tpu.memref_slice %arg5[%arg0, %add3A_114, %dma_wait3A_130] : memref<2x10112x128xf32, #tpu.memory_space<hbm>> -> memref<1x120x128xf32, #tpu.memory_space<hbm>>
      %dma_wait3A_132 = tpu.memref_squeeze %dma_wait3A_131 : memref<1x120x128xf32, #tpu.memory_space<hbm>> -> memref<120x128xf32, #tpu.memory_space<hbm>>
      %dma_wait3A_133 = arith.constant 0 : i32
      %dma_wait3A_134 = tpu.memref_slice %arg5[%arg0, %add3A_114, %dma_wait3A_133] : memref<2x10112x128xf32, #tpu.memory_space<hbm>> -> memref<1x120x128xf32, #tpu.memory_space<hbm>>
      %dma_wait3A_135 = tpu.memref_squeeze %dma_wait3A_134 : memref<1x120x128xf32, #tpu.memory_space<hbm>> -> memref<120x128xf32, #tpu.memory_space<hbm>>
      %dma_wait3A_136 = arith.constant 0 : i32
      %dma_wait3A_137 = arith.constant 0 : i32
      %dma_wait3A_138 = tpu.memref_slice %arg13[%dma_wait3A_136, %dma_wait3A_137] : memref<128x128xf32, #tpu.memory_space<vmem>> -> memref<120x128xf32, #tpu.memory_space<vmem>>
      tpu.wait_dma2 semaphore(%run_scoped3A : memref<!tpu.dma_semaphore, #tpu.memory_space<semaphore_mem>>) src(%dma_wait3A_138 : memref<120x128xf32, #tpu.memory_space<vmem>>) dst(%dma_wait3A_135 : memref<120x128xf32, #tpu.memory_space<hbm>>)
      tpu.yield
    }) : () -> ()
    return
  }
}

module attributes {stable_mosaic.version = 14 : i64} {
  func.func @_split_body(%arg0: memref<2x320000xi32, #tpu.memory_space<vmem>>, %arg1: memref<320000xi32, #tpu.memory_space<vmem>>, %arg2: memref<320000xi32, #tpu.memory_space<vmem>>) attributes {dimension_semantics = [], scalar_prefetch = 0 : i64, scratch_operands = 0 : i64, tpu.core_type = #tpu.core_type<tc>} {
    %get3A = arith.constant 0 : index
    %get3A_0 = arith.constant 0 : index
    %get3A_1 = vector.load %arg0[%get3A, %get3A_0] : memref<2x320000xi32, #tpu.memory_space<vmem>>, vector<1x320000xi32>
    %get3A_2 = vector.shape_cast %get3A_1 : vector<1x320000xi32> to vector<320000xi32>
    %swap3A = arith.constant 0 : index
    %swap3A_3 = vector.load %arg1[%swap3A] : memref<320000xi32, #tpu.memory_space<vmem>>, vector<320000xi32>
    tpu.vector_store %arg1[%swap3A], %get3A_2 {strides = array<i32>} : memref<320000xi32, #tpu.memory_space<vmem>>, vector<320000xi32>,
    %get3A_4 = arith.constant 1 : index
    %get3A_5 = arith.constant 0 : index
    %get3A_6 = vector.load %arg0[%get3A_4, %get3A_5] : memref<2x320000xi32, #tpu.memory_space<vmem>>, vector<1x320000xi32>
    %get3A_7 = vector.shape_cast %get3A_6 : vector<1x320000xi32> to vector<320000xi32>
    %swap3A_8 = arith.constant 0 : index
    %swap3A_9 = vector.load %arg2[%swap3A_8] : memref<320000xi32, #tpu.memory_space<vmem>>, vector<320000xi32>
    tpu.vector_store %arg2[%swap3A_8], %get3A_7 {strides = array<i32>} : memref<320000xi32, #tpu.memory_space<vmem>>, vector<320000xi32>,
    return
  }
}

module attributes {stable_mosaic.version = 14 : i64} {
  func.func @_tc3_body(%arg0: i32, %arg1: memref<2x1024x128xf32, #tpu.memory_space<vmem>>, %arg2: memref<1024x128xf32, #tpu.memory_space<vmem>>, %arg3: memref<1024x1xf32, #tpu.memory_space<vmem>>, %arg4: memref<1x128xf32, #tpu.memory_space<vmem>>, %arg5: memref<128x128xf32, #tpu.memory_space<vmem>>, %arg6: memref<1024x128xf32, #tpu.memory_space<vmem>>, %arg7: memref<1024x128xf32, #tpu.memory_space<vmem>>) attributes {dimension_semantics = [#tpu.dimension_semantics<arbitrary>], iteration_bounds = array<i64: 10>, scalar_prefetch = 0 : i64, scratch_operands = 0 : i64, tpu.core_type = #tpu.core_type<tc>, window_params = [{transform_indices = @transform_0, window_bounds = array<i64: 2, 1024, 128>}, {transform_indices = @transform_1, window_bounds = array<i64: 1024, 128>}, {transform_indices = @transform_2, window_bounds = array<i64: 1024, 1>}, {pipeline_mode = #tpu.pipeline_mode<synchronous>, transform_indices = @transform_3, window_bounds = array<i64: 1, 128>}, {pipeline_mode = #tpu.pipeline_mode<synchronous>, transform_indices = @transform_4, window_bounds = array<i64: 128, 128>}, {transform_indices = @transform_5, window_bounds = array<i64: 1024, 128>}, {transform_indices = @transform_6, window_bounds = array<i64: 1024, 128>}]} {
    %get3A = arith.constant 0 : index
    %get3A_0 = arith.constant 0 : index
    %get3A_1 = vector.load %arg3[%get3A, %get3A_0] : memref<1024x1xf32, #tpu.memory_space<vmem>>, vector<1024x1xf32>
    %get3A_2 = arith.constant 0 : index
    %get3A_3 = arith.constant 0 : index
    %get3A_4 = arith.constant 0 : index
    %get3A_5 = vector.load %arg1[%get3A_2, %get3A_3, %get3A_4] : memref<2x1024x128xf32, #tpu.memory_space<vmem>>, vector<1x1024x128xf32>
    %get3A_6 = vector.shape_cast %get3A_5 : vector<1x1024x128xf32> to vector<1024x128xf32>
    %get3A_7 = arith.constant 1 : index
    %get3A_8 = arith.constant 0 : index
    %get3A_9 = arith.constant 0 : index
    %get3A_10 = vector.load %arg1[%get3A_7, %get3A_8, %get3A_9] : memref<2x1024x128xf32, #tpu.memory_space<vmem>>, vector<1x1024x128xf32>
    %get3A_11 = vector.shape_cast %get3A_10 : vector<1x1024x128xf32> to vector<1024x128xf32>
    %add3A = arith.addf %get3A_6, %get3A_11 : vector<1024x128xf32>
    %get3A_12 = arith.constant 0 : index
    %get3A_13 = arith.constant 0 : index
    %get3A_14 = vector.load %arg2[%get3A_12, %get3A_13] : memref<1024x128xf32, #tpu.memory_space<vmem>>, vector<1024x128xf32>
    %add3A_15 = arith.addf %add3A, %get3A_14 : vector<1024x128xf32>
    %mul3A = vector.broadcast %get3A_1 : vector<1024x1xf32> to vector<1024x128xf32>
    %mul3A_16 = arith.mulf %mul3A, %add3A_15 : vector<1024x128xf32>
    %get3A_17 = arith.constant 0 : index
    %get3A_18 = arith.constant 0 : index
    %get3A_19 = vector.load %arg4[%get3A_17, %get3A_18] : memref<1x128xf32, #tpu.memory_space<vmem>>, vector<1x128xf32>
    %add3A_20 = vector.broadcast %get3A_19 : vector<1x128xf32> to vector<1024x128xf32>
    %add3A_21 = arith.addf %mul3A_16, %add3A_20 : vector<1024x128xf32>
    %max3A = arith.constant 0.000000e+00 : f32
    %max3A_22 = vector.broadcast %max3A : f32 to vector<1024x128xf32>
    %max3A_23 = arith.maximumf %add3A_21, %max3A_22 : vector<1024x128xf32>
    %swap3A = arith.constant 0 : index
    %swap3A_24 = arith.constant 0 : index
    %swap3A_25 = vector.load %arg6[%swap3A, %swap3A_24] : memref<1024x128xf32, #tpu.memory_space<vmem>>, vector<1024x128xf32>
    tpu.vector_store %arg6[%swap3A, %swap3A_24], %max3A_23 {strides = array<i32>} : memref<1024x128xf32, #tpu.memory_space<vmem>>, vector<1024x128xf32>,
    %get3A_26 = arith.constant 0 : index
    %get3A_27 = arith.constant 0 : index
    %get3A_28 = vector.load %arg5[%get3A_26, %get3A_27] : memref<128x128xf32, #tpu.memory_space<vmem>>, vector<128x128xf32>
    %dot_general3A = arith.constant dense<0.000000e+00> : vector<1024x128xf32>
    %dot_general3A_29 = tpu.matmul %max3A_23, %get3A_28, %dot_general3A {dimension_numbers = #tpu.dot_dimension_numbers<[1], [0], [0], [1], [0, 0, 1, 1], [], []>, transpose_lhs_hint = false} : vector<1024x128xf32>, vector<128x128xf32>, vector<1024x128xf32> -> vector<1024x128xf32>
    %mul3A_30 = vector.broadcast %get3A_1 : vector<1024x1xf32> to vector<1024x128xf32>
    %mul3A_31 = arith.mulf %dot_general3A_29, %mul3A_30 : vector<1024x128xf32>
    %swap3A_32 = arith.constant 0 : index
    %swap3A_33 = arith.constant 0 : index
    %swap3A_34 = vector.load %arg7[%swap3A_32, %swap3A_33] : memref<1024x128xf32, #tpu.memory_space<vmem>>, vector<1024x128xf32>
    tpu.vector_store %arg7[%swap3A_32, %swap3A_33], %mul3A_31 {strides = array<i32>} : memref<1024x128xf32, #tpu.memory_space<vmem>>, vector<1024x128xf32>,
    return
  }
  func.func @transform_0(%arg0: i32) -> (i32, i32, i32) {
    %c0_i32 = arith.constant 0 : i32
    %c0_i32_0 = arith.constant 0 : i32
    %c0_i32_1 = arith.constant 0 : i32
    return %c0_i32, %arg0, %c0_i32_0 : i32, i32, i32
  }
  func.func @transform_1(%arg0: i32) -> (i32, i32) {
    %c0_i32 = arith.constant 0 : i32
    %c0_i32_0 = arith.constant 0 : i32
    return %arg0, %c0_i32 : i32, i32
  }
  func.func @transform_2(%arg0: i32) -> (i32, i32) {
    %c0_i32 = arith.constant 0 : i32
    %c0_i32_0 = arith.constant 0 : i32
    return %arg0, %c0_i32 : i32, i32
  }
  func.func @transform_3(%arg0: i32) -> (i32, i32) {
    %c0_i32 = arith.constant 0 : i32
    %c0_i32_0 = arith.constant 0 : i32
    %c0_i32_1 = arith.constant 0 : i32
    return %c0_i32, %c0_i32_0 : i32, i32
  }
  func.func @transform_4(%arg0: i32) -> (i32, i32) {
    %c0_i32 = arith.constant 0 : i32
    %c0_i32_0 = arith.constant 0 : i32
    %c0_i32_1 = arith.constant 0 : i32
    return %c0_i32, %c0_i32_0 : i32, i32
  }
  func.func @transform_5(%arg0: i32) -> (i32, i32) {
    %c0_i32 = arith.constant 0 : i32
    %c0_i32_0 = arith.constant 0 : i32
    return %arg0, %c0_i32 : i32, i32
  }
  func.func @transform_6(%arg0: i32) -> (i32, i32) {
    %c0_i32 = arith.constant 0 : i32
    %c0_i32_0 = arith.constant 0 : i32
    return %arg0, %c0_i32 : i32, i32
  }
}

module attributes {stable_mosaic.version = 14 : i64} {
  func.func @_tc1_body(%arg0: i32, %arg1: memref<1024x128xf32, #tpu.memory_space<vmem>>, %arg2: memref<128x128xf32, #tpu.memory_space<vmem>>, %arg3: memref<2x1024x16xf32, #tpu.memory_space<vmem>>, %arg4: memref<1024x128xf32, #tpu.memory_space<vmem>>, %arg5: memref<1024x1xf32, #tpu.memory_space<vmem>>) attributes {dimension_semantics = [#tpu.dimension_semantics<arbitrary>], iteration_bounds = array<i64: 10>, scalar_prefetch = 0 : i64, scratch_operands = 0 : i64, tpu.core_type = #tpu.core_type<tc>, window_params = [{transform_indices = @transform_0, window_bounds = array<i64: 1024, 128>}, {pipeline_mode = #tpu.pipeline_mode<synchronous>, transform_indices = @transform_1, window_bounds = array<i64: 128, 128>}, {transform_indices = @transform_2, window_bounds = array<i64: 2, 1024, 16>}, {transform_indices = @transform_3, window_bounds = array<i64: 1024, 128>}, {transform_indices = @transform_4, window_bounds = array<i64: 1024, 1>}]} {
    %get3A = arith.constant 0 : index
    %get3A_0 = arith.constant 0 : index
    %get3A_1 = arith.constant 0 : index
    %get3A_2 = vector.load %arg3[%get3A, %get3A_0, %get3A_1] : memref<2x1024x16xf32, #tpu.memory_space<vmem>>, vector<1x1024x1xf32>
    %get3A_3 = vector.shape_cast %get3A_2 : vector<1x1024x1xf32> to vector<1024x1xf32>
    %get3A_4 = arith.constant 1 : index
    %get3A_5 = arith.constant 0 : index
    %get3A_6 = arith.constant 0 : index
    %get3A_7 = vector.load %arg3[%get3A_4, %get3A_5, %get3A_6] : memref<2x1024x16xf32, #tpu.memory_space<vmem>>, vector<1x1024x1xf32>
    %get3A_8 = vector.shape_cast %get3A_7 : vector<1x1024x1xf32> to vector<1024x1xf32>
    %add3A = arith.addf %get3A_3, %get3A_8 : vector<1024x1xf32>
    %add3A_9 = arith.constant 1.000000e+00 : f32
    %add3A_10 = vector.broadcast %add3A_9 : f32 to vector<1024x1xf32>
    %add3A_11 = arith.addf %add3A, %add3A_10 : vector<1024x1xf32>
    %rsqrt3A = math.rsqrt %add3A_11 : vector<1024x1xf32>
    %swap3A = arith.constant 0 : index
    %swap3A_12 = arith.constant 0 : index
    %swap3A_13 = vector.load %arg5[%swap3A, %swap3A_12] : memref<1024x1xf32, #tpu.memory_space<vmem>>, vector<1024x1xf32>
    tpu.vector_store %arg5[%swap3A, %swap3A_12], %rsqrt3A {strides = array<i32>} : memref<1024x1xf32, #tpu.memory_space<vmem>>, vector<1024x1xf32>,
    %get3A_14 = arith.constant 0 : index
    %get3A_15 = arith.constant 0 : index
    %get3A_16 = vector.load %arg1[%get3A_14, %get3A_15] : memref<1024x128xf32, #tpu.memory_space<vmem>>, vector<1024x128xf32>
    %get3A_17 = arith.constant 0 : index
    %get3A_18 = arith.constant 0 : index
    %get3A_19 = vector.load %arg2[%get3A_17, %get3A_18] : memref<128x128xf32, #tpu.memory_space<vmem>>, vector<128x128xf32>
    %dot_general3A = arith.constant dense<0.000000e+00> : vector<1024x128xf32>
    %dot_general3A_20 = tpu.matmul %get3A_16, %get3A_19, %dot_general3A {dimension_numbers = #tpu.dot_dimension_numbers<[1], [0], [0], [1], [0, 0, 1, 1], [], []>, transpose_lhs_hint = false} : vector<1024x128xf32>, vector<128x128xf32>, vector<1024x128xf32> -> vector<1024x128xf32>
    %mul3A = vector.broadcast %rsqrt3A : vector<1024x1xf32> to vector<1024x128xf32>
    %mul3A_21 = arith.mulf %dot_general3A_20, %mul3A : vector<1024x128xf32>
    %swap3A_22 = arith.constant 0 : index
    %swap3A_23 = arith.constant 0 : index
    %swap3A_24 = vector.load %arg4[%swap3A_22, %swap3A_23] : memref<1024x128xf32, #tpu.memory_space<vmem>>, vector<1024x128xf32>
    tpu.vector_store %arg4[%swap3A_22, %swap3A_23], %mul3A_21 {strides = array<i32>} : memref<1024x128xf32, #tpu.memory_space<vmem>>, vector<1024x128xf32>,
    return
  }
  func.func @transform_0(%arg0: i32) -> (i32, i32) {
    %c0_i32 = arith.constant 0 : i32
    %c0_i32_0 = arith.constant 0 : i32
    return %arg0, %c0_i32 : i32, i32
  }
  func.func @transform_1(%arg0: i32) -> (i32, i32) {
    %c0_i32 = arith.constant 0 : i32
    %c0_i32_0 = arith.constant 0 : i32
    %c0_i32_1 = arith.constant 0 : i32
    return %c0_i32, %c0_i32_0 : i32, i32
  }
  func.func @transform_2(%arg0: i32) -> (i32, i32, i32) {
    %c0_i32 = arith.constant 0 : i32
    %c0_i32_0 = arith.constant 0 : i32
    %c0_i32_1 = arith.constant 0 : i32
    return %c0_i32, %arg0, %c0_i32_0 : i32, i32, i32
  }
  func.func @transform_3(%arg0: i32) -> (i32, i32) {
    %c0_i32 = arith.constant 0 : i32
    %c0_i32_0 = arith.constant 0 : i32
    return %arg0, %c0_i32 : i32, i32
  }
  func.func @transform_4(%arg0: i32) -> (i32, i32) {
    %c0_i32 = arith.constant 0 : i32
    %c0_i32_0 = arith.constant 0 : i32
    return %arg0, %c0_i32 : i32, i32
  }
}

module attributes {stable_mosaic.version = 14 : i64} {
  func.func @_tc4_body(%arg0: i32, %arg1: memref<2x1024x128xf32, #tpu.memory_space<vmem>>, %arg2: memref<1024x128xf32, #tpu.memory_space<vmem>>, %arg3: memref<1024x128xf32, #tpu.memory_space<vmem>>, %arg4: memref<1024x1xf32, #tpu.memory_space<vmem>>, %arg5: memref<1x128xf32, #tpu.memory_space<vmem>>, %arg6: memref<128x16xf32, #tpu.memory_space<vmem>>, %arg7: memref<1x16xf32, #tpu.memory_space<vmem>>, %arg8: memref<1024x16xf32, #tpu.memory_space<vmem>>, %arg9: memref<1024x272xf32, #tpu.memory_space<vmem>>) attributes {dimension_semantics = [#tpu.dimension_semantics<arbitrary>], iteration_bounds = array<i64: 10>, scalar_prefetch = 0 : i64, scratch_operands = 0 : i64, tpu.core_type = #tpu.core_type<tc>, window_params = [{transform_indices = @transform_0, window_bounds = array<i64: 2, 1024, 128>}, {transform_indices = @transform_1, window_bounds = array<i64: 1024, 128>}, {transform_indices = @transform_2, window_bounds = array<i64: 1024, 128>}, {transform_indices = @transform_3, window_bounds = array<i64: 1024, 1>}, {pipeline_mode = #tpu.pipeline_mode<synchronous>, transform_indices = @transform_4, window_bounds = array<i64: 1, 128>}, {pipeline_mode = #tpu.pipeline_mode<synchronous>, transform_indices = @transform_5, window_bounds = array<i64: 128, 16>}, {pipeline_mode = #tpu.pipeline_mode<synchronous>, transform_indices = @transform_6, window_bounds = array<i64: 1, 16>}, {transform_indices = @transform_7, window_bounds = array<i64: 1024, 16>}, {transform_indices = @transform_8, window_bounds = array<i64: 1024, 272>}]} {
    %get3A = arith.constant 0 : index
    %get3A_0 = arith.constant 0 : index
    %get3A_1 = vector.load %arg4[%get3A, %get3A_0] : memref<1024x1xf32, #tpu.memory_space<vmem>>, vector<1024x1xf32>
    %get3A_2 = arith.constant 0 : index
    %get3A_3 = arith.constant 0 : index
    %get3A_4 = arith.constant 0 : index
    %get3A_5 = vector.load %arg1[%get3A_2, %get3A_3, %get3A_4] : memref<2x1024x128xf32, #tpu.memory_space<vmem>>, vector<1x1024x128xf32>
    %get3A_6 = vector.shape_cast %get3A_5 : vector<1x1024x128xf32> to vector<1024x128xf32>
    %get3A_7 = arith.constant 1 : index
    %get3A_8 = arith.constant 0 : index
    %get3A_9 = arith.constant 0 : index
    %get3A_10 = vector.load %arg1[%get3A_7, %get3A_8, %get3A_9] : memref<2x1024x128xf32, #tpu.memory_space<vmem>>, vector<1x1024x128xf32>
    %get3A_11 = vector.shape_cast %get3A_10 : vector<1x1024x128xf32> to vector<1024x128xf32>
    %add3A = arith.addf %get3A_6, %get3A_11 : vector<1024x128xf32>
    %get3A_12 = arith.constant 0 : index
    %get3A_13 = arith.constant 0 : index
    %get3A_14 = vector.load %arg2[%get3A_12, %get3A_13] : memref<1024x128xf32, #tpu.memory_space<vmem>>, vector<1024x128xf32>
    %add3A_15 = arith.addf %add3A, %get3A_14 : vector<1024x128xf32>
    %mul3A = vector.broadcast %get3A_1 : vector<1024x1xf32> to vector<1024x128xf32>
    %mul3A_16 = arith.mulf %mul3A, %add3A_15 : vector<1024x128xf32>
    %get3A_17 = arith.constant 0 : index
    %get3A_18 = arith.constant 0 : index
    %get3A_19 = vector.load %arg5[%get3A_17, %get3A_18] : memref<1x128xf32, #tpu.memory_space<vmem>>, vector<1x128xf32>
    %add3A_20 = vector.broadcast %get3A_19 : vector<1x128xf32> to vector<1024x128xf32>
    %add3A_21 = arith.addf %mul3A_16, %add3A_20 : vector<1024x128xf32>
    %max3A = arith.constant 0.000000e+00 : f32
    %max3A_22 = vector.broadcast %max3A : f32 to vector<1024x128xf32>
    %max3A_23 = arith.maximumf %add3A_21, %max3A_22 : vector<1024x128xf32>
    %get3A_24 = arith.constant 0 : index
    %get3A_25 = arith.constant 0 : index
    %get3A_26 = vector.load %arg6[%get3A_24, %get3A_25] : memref<128x16xf32, #tpu.memory_space<vmem>>, vector<128x16xf32>
    %dot_general3A = arith.constant dense<0.000000e+00> : vector<1024x16xf32>
    %dot_general3A_27 = tpu.matmul %max3A_23, %get3A_26, %dot_general3A {dimension_numbers = #tpu.dot_dimension_numbers<[1], [0], [0], [1], [0, 0, 1, 1], [], []>, transpose_lhs_hint = false} : vector<1024x128xf32>, vector<128x16xf32>, vector<1024x16xf32> -> vector<1024x16xf32>
    %get3A_28 = arith.constant 0 : index
    %get3A_29 = arith.constant 0 : index
    %get3A_30 = vector.load %arg7[%get3A_28, %get3A_29] : memref<1x16xf32, #tpu.memory_space<vmem>>, vector<1x16xf32>
    %add3A_31 = vector.broadcast %get3A_30 : vector<1x16xf32> to vector<1024x16xf32>
    %add3A_32 = arith.addf %dot_general3A_27, %add3A_31 : vector<1024x16xf32>
    %swap3A = arith.constant 0 : index
    %swap3A_33 = arith.constant 0 : index
    %swap3A_34 = vector.load %arg8[%swap3A, %swap3A_33] : memref<1024x16xf32, #tpu.memory_space<vmem>>, vector<1024x16xf32>
    tpu.vector_store %arg8[%swap3A, %swap3A_33], %add3A_32 {strides = array<i32>} : memref<1024x16xf32, #tpu.memory_space<vmem>>, vector<1024x16xf32>,
    %get3A_35 = arith.constant 0 : index
    %get3A_36 = arith.constant 0 : index
    %get3A_37 = vector.load %arg3[%get3A_35, %get3A_36] : memref<1024x128xf32, #tpu.memory_space<vmem>>, vector<1024x128xf32>
    %concatenate3A = tpu.concatenate %get3A_37, %max3A_23, %add3A_32 in 1 : vector<1024x128xf32>, vector<1024x128xf32>, vector<1024x16xf32> -> vector<1024x272xf32>
    %swap3A_38 = arith.constant 0 : index
    %swap3A_39 = arith.constant 0 : index
    %swap3A_40 = vector.load %arg9[%swap3A_38, %swap3A_39] : memref<1024x272xf32, #tpu.memory_space<vmem>>, vector<1024x272xf32>
    tpu.vector_store %arg9[%swap3A_38, %swap3A_39], %concatenate3A {strides = array<i32>} : memref<1024x272xf32, #tpu.memory_space<vmem>>, vector<1024x272xf32>,
    return
  }
  func.func @transform_0(%arg0: i32) -> (i32, i32, i32) {
    %c0_i32 = arith.constant 0 : i32
    %c0_i32_0 = arith.constant 0 : i32
    %c0_i32_1 = arith.constant 0 : i32
    return %c0_i32, %arg0, %c0_i32_0 : i32, i32, i32
  }
  func.func @transform_1(%arg0: i32) -> (i32, i32) {
    %c0_i32 = arith.constant 0 : i32
    %c0_i32_0 = arith.constant 0 : i32
    return %arg0, %c0_i32 : i32, i32
  }
  func.func @transform_2(%arg0: i32) -> (i32, i32) {
    %c0_i32 = arith.constant 0 : i32
    %c0_i32_0 = arith.constant 0 : i32
    return %arg0, %c0_i32 : i32, i32
  }
  func.func @transform_3(%arg0: i32) -> (i32, i32) {
    %c0_i32 = arith.constant 0 : i32
    %c0_i32_0 = arith.constant 0 : i32
    return %arg0, %c0_i32 : i32, i32
  }
  func.func @transform_4(%arg0: i32) -> (i32, i32) {
    %c0_i32 = arith.constant 0 : i32
    %c0_i32_0 = arith.constant 0 : i32
    %c0_i32_1 = arith.constant 0 : i32
    return %c0_i32, %c0_i32_0 : i32, i32
  }
  func.func @transform_5(%arg0: i32) -> (i32, i32) {
    %c0_i32 = arith.constant 0 : i32
    %c0_i32_0 = arith.constant 0 : i32
    %c0_i32_1 = arith.constant 0 : i32
    return %c0_i32, %c0_i32_0 : i32, i32
  }
  func.func @transform_6(%arg0: i32) -> (i32, i32) {
    %c0_i32 = arith.constant 0 : i32
    %c0_i32_0 = arith.constant 0 : i32
    %c0_i32_1 = arith.constant 0 : i32
    return %c0_i32, %c0_i32_0 : i32, i32
  }
  func.func @transform_7(%arg0: i32) -> (i32, i32) {
    %c0_i32 = arith.constant 0 : i32
    %c0_i32_0 = arith.constant 0 : i32
    return %arg0, %c0_i32 : i32, i32
  }
  func.func @transform_8(%arg0: i32) -> (i32, i32) {
    %c0_i32 = arith.constant 0 : i32
    %c0_i32_0 = arith.constant 0 : i32
    return %arg0, %c0_i32 : i32, i32
  }
}

</mosaic_0001>

<sc_bundles>
// kernel: kernel.12.cloned.1.call-start
scs
__scs_entry_jumppad:
0x0: {  	(pc) =	sbr.rel $0x88, $3  }
0x1: {  	(tag) =	ssettag $0x0;
	lr =	simm.s32 $0x1  }
0x2: {  	[smem:$0x3F99] =	sst lr;
	_ =	strace $0xD0000000  }
0x3: {  	_ = 	snop  }
0x4: {  	_ = 	snop  }
0x5: {  	_ = 	snop  }
0x6: {  	_ = 	snop  }
0x7: {  	_ = 	snop  }
__scs_overlays_trampoline_lowered:
0x8: {  	[smem:$0x3FA8] =	sst s0  }
0x9: {  	[smem:$0x3FA9] =	sst s1  }
0xa: {  	[smem:$0x3FAA] =	sst s2  }
0xb: {  	[smem:$0x3FAB] =	sst s3  }
0xc: {  	[smem:$0x3FAC] =	sst s4  }
0xd: {  	[smem:$0x3FAD] =	sst s5  }
0xe: {  	[smem:$0x3FAE] =	sst s6  }
0xf: {  	[smem:$0x3FAF] =	sst s7  }
0x10: {  	[smem:$0x3FB0] =	sst s8  }
0x11: {  	[smem:$0x3FB1] =	sst s9;
	s0 =	simm.s32 @!p0 $0x0  }
0x12: {  	s1 =	sld [smem:$0x3F97];
	s0 =	simm.s32 @p0 $0x1  }
0x13: {  	[smem:$0x3FB2] =	sst s0;
	s0 =	simm.s32 @!p1 $0x0  }
0x14: {  	s2 =	sld [smem:$0x3F96];
	s0 =	simm.s32 @p1 $0x1  }
0x15: {  	[smem:$0x3FB3] =	sst s0;
	s0 =	simm.s32 @!p2 $0x0  }
0x16: {  	s3 =	sld [smem:$0x3FDB];
	s0 =	simm.s32 @p2 $0x1  }
0x17: {  	s4 =	simm.s32 $0x1BF5;
	[smem:$0x3FB5] =	sst s0  }
0x18: {  	s0 =	sld [smem:$0x3F98];
	_ =	swait.ge [sflag:s4], $0x0  }
0x19: {  	s7 =	sld [smem:$0x3F99]  }
0x1a: {  	s8 =	sadd.s32 $0xFFFFE003, lr  }
0x1b: {  	s9 =	sadd.s32 $0xFFFFFEF7, lr;
	s5 =	simm.s32 $0xFFFFFFFF;
	p2 =	slt.u32 s8, $0xFFFFF086  }
0x1c: {  	p1 =	slt.u32 s9, $0xF7A;
	s5 =	simm.s32 @!p2 $0x0  }
0x1d: {  	s5 =	simm.s32 @p1 $0x1;
	p0 =	seq.s32 s7, s2  }
0x1e: {  	s7 =	smul.u32 @!p0 $0xF7A, s2;
	p2 =	seq.s32 @!p0 s5, $0x0  }
0x1f: {  	s9 =	smul.u32 $0xF7A, s1;
	s8 =	simm.s32 @!p0 $0x1BF5;
	p2 =	por !p2, p0  }
0x20: {  	[sflag:s8] =	ssyncset.s32 @!p0 $0xFFFFF086;
	s6 =	sadd.s32 @!p0 s3, s7;
	s7 =	simm.s32 @!p0 $0x108  }
0x21: {  	s3 =	sadd.s32 s3, s9;
	s6 =	sadd.s32 @!p0 $0x88, s6;
	s7 =	simm.s32 @p2 $0x1082  }
0x22: {  	[simem:s7], [sflag:s8] =	dma.local @!p0 [hbm:s6], $0xF7A  }
0x23: {  	s9 =	sor.u32 $0xD0000000, s2;
	s6 =	simm.s32 $0x108;
	_ =	swait.ge @!p0 [sflag:s8], $0x0  }
0x24: {  	s3 =	sadd.s32 $0x88, s3;
	s6 =	simm.s32 @!p1 $0x1082;
	[sflag:s4] =	ssyncset.s32 $0xFFFFF086  }
0x25: {  	[simem:s6], [sflag:s4] =	dma.local [hbm:s3], $0xF7A  }
0x26: {  	[smem:$0x3F99] =	sst s1;
	(tag) =	ssettag s2;
	_ =	strace s9  }
0x27: {  	s1 =	sld [smem:$0x3FA9]  }
0x28: {  	s2 =	sld [smem:$0x3FAA]  }
0x29: {  	s4 =	sld [smem:$0x3FAC]  }
0x2a: {  	p0 =	seq.s32 s5, $0x0;
	s5 =	sld [smem:$0x3FAD]  }
0x2b: {  	s6 =	sld [smem:$0x3FAE]  }
0x2c: {  	s7 =	sld [smem:$0x3FAF]  }
0x2d: {  	s3 =	simm.s32 $0x108;
	s8 =	sld [smem:$0x3FB0]  }
0x2e: {  	s3 =	simm.s32 @!p0 $0x1082;
	s9 =	sld [smem:$0x3FB1]  }
0x2f: {  	lr =	sadd.s32 s0, s3;
	s0 =	sld [smem:$0x3FA8]  }
0x30: {  	s3 =	sld [smem:$0x3FAB]  }
0x31: {  	[smem:$0x3FB4] =	sst s10  }
0x32: {  	s10 =	sld [smem:$0x3FB2];
	_ =	sdelay $0x3  }
0x33: {  	p0 =	seq.s32 s10, $0x1;
	s10 =	sld [smem:$0x3FB4];
	_ =	sdelay $0x3  }
0x34: {  	[smem:$0x3FB4] =	sst s10  }
0x35: {  	s10 =	sld [smem:$0x3FB3];
	_ =	sdelay $0x3  }
0x36: {  	p1 =	seq.s32 s10, $0x1;
	s10 =	sld [smem:$0x3FB4];
	_ =	sdelay $0x3  }
0x37: {  	[smem:$0x3FB4] =	sst s10  }
0x38: {  	s10 =	sld [smem:$0x3FB5]  }
0x39: {  	_ = 	snop;
	(pc) =	sbr.ind lr, $3  }
0x3a: {  	_ = 	snop  }
0x3b: {  	_ = 	snop  }
0x3c: {  	p2 =	seq.s32 s10, $0x1;
	s10 =	sld [smem:$0x3FB4]  }
0x3d: {  	_ =	shalt  }
0x3e: {  	_ =	shalt  }
0x3f: {  	_ =	shalt  }
0x40: {  	_ =	shalt  }
0x41: {  	_ =	shalt  }
0x42: {  	_ =	shalt  }
0x43: {  	_ =	shalt  }
0x44: {  	_ =	shalt  }
0x45: {  	_ =	shalt  }
0x46: {  	_ =	shalt  }
0x47: {  	_ =	shalt  }
0x48: {  	_ =	shalt  }
0x49: {  	_ =	shalt  }
0x4a: {  	_ =	shalt  }
0x4b: {  	_ =	shalt  }
0x4c: {  	_ =	shalt  }
0x4d: {  	_ =	shalt  }
0x4e: {  	_ =	shalt  }
0x4f: {  	_ =	shalt  }
0x50: {  	_ =	shalt  }
0x51: {  	_ =	shalt  }
0x52: {  	_ =	shalt  }
0x53: {  	_ =	shalt  }
0x54: {  	_ =	shalt  }
0x55: {  	_ =	shalt  }
0x56: {  	_ =	shalt  }
0x57: {  	_ =	shalt  }
0x58: {  	_ =	shalt  }
0x59: {  	_ =	shalt  }
0x5a: {  	_ =	shalt  }
0x5b: {  	_ =	shalt  }
0x5c: {  	_ =	shalt  }
0x5d: {  	_ =	shalt  }
0x5e: {  	_ =	shalt  }
0x5f: {  	_ =	shalt  }
0x60: {  	_ =	shalt  }
0x61: {  	_ =	shalt  }
0x62: {  	_ =	shalt  }
0x63: {  	_ =	shalt  }
0x64: {  	_ =	shalt  }
0x65: {  	_ =	shalt  }
0x66: {  	_ =	shalt  }
0x67: {  	_ =	shalt  }
0x68: {  	_ =	shalt  }
0x69: {  	_ =	shalt  }
0x6a: {  	_ =	shalt  }
0x6b: {  	_ =	shalt  }
0x6c: {  	_ =	shalt  }
0x6d: {  	_ =	shalt  }
0x6e: {  	_ =	shalt  }
0x6f: {  	_ =	shalt  }
0x70: {  	_ =	shalt  }
0x71: {  	_ =	shalt  }
0x72: {  	_ =	shalt  }
0x73: {  	_ =	shalt  }
0x74: {  	_ =	shalt  }
0x75: {  	_ =	shalt  }
0x76: {  	_ =	shalt  }
0x77: {  	_ =	shalt  }
0x78: {  	_ =	shalt  }
0x79: {  	_ =	shalt  }
0x7a: {  	_ =	shalt  }
0x7b: {  	_ =	shalt  }
0x7c: {  	_ =	shalt  }
0x7d: {  	_ =	shalt  }
0x7e: {  	_ =	shalt  }
0x7f: {  	_ =	shalt  }
0x80: {  	_ =	shalt  }
0x81: {  	_ =	shalt  }
0x82: {  	_ =	shalt  }
0x83: {  	_ =	shalt  }
0x84: {  	_ =	shalt  }
0x85: {  	_ =	shalt  }
0x86: {  	_ =	shalt  }
0x87: {  	_ =	shalt  }
.Lfunc_end0:
.L_simem_size_0:
called_computation.1_lowered:
.L_overlay_start_0:
0x88: {  	s2 =	sld [smem:$0x3FD9]  }
0x89: {  	s3 =	sld [smem:$0x3FFE];
	_ =	sdelay $0x1  }
0x8a: {  	s1 =	srdreg.scid  }
0x8b: {  	s0 =	sand.u32 $0x1, s1  }
0x8c: {  	s14 =	sshll.u32 s0, $0xA;
	s2 =	sadd.s32 s3, s2  }
0x8d: {  	s2 =	sadd.s32 s2, s14  }
0x8e: {  	[smem:$0x3FC0] =	sst s2  }
0x8f: {  	_ = 	snop  }
0x90: {  	s2 =	sld [smem:$0x3FD0];
	_ =	sdelay $0x2  }
0x91: {  	s15 =	simm.s32 $0xA;
	s4 =	simm.s32 $0x10  }
0x92: {  	[smem:s4], [sflag:s15] =	dma.local [hbm:s2], $0x1  }
0x93: {  	_ =	swait.eq [sflag:s15], $0x1  }
0x94: {  	[sflag:s15] =	ssyncset.done $0x0  }
0x95: {  	[sflag:s15] =	ssyncadd.s32 $0xFFFFFFFF  }
0x96: {  	s16 =	sld [smem:$0x11];
	(tm) =	ssettm $0x1  }
0x97: {  	s17 =	sld [smem:$0x3FFB];
	_ =	sdelay $0x3  }
0x98: {  	_ =	strace s17  }
0x99: {  	s3 =	sld [smem:$0x3FFC];
	_ =	sdelay $0x3  }
0x9a: {  	_ =	strace s3  }
0x9b: {  	s3 =	sld [smem:$0x3FFD];
	_ =	sdelay $0x3  }
0x9c: {  	_ =	strace s3  }
0x9d: {  	_ =	strace $0x8FFFFFFF  }
0x9e: {  	s18 =	sld [smem:$0x3FDB];
	_ =	sdelay $0x1  }
0x9f: {  	s19 =	simm.s32 $_scs_section_size  }
0xa0: {  	s5 =	simm.s32 $_size__tile_overlayer_lowered;
	s6 =	simm.s32 $_tile_overlayer_lowered  }
0xa1: {  	s22 =	simm.s32 $0x1BFF;
	s21 =	sshll.u32 s6, $0x1;
	s3 =	sadd.s32 s19, s18  }
0xa2: {  	s7 =	simm.s32 $0x0;
	s20 =	sshll.u32 s5, $0x1;
	s5 =	sadd.s32 s21, s3  }
0xa3: {  	[timem:s7], [sflag:s22] =	dma.local [hbm:s5], s20  }
0xa4: {  	_ =	swait.ge [sflag:s22], s20  }
0xa5: {  	s4 =	ssub.s32 $0x0, s20;
	[sflag:s22] =	ssyncset.done $0x0  }
0xa6: {  	[sflag:s22] =	ssyncadd.s32 s4;
	_ =	sdelay $0x1  }
0xa7: {  	s23 =	simm.s32 $0x1B8B  }
0xa8: {  	_ =	swait.ge [sflag:s23], $0x1  }
0xa9: {  	[sflag:s23] =	ssyncset.done $0x0  }
0xaa: {  	s25 =	simm.s32 $0x1B8E;
	s24 =	sld [smem:$0x3FFE];
	[sflag:s23] =	ssyncadd.s32 $0xFFFFFFFF  }
0xab: {  	s26 =	simm.s32 $execute0_lowered;
	[smem:$0x3FD2] =	sst s25  }
0xac: {  	s5 =	sshll.u32 s26, $0x1;
	_ =	strace $0x80000049;
	[dreg:$0x1] =	wrdreg $0xFFFFFFFF  }
0xad: {  	s28 =	simm.s32 $_size_execute0_lowered;
	s3 =	sadd.s32 s3, s5;
	[dreg:$0x0] =	wrdreg $0x0  }
0xae: {  	s5 =	sshll.u32 s28, $0x1;
	[dreg:$0x2] =	wrdreg s3  }
0xaf: {  	[dreg:$0x3] =	wrdreg s5  }
0xb0: {  	[dreg:$0x4] =	wrdreg $0xC0  }
0xb1: {  	_ =	task [dreg:s7], $0x5FFFF  }
0xb2: {  	[dreg:$0x1] =	wrdreg $0xFFFFFFFF  }
0xb3: {  	[dreg:$0x0] =	wrdreg $0x60  }
0xb4: {  	[dreg:$0x2] =	wrdreg s24  }
0xb5: {  	[dreg:$0x3] =	wrdreg s16  }
0xb6: {  	[dreg:$0x4] =	wrdreg $0x0  }
0xb7: {  	[dreg:$0x5] =	wrdreg $0x9  }
0xb8: {  	_ =	task.clear_ibuf [dreg:s7], $0x6FFFF;
	_ =	strace $0x90000049  }
0xb9: {  	s29 =	simm.s32 $0x9;
	_ =	strace $0x8000004B  }
0xba: {  	_ =	swait.ge [sflag:s29], $0x1  }
0xbb: {  	[sflag:s29] =	ssyncadd.s32 $0xFFFFFFFF  }
0xbc: {  	_ =	strace $0x9000004B  }
0xbd: {  	_ =	sfence  }
0xbe: {  	s30 =	sld [smem:$0x0];
	_ =	sdelay $0x2  }
0xbf: {  	s31 =	sshll.u32 s1, $0xD;
	s1 =	sshrl.u32 s1, $0x2  }
0xc0: {  	s3 =	sand.u32 $0x4000, s31;
	s1 =	sadd.s32 s1, s30  }
0xc1: {  	s0 =	sor.u32 s3, s0;
	s1 =	sshll.u32 s1, $0x11  }
0xc2: {  	s0 =	sor.u32 s1, s0  }
0xc3: {  	s0 =	sadd.s32 $0x8F2B, s0  }
0xc4: {  	[sflag:s0] =	ssyncadd.remote.s32 $0x1  }
0xc5: {  	_ =	sfence.sel $0xFFFF  }
0xc6: {  	[dreg:$0x0] =	wrdreg $0xFFFFFFFF;
	(pc) =	sbr.abs _section_cstart, $3  }
0xc7: {  	[dreg:$0x1] =	wrdreg $0xFFFFFFFF  }
0xc8: {  	_ =	task.clear_ibuf [dreg:s7], $0x2FFFF;
	_ =	strace $0x9FFFFFFF  }
0xc9: {  	(tm) =	ssettm $0x7FFFFFFF  }
tec
execute0_lowered:
.L_overlay_start_1:
0x0: {  	(tag) =	ssettag $0x1  }
0x1: {  	s0 =	rddreg [dreg:$0x0]  }
0x2: {  	s3 =	rddreg [dreg:$0x1]  }
0x3: {  	s1 =	rddreg [dreg:$0x2]  }
0x4: {  	s2 =	simm.s32 $0x0;
	s5 =	srdreg.scid;
	s11 =	stileid.u32  }
0x5: {  	s29 =	simm.s32 $0x3;
	[smem:$0x7FF] =	sst s2;
	s4 =	sadd.s32 $0x17200, s0  }
0x6: {  	s7 =	sand.u32 $0x1, s5;
	s5 =	sadd.s32 $0xD400, s0;
	s9 =	smul.u32 $0x4F000, s11  }
0x7: {  	s6 =	sadd.s32 $0x3600, s0;
	s10 =	smul.u32 $0x13C00, s11;
	s20 =	sshll.u32 s11, $0x1  }
0x8: {  	_ =	strace $0x8000004A;
	s8 =	ssub.s32 $0x2, s7;
	s16 =	smul.u32 $0x13C000, s7  }
0x9: {  	s19 =	sshrl.u32 s8, $0x1;
	s9 =	sshrl.u32 s9, $0x2;
	s21 =	sadd.s32 $0x4000, s10  }
0xa: {  	s12 =	sadd.s32 $0x8000, s10;
	s22 =	sadd.s32 $0xC000, s10;
	s14 =	sadd.s32 $0x10000, s10  }
0xb: {  	s0 =	ssub.s32 s8, s19;
	s8 =	sor.u32 s7, s20;
	s18 =	sadd.s32 s9, s1  }
0xc: {  	s20 =	sadd.s32 s21, s1;
	s13 =	sadd.s32 s12, s1;
	s15 =	sadd.s32 s22, s1  }
0xd: {  	s23 =	sadd.s32 s14, s1;
	s10 =	sadd.s32 s10, s16;
	[dreg:$0x6] =	wrdreg s13  }
0xe: {  	s9 =	sadd.s32 s16, s21;
	s7 =	smul.u32 $0x2710, s7;
	[dreg:$0x7] =	wrdreg s15  }
0xf: {  	s12 =	sadd.s32 s16, s12;
	s8 =	smul.u32 $0x2710, s8;
	[dreg:$0x8] =	wrdreg s23  }
0x10: {  	s10 =	sshrl.u32 s10, $0x3;
	s9 =	sshrl.u32 s9, $0x3;
	[dreg:$0x4] =	wrdreg s18  }
0x11: {  	s12 =	sshrl.u32 s12, $0x3;
	s0 =	smax.u32 s0, $0x1;
	[dreg:$0x5] =	wrdreg s20  }
0x12: {  	s13 =	sadd.s32 s16, s22;
	s10 =	sadd.s32 s3, s10;
	[dreg:$0x16] =	wrdreg s0  }
0x13: {  	s9 =	sadd.s32 s3, s9;
	s12 =	sadd.s32 s3, s12;
	[dreg:$0xd] =	wrdreg s10  }
0x14: {  	s0 =	simm.s32 $0x13F00;
	s8 =	sshrl.u32 s8, $0x3;
	[dreg:$0xe] =	wrdreg s9  }
0x15: {  	[dreg:$0xf] =	wrdreg s12;
	s9 =	sshrl.u32 s13, $0x3;
	s24 =	sadd.s32 s5, s8  }
0x16: {  	s12 =	simm.s32 $0x13C00;
	s17 =	sadd.s32 s6, s8;
	[dreg:$0x9] =	wrdreg s24  }
0x17: {  	s25 =	sadd.s32 $0x10, s8;
	s9 =	sadd.s32 s3, s9;
	[dreg:$0xa] =	wrdreg s17  }
0x18: {  	s26 =	sadd.s32 s5, s25;
	s15 =	sadd.s32 s6, s25;
	[dreg:$0x10] =	wrdreg s9  }
0x19: {  	s17 =	sadd.s32 $0x20, s8;
	s8 =	sadd.s32 $0x4E0, s8;
	[dreg:$0xb] =	wrdreg s26  }
0x1a: {  	[dreg:$0xc] =	wrdreg s15;
	s15 =	sadd.s32 s16, s14;
	s19 =	sadd.s32 s5, s17  }
0x1b: {  	s16 =	smul.u32 $0x4E20, s11;
	s21 =	sadd.s32 s5, s8;
	[dreg:$0x12] =	wrdreg s19  }
0x1c: {  	s8 =	sadd.s32 s6, s8;
	s14 =	simm.s32 $0x80;
	[dreg:$0x14] =	wrdreg s21  }
0x1d: {  	s10 =	sshrl.u32 s15, $0x3;
	[dreg:$0x15] =	wrdreg s8;
	s15 =	simm.s32 $0x13C80  }
0x1e: {  	s21 =	simm.s32 $0x7;
	s19 =	simm.s32 $0x5;
	s8 =	simm.s32 $0x0  }
0x1f: {  	s3 =	sadd.s32 s3, s10;
	s7 =	sadd.s32 s7, s16;
	s16 =	simm.s32 $0x13E00  }
0x20: {  	s10 =	simm.s32 $0x1;
	[dreg:$0x11] =	wrdreg s3;
	s3 =	sadd.s32 s6, s17  }
0x21: {  	s22 =	sadd.s32 $0x200, s7;
	s23 =	sadd.s32 $0x100, s7;
	s25 =	sadd.s32 $0x180, s7  }
.Ltmp0:
0x22: {  	s17 =	simm.s32 $0x17F00;
	[dreg:$0x13] =	wrdreg s3;
	(pc) =	sbr.rel .LBB2_1-.Ltmp0, $4  }
0x23: {  	s3 =	sshrl.u32 s22, $0x3;
	s24 =	sshrl.u32 s23, $0x3;
	[dreg:$0x17] =	wrdreg s25  }
0x24: {  	s22 =	simm.s32 $0x8;
	s25 =	simm.s32 $0x4;
	s23 =	simm.s32 $0x13D80  }
0x25: {  	s26 =	sadd.s32 s3, s6;
	s28 =	sadd.s32 s3, s5;
	s30 =	sadd.s32 s24, s6  }
0x26: {  	v0 =	vimm.f32 $0.0e+00;
	s31 =	sadd.s32 s24, s5;
	s3 =	simm.s32 $0x9;
	s24 =	simm.s32 $0x2  }
.LBB2_6:
0x27: {  	_ =	swait.ge [sflag:s25], $0x4000  }
0x28: {  	[sflag:s25] =	ssyncset.done $0x0  }
0x29: {  	[sflag:s25] =	ssyncadd.s32 $0xFFFFC000  }
0x2a: {  	_ =	swait.ge [sflag:s29], $0x4000  }
0x2b: {  	[sflag:s29] =	ssyncset.done $0x0  }
0x2c: {  	s7 =	simm.s32 $0x13E80;
	s8 =	simm.s32 $0x1BF00;
	[sflag:s29] =	ssyncadd.s32 $0xFFFFC000  }
0x2d: {  	[spmem:s1] =	stream.indirect.scatter.add.f32 [tilespmem:s8], [sflag:$0x6], $0x80, s7, s14, $0xb8;
	v63 =	vld [tilespmem:$0x0]  }
0x2e: {  	_ =	swait.ge [sflag:s19], $0x4000  }
0x2f: {  	[sflag:s19] =	ssyncset.done $0x0  }
0x30: {  	s10 =	simm.s32 $0x6;
	[sflag:s19] =	ssyncadd.s32 $0xFFFFC000  }
0x31: {  	_ =	swait.ge [sflag:s10], $0x4000  }
0x32: {  	[sflag:s10] =	ssyncset.done $0x0  }
0x33: {  	s13 =	simm.s32 $0x1FF00;
	s11 =	rddreg [dreg:$0x14];
	[sflag:s10] =	ssyncadd.s32 $0xFFFFC000  }
0x34: {  	[tilespmem:s13], [sflag:$0x9] =	stream.linear.gather [hbm4b:s11+s2], $0x10, $0x38;
	v63 =	vld [tilespmem:$0x0]  }
0x35: {  	_ =	swait.ge [sflag:s3], $0x10  }
0x36: {  	[sflag:s3] =	ssyncset.done $0x0  }
0x37: {  	s9 =	simm.s32 $0x1FF80;
	s18 =	rddreg [dreg:$0x15];
	[sflag:s3] =	ssyncadd.s32 $0xFFFFFFF0  }
0x38: {  	[tilespmem:s9], [sflag:$0x9] =	stream.linear.gather [hbm4b:s18+s2], $0x10, $0x38;
	v63 =	vld [tilespmem:$0x0]  }
0x39: {  	_ =	swait.ge [sflag:s3], $0x10  }
0x3a: {  	[sflag:s3] =	ssyncset.done $0x0  }
0x3b: {  	s20 =	simm.s32 $0x10;
	s10 =	simm.s32 $0x1;
	[sflag:s3] =	ssyncadd.s32 $0xFFFFFFF0  }
0x3c: {  	[tilespmem:s0], [sflag:$0x1] =	stream.indirect.gather [hbm4b:s4+s20], $0x80, s13, s20, $0xb8;
	v63 =	vld [tilespmem:$0x0]  }
0x3d: {  	_ =	swait.ge [sflag:s10], $0x800  }
0x3e: {  	[sflag:s10] =	ssyncset.done $0x0  }
0x3f: {  	[sflag:s10] =	ssyncadd.s32 $0xFFFFF800  }
0x40: {  	[spmem:s1] =	stream.indirect.scatter.add.f32 [tilespmem:s0], [sflag:$0x9], $0x80, s9, s20, $0xb8;
	v63 =	vld [tilespmem:$0x0]  }
0x41: {  	_ =	swait.ge [sflag:s3], $0x800  }
0x42: {  	[sflag:s3] =	ssyncset.done $0x0  }
0x43: {  	[sflag:s3] =	ssyncadd.s32 $0xFFFFF800  }
0x44: {  	[bflag:$0x0] =	sbarrier.arrive $0xFFFF  }
0x45: {  	s18 =	rddreg [dreg:$0x4]  }
0x46: {  	[tilespmem:s0], [sflag:$0x9] =	stream.linear.gather [spmem:s18], $0x4000, $0x38;
	v63 =	vld [tilespmem:$0x0]  }
0x47: {  	_ =	swait.ge [sflag:s3], $0x4000  }
0x48: {  	[sflag:s3] =	ssyncset.done $0x0  }
0x49: {  	s11 =	rddreg [dreg:$0xd];
	[sflag:s3] =	ssyncadd.s32 $0xFFFFC000  }
0x4a: {  	[hbm4b:s11+s2] =	stream.linear.scatter [tilespmem:s0], [sflag:$0x9], $0x4000, $0x38;
	v63 =	vld [tilespmem:$0x0]  }
0x4b: {  	_ =	swait.ge [sflag:s3], $0x4000  }
0x4c: {  	[sflag:s3] =	ssyncset.done $0x0  }
0x4d: {  	s20 =	rddreg [dreg:$0x5];
	[sflag:s3] =	ssyncadd.s32 $0xFFFFC000  }
0x4e: {  	[tilespmem:s0], [sflag:$0x9] =	stream.linear.gather [spmem:s20], $0x4000, $0x38;
	v63 =	vld [tilespmem:$0x0]  }
0x4f: {  	_ =	swait.ge [sflag:s3], $0x4000  }
0x50: {  	[sflag:s3] =	ssyncset.done $0x0  }
0x51: {  	s13 =	rddreg [dreg:$0xe];
	[sflag:s3] =	ssyncadd.s32 $0xFFFFC000  }
0x52: {  	[hbm4b:s13+s2] =	stream.linear.scatter [tilespmem:s0], [sflag:$0x9], $0x4000, $0x38;
	v63 =	vld [tilespmem:$0x0]  }
0x53: {  	_ =	swait.ge [sflag:s3], $0x4000  }
0x54: {  	[sflag:s3] =	ssyncset.done $0x0  }
0x55: {  	s8 =	rddreg [dreg:$0x6];
	[sflag:s3] =	ssyncadd.s32 $0xFFFFC000  }
0x56: {  	[tilespmem:s0], [sflag:$0x9] =	stream.linear.gather [spmem:s8], $0x4000, $0x38;
	v63 =	vld [tilespmem:$0x0]  }
0x57: {  	_ =	swait.ge [sflag:s3], $0x4000  }
0x58: {  	[sflag:s3] =	ssyncset.done $0x0  }
0x59: {  	s9 =	rddreg [dreg:$0xf];
	[sflag:s3] =	ssyncadd.s32 $0xFFFFC000  }
0x5a: {  	[hbm4b:s9+s2] =	stream.linear.scatter [tilespmem:s0], [sflag:$0x9], $0x4000, $0x38;
	v63 =	vld [tilespmem:$0x0]  }
0x5b: {  	_ =	swait.ge [sflag:s3], $0x4000  }
0x5c: {  	[sflag:s3] =	ssyncset.done $0x0  }
0x5d: {  	s11 =	rddreg [dreg:$0x7];
	[sflag:s3] =	ssyncadd.s32 $0xFFFFC000  }
0x5e: {  	[tilespmem:s0], [sflag:$0x9] =	stream.linear.gather [spmem:s11], $0x4000, $0x38;
	v63 =	vld [tilespmem:$0x0]  }
0x5f: {  	_ =	swait.ge [sflag:s3], $0x4000  }
0x60: {  	[sflag:s3] =	ssyncset.done $0x0  }
0x61: {  	s13 =	rddreg [dreg:$0x10];
	[sflag:s3] =	ssyncadd.s32 $0xFFFFC000  }
0x62: {  	[hbm4b:s13+s2] =	stream.linear.scatter [tilespmem:s0], [sflag:$0x9], $0x4000, $0x38;
	v63 =	vld [tilespmem:$0x0]  }
0x63: {  	_ =	swait.ge [sflag:s3], $0x4000  }
0x64: {  	[sflag:s3] =	ssyncset.done $0x0  }
0x65: {  	s8 =	rddreg [dreg:$0x8];
	[sflag:s3] =	ssyncadd.s32 $0xFFFFC000  }
0x66: {  	[tilespmem:s0], [sflag:$0x9] =	stream.linear.gather [spmem:s8], $0x3C00, $0x38;
	v63 =	vld [tilespmem:$0x0]  }
0x67: {  	_ =	swait.ge [sflag:s3], $0x3C00  }
0x68: {  	[sflag:s3] =	ssyncset.done $0x0  }
0x69: {  	s9 =	rddreg [dreg:$0x11];
	[sflag:s3] =	ssyncadd.s32 $0xFFFFC400  }
0x6a: {  	[hbm4b:s9+s2] =	stream.linear.scatter [tilespmem:s0], [sflag:$0x9], $0x3C00, $0x38;
	v63 =	vld [tilespmem:$0x0]  }
0x6b: {  	_ =	swait.ge [sflag:s3], $0x3C00  }
0x6c: {  	s11 =	rddreg [dreg:$0x18]  }
0x6d: {  	s13 =	rddreg [dreg:$0x16];
	s8 =	sadd.s32 $0x1, s11  }
0x6e: {  	p0 =	sne.s32 s8, s13  }
.Ltmp1:
0x6f: {  	_ = 	snop;
	(pc) =	sbr.rel @!p0 .LBB2_7-.Ltmp1, $3  }
0x70: {  	_ =	sdelay $0x1  }
0x71: {  	[sflag:s3] =	ssyncset.done $0x0  }
0x72: {  	[sflag:s3] =	ssyncadd.s32 $0xFFFFC400  }
.LBB2_1:
0x73: {  	[dreg:$0x18] =	wrdreg s8;
	s8 =	simm.s32 $0x0;
	s9 =	simm.s32 $0x200  }
.LBB2_2:
0x74: {  	p0 =	sne.s32 s9, $0xFE00;
	[tilespmem:s8+$0x13F70] =	vst v0  }
0x75: {  	[tilespmem:s8+$0x13F00] =	vst v0  }
0x76: {  	[tilespmem:s8+$0x13F10] =	vst v0  }
.Ltmp2:
0x77: {  	[tilespmem:s8+$0x13F20] =	vst v0;
	(pc) =	sbr.rel @p0 .LBB2_2-.Ltmp2, $4  }
0x78: {  	[tilespmem:s8+$0x13F30] =	vst v0  }
0x79: {  	[tilespmem:s8+$0x13F40] =	vst v0  }
0x7a: {  	[tilespmem:s8+$0x13F50] =	vst v0  }
0x7b: {  	[tilespmem:s8+$0x13F60] =	vst v0;
	s8 =	sshra.s32 s9, $0x2;
	s9 =	sadd.s32 $0x200, s9  }
0x7c: {  	[tilespmem:s8+$0x13F70] =	vst v0  }
0x7d: {  	[tilespmem:s8+$0x13F00] =	vst v0  }
0x7e: {  	[tilespmem:s8+$0x13F10] =	vst v0  }
0x7f: {  	[tilespmem:s8+$0x13F20] =	vst v0  }
0x80: {  	[tilespmem:s8+$0x13F30] =	vst v0  }
0x81: {  	[tilespmem:s8+$0x13F40] =	vst v0  }
0x82: {  	[tilespmem:s8+$0x13F50] =	vst v0  }
0x83: {  	[tilespmem:s8+$0x13F60] =	vst v0  }
0x84: {  	[spmem:s18] =	stream.linear.scatter [tilespmem:s0], [sflag:$0x9], $0x4000, $0x38;
	v63 =	vld [tilespmem:$0x0]  }
0x85: {  	_ =	swait.ge [sflag:s3], $0x4000  }
0x86: {  	[sflag:s3] =	ssyncset.done $0x0  }
0x87: {  	[sflag:s3] =	ssyncadd.s32 $0xFFFFC000  }
0x88: {  	[spmem:s20] =	stream.linear.scatter [tilespmem:s0], [sflag:$0x9], $0x4000, $0x38;
	v63 =	vld [tilespmem:$0x0]  }
0x89: {  	_ =	swait.ge [sflag:s3], $0x4000  }
0x8a: {  	[sflag:s3] =	ssyncset.done $0x0  }
0x8b: {  	s7 =	rddreg [dreg:$0x6];
	[sflag:s3] =	ssyncadd.s32 $0xFFFFC000  }
0x8c: {  	[spmem:s7] =	stream.linear.scatter [tilespmem:s0], [sflag:$0x9], $0x4000, $0x38;
	v63 =	vld [tilespmem:$0x0]  }
0x8d: {  	_ =	swait.ge [sflag:s3], $0x4000  }
0x8e: {  	[sflag:s3] =	ssyncset.done $0x0  }
0x8f: {  	s8 =	rddreg [dreg:$0x7];
	[sflag:s3] =	ssyncadd.s32 $0xFFFFC000  }
0x90: {  	[spmem:s8] =	stream.linear.scatter [tilespmem:s0], [sflag:$0x9], $0x4000, $0x38;
	v63 =	vld [tilespmem:$0x0]  }
0x91: {  	_ =	swait.ge [sflag:s3], $0x4000  }
0x92: {  	[sflag:s3] =	ssyncset.done $0x0  }
0x93: {  	s9 =	rddreg [dreg:$0x8];
	[sflag:s3] =	ssyncadd.s32 $0xFFFFC000  }
0x94: {  	[spmem:s9] =	stream.linear.scatter [tilespmem:s0], [sflag:$0x9], $0x3C00, $0x38;
	v63 =	vld [tilespmem:$0x0]  }
0x95: {  	_ =	swait.ge [sflag:s3], $0x3C00  }
0x96: {  	[sflag:s3] =	ssyncset.done $0x0  }
0x97: {  	[sflag:s3] =	ssyncadd.s32 $0xFFFFC400  }
0x98: {  	[bflag:$0x0] =	sbarrier.arrive $0xFFFF  }
0x99: {  	s8 =	simm.s32 $0x0;
	s11 =	rddreg [dreg:$0x9]  }
0x9a: {  	[tilespmem:s12], [sflag:$0x9] =	stream.linear.gather [hbm4b:s11+s8], $0x80, $0x38;
	v63 =	vld [tilespmem:$0x0]  }
0x9b: {  	_ =	swait.ge [sflag:s3], $0x80  }
0x9c: {  	[sflag:s3] =	ssyncset.done $0x0  }
0x9d: {  	s9 =	simm.s32 $0x13D80;
	s13 =	rddreg [dreg:$0xa];
	[sflag:s3] =	ssyncadd.s32 $0xFFFFFF80  }
0x9e: {  	[tilespmem:s9], [sflag:$0x9] =	stream.linear.gather [hbm4b:s13+s8], $0x80, $0x38;
	v63 =	vld [tilespmem:$0x0]  }
0x9f: {  	_ =	swait.ge [sflag:s3], $0x80  }
0xa0: {  	[sflag:s3] =	ssyncset.done $0x0  }
0xa1: {  	[sflag:s3] =	ssyncadd.s32 $0xFFFFFF80  }
0xa2: {  	[tilespmem:s0], [sflag:$0x1] =	stream.indirect.gather [hbm4b:s4+s14], $0x80, s12, s14, $0xb8;
	v63 =	vld [tilespmem:$0x0]  }
0xa3: {  	s18 =	rddreg [dreg:$0xb]  }
0xa4: {  	[tilespmem:s15], [sflag:$0x9] =	stream.linear.gather [hbm4b:s18+s8], $0x80, $0x38;
	v63 =	vld [tilespmem:$0x0]  }
0xa5: {  	_ =	swait.ge [sflag:s3], $0x80  }
0xa6: {  	[sflag:s3] =	ssyncset.done $0x0  }
0xa7: {  	s20 =	rddreg [dreg:$0xc];
	[sflag:s3] =	ssyncadd.s32 $0xFFFFFF80  }
0xa8: {  	[tilespmem:s16], [sflag:$0x9] =	stream.linear.gather [hbm4b:s20+s8], $0x80, $0x38;
	v63 =	vld [tilespmem:$0x0]  }
0xa9: {  	_ =	swait.ge [sflag:s3], $0x80  }
0xaa: {  	[sflag:s3] =	ssyncset.done $0x0  }
0xab: {  	[sflag:s3] =	ssyncadd.s32 $0xFFFFFF80  }
0xac: {  	[tilespmem:s17], [sflag:$0x2] =	stream.indirect.gather [hbm4b:s4+s14], $0x80, s15, s14, $0xb8;
	v63 =	vld [tilespmem:$0x0]  }
0xad: {  	_ =	swait.ge [sflag:s10], $0x4000  }
0xae: {  	[sflag:s10] =	ssyncset.done $0x0  }
0xaf: {  	[sflag:s10] =	ssyncadd.s32 $0xFFFFC000  }
0xb0: {  	[spmem:s1] =	stream.indirect.scatter.add.f32 [tilespmem:s0], [sflag:$0x4], $0x80, s9, s14, $0xb8;
	v63 =	vld [tilespmem:$0x0]  }
0xb1: {  	s11 =	simm.s32 $0x13D00;
	s10 =	rddreg [dreg:$0x12]  }
0xb2: {  	[tilespmem:s11], [sflag:$0x7] =	stream.linear.gather [hbm4b:s10+s8], $0x80, $0x38;
	v63 =	vld [tilespmem:$0x0]  }
0xb3: {  	s18 =	simm.s32 $0x13E80;
	s13 =	rddreg [dreg:$0x13]  }
0xb4: {  	[tilespmem:s18], [sflag:$0x8] =	stream.linear.gather [hbm4b:s13+s8], $0x80, $0x38;
	v63 =	vld [tilespmem:$0x0]  }
0xb5: {  	_ =	swait.ge [sflag:s21], $0x80  }
0xb6: {  	[sflag:s21] =	ssyncset.done $0x0  }
0xb7: {  	[sflag:s21] =	ssyncadd.s32 $0xFFFFFF80  }
0xb8: {  	_ =	swait.ge [sflag:s22], $0x80  }
0xb9: {  	s20 =	simm.s32 $0x1BF00;
	[sflag:s22] =	ssyncset.done $0x0  }
0xba: {  	s9 =	simm.s32 $0xFFFFFFFF;
	s10 =	rddreg [dreg:$0x17];
	[sflag:s22] =	ssyncadd.s32 $0xFFFFFF80  }
0xbb: {  	[tilespmem:s20], [sflag:$0x3] =	stream.indirect.gather [hbm4b:s4+s14], $0x80, s11, s14, $0xb8;
	v63 =	vld [tilespmem:$0x0]  }
.LBB2_4:
0xbc: {  	p0 =	sgt.u32 s9, $0x4A  }
0xbd: {  	s11 =	simm.s32 @!p0 $0x1  }
0xbe: {  	_ =	swait.ge @!p0 [sflag:s11], $0x4000  }
0xbf: {  	s18 =	simm.s32 @!p0 $0x13D80;
	[sflag:s11] =	ssyncset.done @!p0 $0x0  }
0xc0: {  	s7 =	simm.s32 @!p0 $0x13F00;
	[sflag:s11] =	ssyncadd.s32 @!p0 $0xFFFFC000;
	s11 =	simm.s32 @!p0 $0x80  }
0xc1: {  	[spmem:s1] =	stream.indirect.scatter.add.f32 @!p0 [tilespmem:s7], [sflag:$0x4], $0x80, s18, s11, $0xb8;
	v63 =	vld [tilespmem:$0x0]  }
0xc2: {  	s13 =	simm.s32 @!p0 $0x13D00;
	s7 =	sadd.s32 @!p0 s8, s31;
	s18 =	simm.s32 @!p0 $0x0  }
0xc3: {  	[tilespmem:s13], [sflag:$0x7] =	stream.linear.gather @!p0 [hbm4b:s7+s18], $0x80, $0x38;
	v63 =	vld [tilespmem:$0x0]  }
0xc4: {  	s7 =	simm.s32 @!p0 $0x6  }
0xc5: {  	_ =	swait.ge @!p0 [sflag:s7], $0x4000  }
0xc6: {  	[sflag:s7] =	ssyncset.done @!p0 $0x0  }
0xc7: {  	s20 =	simm.s32 @!p0 $0x13E80;
	[sflag:s7] =	ssyncadd.s32 @!p0 $0xFFFFC000;
	s7 =	sadd.s32 @!p0 s8, s30  }
0xc8: {  	[tilespmem:s20], [sflag:$0x8] =	stream.linear.gather @!p0 [hbm4b:s7+s18], $0x80, $0x38;
	v63 =	vld [tilespmem:$0x0]  }
0xc9: {  	s7 =	simm.s32 @!p0 $0x7  }
0xca: {  	_ =	swait.ge @!p0 [sflag:s7], $0x80  }
0xcb: {  	[sflag:s7] =	ssyncset.done @!p0 $0x0  }
0xcc: {  	[sflag:s7] =	ssyncadd.s32 @!p0 $0xFFFFFF80;
	s7 =	simm.s32 @!p0 $0x8  }
0xcd: {  	_ =	swait.ge @!p0 [sflag:s7], $0x80  }
0xce: {  	[sflag:s7] =	ssyncset.done @!p0 $0x0  }
0xcf: {  	[sflag:s7] =	ssyncadd.s32 @!p0 $0xFFFFFF80;
	s7 =	simm.s32 @!p0 $0x1BF00  }
0xd0: {  	[tilespmem:s7], [sflag:$0x3] =	stream.indirect.gather @!p0 [hbm4b:s4+s11], $0x80, s13, s11, $0xb8;
	v63 =	vld [tilespmem:$0x0]  }
0xd1: {  	p0 =	seq.s32 s8, $0x4B0  }
.Ltmp3:
0xd2: {  	_ = 	snop;
	(pc) =	sbr.rel @p0 .LBB2_6-.Ltmp3, $4  }
0xd3: {  	_ =	swait.ge [sflag:s24], $0x4000  }
0xd4: {  	[sflag:s24] =	ssyncset.done $0x0  }
0xd5: {  	[sflag:s24] =	ssyncadd.s32 $0xFFFFC000  }
0xd6: {  	[spmem:s1] =	stream.indirect.scatter.add.f32 [tilespmem:s17], [sflag:$0x5], $0x80, s16, s14, $0xb8;
	v63 =	vld [tilespmem:$0x0]  }
0xd7: {  	s7 =	sshrl.u32 s10, $0x3  }
0xd8: {  	s11 =	sadd.s32 s5, s7  }
0xd9: {  	[tilespmem:s12], [sflag:$0x7] =	stream.linear.gather [hbm4b:s11+s2], $0x80, $0x38;
	v63 =	vld [tilespmem:$0x0]  }
0xda: {  	_ =	swait.ge [sflag:s25], $0x4000  }
0xdb: {  	[sflag:s25] =	ssyncset.done $0x0  }
0xdc: {  	s7 =	sadd.s32 s6, s7;
	[sflag:s25] =	ssyncadd.s32 $0xFFFFC000  }
0xdd: {  	[tilespmem:s23], [sflag:$0x8] =	stream.linear.gather [hbm4b:s7+s2], $0x80, $0x38;
	v63 =	vld [tilespmem:$0x0]  }
0xde: {  	_ =	swait.ge [sflag:s21], $0x80  }
0xdf: {  	[sflag:s21] =	ssyncset.done $0x0  }
0xe0: {  	[sflag:s21] =	ssyncadd.s32 $0xFFFFFF80  }
0xe1: {  	_ =	swait.ge [sflag:s22], $0x80  }
0xe2: {  	[sflag:s22] =	ssyncset.done $0x0  }
0xe3: {  	[sflag:s22] =	ssyncadd.s32 $0xFFFFFF80  }
0xe4: {  	[tilespmem:s0], [sflag:$0x1] =	stream.indirect.gather [hbm4b:s4+s14], $0x80, s12, s14, $0xb8;
	v63 =	vld [tilespmem:$0x0]  }
0xe5: {  	_ =	swait.ge [sflag:s29], $0x4000  }
0xe6: {  	[sflag:s29] =	ssyncset.done $0x0  }
0xe7: {  	s13 =	simm.s32 $0x1BF00;
	s11 =	simm.s32 $0x13E80;
	[sflag:s29] =	ssyncadd.s32 $0xFFFFC000  }
0xe8: {  	[spmem:s1] =	stream.indirect.scatter.add.f32 [tilespmem:s13], [sflag:$0x6], $0x80, s11, s14, $0xb8;
	v63 =	vld [tilespmem:$0x0]  }
0xe9: {  	s18 =	sadd.s32 s8, s28  }
0xea: {  	[tilespmem:s15], [sflag:$0x7] =	stream.linear.gather [hbm4b:s18+s2], $0x80, $0x38;
	v63 =	vld [tilespmem:$0x0]  }
0xeb: {  	_ =	swait.ge [sflag:s19], $0x4000  }
0xec: {  	[sflag:s19] =	ssyncset.done $0x0  }
0xed: {  	s20 =	sadd.s32 s8, s26;
	[sflag:s19] =	ssyncadd.s32 $0xFFFFC000  }
0xee: {  	[tilespmem:s16], [sflag:$0x8] =	stream.linear.gather [hbm4b:s20+s2], $0x80, $0x38;
	v63 =	vld [tilespmem:$0x0]  }
0xef: {  	_ =	swait.ge [sflag:s21], $0x80  }
0xf0: {  	[sflag:s21] =	ssyncset.done $0x0  }
.Ltmp4:
0xf1: {  	[sflag:s21] =	ssyncadd.s32 $0xFFFFFF80;
	(pc) =	sbr.rel .LBB2_4-.Ltmp4, $4  }
0xf2: {  	_ =	swait.ge [sflag:s22], $0x80  }
0xf3: {  	s8 =	sadd.s32 $0x30, s8;
	[sflag:s22] =	ssyncset.done $0x0  }
0xf4: {  	s10 =	sadd.s32 $0x180, s10;
	s9 =	sadd.s32 $0x3, s9;
	[sflag:s22] =	ssyncadd.s32 $0xFFFFFF80  }
0xf5: {  	[tilespmem:s17], [sflag:$0x2] =	stream.indirect.gather [hbm4b:s4+s14], $0x80, s15, s14, $0xb8;
	v63 =	vld [tilespmem:$0x0]  }
.LBB2_7:
0xf6: {  	_ =	sfence.sel $0x180000  }
0xf7: {  	[bflag:$0x0] =	sbarrier.arrive $0xFFFF  }
0xf8: {  	_ =	strace $0x9000004A  }
0xf9: {  	s0 =	stileid.u32;
	[bflag:$0x2] =	sbarrier.arrive $0xFFFF  }
0xfa: {  	p0 =	sne.s32 s0, $0x0;
	s0 =	rddreg [dreg:$0x3]  }
0xfb: {  	s0 =	sadd.s32 @!p0 $0x100000, s0  }
0xfc: {  	[sflag:s0] =	ssyncadd.tile.s32 @!p0 $0x1;
	_ =	shalt  }
.Lfunc_end2:
_tile_overlayer_lowered:
.L_overlay_start_2:
0xfd: {  	(tag) =	ssettag $0x2  }
0xfe: {  	s0 =	rddreg [dreg:$0x0];
	s2 =	stileid.u32  }
0xff: {  	s1 =	rddreg [dreg:$0x1];
	p0 =	sne.s32 s2, $0x0  }
0x100: {  	s3 =	rddreg [dreg:$0x2];
	[bflag:$0x3] =	sbarrier.arrive $0xFFFF;
	s2 =	simm.s32 @!p0 $0x1C09  }
0x101: {  	[timem:s3], [sflag:s2] =	dma.local @!p0 [hbm:s0], s1  }
0x102: {  	s0 =	simm.s32 @!p0 $0x9  }
0x103: {  	_ =	swait.ge @!p0 [sflag:s0], s1  }
0x104: {  	s1 =	ssub.s32 @!p0 $0x0, s1;
	[sflag:s0] =	ssyncset.done @!p0 $0x0  }
0x105: {  	[sflag:s0] =	ssyncadd.s32 @!p0 s1  }
0x106: {  	[bflag:$0x3] =	sbarrier.arrive $0xFFFF  }
0x107: {  	_ =	shalt  }

// kernel: kernel.15.cloned.1.call-start
scs
__scs_entry_jumppad:
0x0: {  	(pc) =	sbr.rel $0x88, $3  }
0x1: {  	(tag) =	ssettag $0x0;
	lr =	simm.s32 $0x1  }
0x2: {  	[smem:$0x3F99] =	sst lr;
	_ =	strace $0xD0000000  }
0x3: {  	_ = 	snop  }
0x4: {  	_ = 	snop  }
0x5: {  	_ = 	snop  }
0x6: {  	_ = 	snop  }
0x7: {  	_ = 	snop  }
__scs_overlays_trampoline_lowered:
0x8: {  	[smem:$0x3FA8] =	sst s0  }
0x9: {  	[smem:$0x3FA9] =	sst s1  }
0xa: {  	[smem:$0x3FAA] =	sst s2  }
0xb: {  	[smem:$0x3FAB] =	sst s3  }
0xc: {  	[smem:$0x3FAC] =	sst s4  }
0xd: {  	[smem:$0x3FAD] =	sst s5  }
0xe: {  	[smem:$0x3FAE] =	sst s6  }
0xf: {  	[smem:$0x3FAF] =	sst s7  }
0x10: {  	[smem:$0x3FB0] =	sst s8  }
0x11: {  	[smem:$0x3FB1] =	sst s9;
	s0 =	simm.s32 @!p0 $0x0  }
0x12: {  	s1 =	sld [smem:$0x3F97];
	s0 =	simm.s32 @p0 $0x1  }
0x13: {  	[smem:$0x3FB2] =	sst s0;
	s0 =	simm.s32 @!p1 $0x0  }
0x14: {  	s2 =	sld [smem:$0x3F96];
	s0 =	simm.s32 @p1 $0x1  }
0x15: {  	[smem:$0x3FB3] =	sst s0;
	s0 =	simm.s32 @!p2 $0x0  }
0x16: {  	s3 =	sld [smem:$0x3FDB];
	s0 =	simm.s32 @p2 $0x1  }
0x17: {  	s4 =	simm.s32 $0x1BF5;
	[smem:$0x3FB5] =	sst s0  }
0x18: {  	s0 =	sld [smem:$0x3F98];
	_ =	swait.ge [sflag:s4], $0x0  }
0x19: {  	s7 =	sld [smem:$0x3F99]  }
0x1a: {  	s8 =	sadd.s32 $0xFFFFE003, lr  }
0x1b: {  	s9 =	sadd.s32 $0xFFFFFEF7, lr;
	s5 =	simm.s32 $0xFFFFFFFF;
	p2 =	slt.u32 s8, $0xFFFFF086  }
0x1c: {  	p1 =	slt.u32 s9, $0xF7A;
	s5 =	simm.s32 @!p2 $0x0  }
0x1d: {  	s5 =	simm.s32 @p1 $0x1;
	p0 =	seq.s32 s7, s2  }
0x1e: {  	s7 =	smul.u32 @!p0 $0xF7A, s2;
	p2 =	seq.s32 @!p0 s5, $0x0  }
0x1f: {  	s9 =	smul.u32 $0xF7A, s1;
	s8 =	simm.s32 @!p0 $0x1BF5;
	p2 =	por !p2, p0  }
0x20: {  	[sflag:s8] =	ssyncset.s32 @!p0 $0xFFFFF086;
	s6 =	sadd.s32 @!p0 s3, s7;
	s7 =	simm.s32 @!p0 $0x108  }
0x21: {  	s3 =	sadd.s32 s3, s9;
	s6 =	sadd.s32 @!p0 $0x88, s6;
	s7 =	simm.s32 @p2 $0x1082  }
0x22: {  	[simem:s7], [sflag:s8] =	dma.local @!p0 [hbm:s6], $0xF7A  }
0x23: {  	s9 =	sor.u32 $0xD0000000, s2;
	s6 =	simm.s32 $0x108;
	_ =	swait.ge @!p0 [sflag:s8], $0x0  }
0x24: {  	s3 =	sadd.s32 $0x88, s3;
	s6 =	simm.s32 @!p1 $0x1082;
	[sflag:s4] =	ssyncset.s32 $0xFFFFF086  }
0x25: {  	[simem:s6], [sflag:s4] =	dma.local [hbm:s3], $0xF7A  }
0x26: {  	[smem:$0x3F99] =	sst s1;
	(tag) =	ssettag s2;
	_ =	strace s9  }
0x27: {  	s1 =	sld [smem:$0x3FA9]  }
0x28: {  	s2 =	sld [smem:$0x3FAA]  }
0x29: {  	s4 =	sld [smem:$0x3FAC]  }
0x2a: {  	p0 =	seq.s32 s5, $0x0;
	s5 =	sld [smem:$0x3FAD]  }
0x2b: {  	s6 =	sld [smem:$0x3FAE]  }
0x2c: {  	s7 =	sld [smem:$0x3FAF]  }
0x2d: {  	s3 =	simm.s32 $0x108;
	s8 =	sld [smem:$0x3FB0]  }
0x2e: {  	s3 =	simm.s32 @!p0 $0x1082;
	s9 =	sld [smem:$0x3FB1]  }
0x2f: {  	lr =	sadd.s32 s0, s3;
	s0 =	sld [smem:$0x3FA8]  }
0x30: {  	s3 =	sld [smem:$0x3FAB]  }
0x31: {  	[smem:$0x3FB4] =	sst s10  }
0x32: {  	s10 =	sld [smem:$0x3FB2];
	_ =	sdelay $0x3  }
0x33: {  	p0 =	seq.s32 s10, $0x1;
	s10 =	sld [smem:$0x3FB4];
	_ =	sdelay $0x3  }
0x34: {  	[smem:$0x3FB4] =	sst s10  }
0x35: {  	s10 =	sld [smem:$0x3FB3];
	_ =	sdelay $0x3  }
0x36: {  	p1 =	seq.s32 s10, $0x1;
	s10 =	sld [smem:$0x3FB4];
	_ =	sdelay $0x3  }
0x37: {  	[smem:$0x3FB4] =	sst s10  }
0x38: {  	s10 =	sld [smem:$0x3FB5]  }
0x39: {  	_ = 	snop;
	(pc) =	sbr.ind lr, $3  }
0x3a: {  	_ = 	snop  }
0x3b: {  	_ = 	snop  }
0x3c: {  	p2 =	seq.s32 s10, $0x1;
	s10 =	sld [smem:$0x3FB4]  }
0x3d: {  	_ =	shalt  }
0x3e: {  	_ =	shalt  }
0x3f: {  	_ =	shalt  }
0x40: {  	_ =	shalt  }
0x41: {  	_ =	shalt  }
0x42: {  	_ =	shalt  }
0x43: {  	_ =	shalt  }
0x44: {  	_ =	shalt  }
0x45: {  	_ =	shalt  }
0x46: {  	_ =	shalt  }
0x47: {  	_ =	shalt  }
0x48: {  	_ =	shalt  }
0x49: {  	_ =	shalt  }
0x4a: {  	_ =	shalt  }
0x4b: {  	_ =	shalt  }
0x4c: {  	_ =	shalt  }
0x4d: {  	_ =	shalt  }
0x4e: {  	_ =	shalt  }
0x4f: {  	_ =	shalt  }
0x50: {  	_ =	shalt  }
0x51: {  	_ =	shalt  }
0x52: {  	_ =	shalt  }
0x53: {  	_ =	shalt  }
0x54: {  	_ =	shalt  }
0x55: {  	_ =	shalt  }
0x56: {  	_ =	shalt  }
0x57: {  	_ =	shalt  }
0x58: {  	_ =	shalt  }
0x59: {  	_ =	shalt  }
0x5a: {  	_ =	shalt  }
0x5b: {  	_ =	shalt  }
0x5c: {  	_ =	shalt  }
0x5d: {  	_ =	shalt  }
0x5e: {  	_ =	shalt  }
0x5f: {  	_ =	shalt  }
0x60: {  	_ =	shalt  }
0x61: {  	_ =	shalt  }
0x62: {  	_ =	shalt  }
0x63: {  	_ =	shalt  }
0x64: {  	_ =	shalt  }
0x65: {  	_ =	shalt  }
0x66: {  	_ =	shalt  }
0x67: {  	_ =	shalt  }
0x68: {  	_ =	shalt  }
0x69: {  	_ =	shalt  }
0x6a: {  	_ =	shalt  }
0x6b: {  	_ =	shalt  }
0x6c: {  	_ =	shalt  }
0x6d: {  	_ =	shalt  }
0x6e: {  	_ =	shalt  }
0x6f: {  	_ =	shalt  }
0x70: {  	_ =	shalt  }
0x71: {  	_ =	shalt  }
0x72: {  	_ =	shalt  }
0x73: {  	_ =	shalt  }
0x74: {  	_ =	shalt  }
0x75: {  	_ =	shalt  }
0x76: {  	_ =	shalt  }
0x77: {  	_ =	shalt  }
0x78: {  	_ =	shalt  }
0x79: {  	_ =	shalt  }
0x7a: {  	_ =	shalt  }
0x7b: {  	_ =	shalt  }
0x7c: {  	_ =	shalt  }
0x7d: {  	_ =	shalt  }
0x7e: {  	_ =	shalt  }
0x7f: {  	_ =	shalt  }
0x80: {  	_ =	shalt  }
0x81: {  	_ =	shalt  }
0x82: {  	_ =	shalt  }
0x83: {  	_ =	shalt  }
0x84: {  	_ =	shalt  }
0x85: {  	_ =	shalt  }
0x86: {  	_ =	shalt  }
0x87: {  	_ =	shalt  }
.Lfunc_end0:
.L_simem_size_0:
called_computation.2_lowered:
.L_overlay_start_0:
0x88: {  	s2 =	sld [smem:$0x3FD9]  }
0x89: {  	s3 =	sld [smem:$0x3FFE];
	_ =	sdelay $0x1  }
0x8a: {  	s1 =	srdreg.scid  }
0x8b: {  	s0 =	sand.u32 $0x1, s1  }
0x8c: {  	s14 =	sshll.u32 s0, $0xA;
	s2 =	sadd.s32 s3, s2  }
0x8d: {  	s2 =	sadd.s32 s2, s14  }
0x8e: {  	[smem:$0x3FC0] =	sst s2  }
0x8f: {  	_ = 	snop  }
0x90: {  	s2 =	sld [smem:$0x3FD0];
	_ =	sdelay $0x2  }
0x91: {  	s15 =	simm.s32 $0xA;
	s4 =	simm.s32 $0x10  }
0x92: {  	[smem:s4], [sflag:s15] =	dma.local [hbm:s2], $0x1  }
0x93: {  	_ =	swait.eq [sflag:s15], $0x1  }
0x94: {  	[sflag:s15] =	ssyncset.done $0x0  }
0x95: {  	[sflag:s15] =	ssyncadd.s32 $0xFFFFFFFF  }
0x96: {  	s16 =	sld [smem:$0x11];
	(tm) =	ssettm $0x1  }
0x97: {  	s17 =	sld [smem:$0x3FFB];
	_ =	sdelay $0x3  }
0x98: {  	_ =	strace s17  }
0x99: {  	s3 =	sld [smem:$0x3FFC];
	_ =	sdelay $0x3  }
0x9a: {  	_ =	strace s3  }
0x9b: {  	s3 =	sld [smem:$0x3FFD];
	_ =	sdelay $0x3  }
0x9c: {  	_ =	strace s3  }
0x9d: {  	_ =	strace $0x8FFFFFFF  }
0x9e: {  	s18 =	sld [smem:$0x3FDB];
	_ =	sdelay $0x1  }
0x9f: {  	s19 =	simm.s32 $_scs_section_size  }
0xa0: {  	s5 =	simm.s32 $_size__tile_overlayer_lowered;
	s6 =	simm.s32 $_tile_overlayer_lowered  }
0xa1: {  	s22 =	simm.s32 $0x1BFF;
	s21 =	sshll.u32 s6, $0x1;
	s3 =	sadd.s32 s19, s18  }
0xa2: {  	s7 =	simm.s32 $0x0;
	s20 =	sshll.u32 s5, $0x1;
	s5 =	sadd.s32 s21, s3  }
0xa3: {  	[timem:s7], [sflag:s22] =	dma.local [hbm:s5], s20  }
0xa4: {  	_ =	swait.ge [sflag:s22], s20  }
0xa5: {  	s4 =	ssub.s32 $0x0, s20;
	[sflag:s22] =	ssyncset.done $0x0  }
0xa6: {  	[sflag:s22] =	ssyncadd.s32 s4;
	_ =	sdelay $0x1  }
0xa7: {  	s23 =	simm.s32 $0x1B8B  }
0xa8: {  	_ =	swait.ge [sflag:s23], $0x1  }
0xa9: {  	[sflag:s23] =	ssyncset.done $0x0  }
0xaa: {  	s25 =	simm.s32 $0x1B8E;
	s24 =	sld [smem:$0x3FFE];
	[sflag:s23] =	ssyncadd.s32 $0xFFFFFFFF  }
0xab: {  	s26 =	simm.s32 $execute0_lowered;
	[smem:$0x3FD2] =	sst s25  }
0xac: {  	s5 =	sshll.u32 s26, $0x1;
	_ =	strace $0x8000004C;
	[dreg:$0x1] =	wrdreg $0xFFFFFFFF  }
0xad: {  	s28 =	simm.s32 $_size_execute0_lowered;
	s3 =	sadd.s32 s3, s5;
	[dreg:$0x0] =	wrdreg $0x0  }
0xae: {  	s5 =	sshll.u32 s28, $0x1;
	[dreg:$0x2] =	wrdreg s3  }
0xaf: {  	[dreg:$0x3] =	wrdreg s5  }
0xb0: {  	[dreg:$0x4] =	wrdreg $0xC0  }
0xb1: {  	_ =	task [dreg:s7], $0x5FFFF  }
0xb2: {  	[dreg:$0x1] =	wrdreg $0xFFFFFFFF  }
0xb3: {  	[dreg:$0x0] =	wrdreg $0x60  }
0xb4: {  	[dreg:$0x2] =	wrdreg s24  }
0xb5: {  	[dreg:$0x3] =	wrdreg s16  }
0xb6: {  	[dreg:$0x4] =	wrdreg $0x0  }
0xb7: {  	[dreg:$0x5] =	wrdreg $0x9  }
0xb8: {  	_ =	task.clear_ibuf [dreg:s7], $0x6FFFF;
	_ =	strace $0x9000004C  }
0xb9: {  	s29 =	simm.s32 $0x9;
	_ =	strace $0x8000004E  }
0xba: {  	_ =	swait.ge [sflag:s29], $0x1  }
0xbb: {  	[sflag:s29] =	ssyncadd.s32 $0xFFFFFFFF  }
0xbc: {  	_ =	strace $0x9000004E  }
0xbd: {  	_ =	sfence  }
0xbe: {  	s30 =	sld [smem:$0x0];
	_ =	sdelay $0x2  }
0xbf: {  	s31 =	sshll.u32 s1, $0xD;
	s1 =	sshrl.u32 s1, $0x2  }
0xc0: {  	s3 =	sand.u32 $0x4000, s31;
	s1 =	sadd.s32 s1, s30  }
0xc1: {  	s0 =	sor.u32 s3, s0;
	s1 =	sshll.u32 s1, $0x11  }
0xc2: {  	s0 =	sor.u32 s1, s0  }
0xc3: {  	s0 =	sadd.s32 $0x8F2B, s0  }
0xc4: {  	[sflag:s0] =	ssyncadd.remote.s32 $0x1  }
0xc5: {  	_ =	sfence.sel $0xFFFF  }
0xc6: {  	[dreg:$0x0] =	wrdreg $0xFFFFFFFF;
	(pc) =	sbr.abs _section_cstart, $3  }
0xc7: {  	[dreg:$0x1] =	wrdreg $0xFFFFFFFF  }
0xc8: {  	_ =	task.clear_ibuf [dreg:s7], $0x2FFFF;
	_ =	strace $0x9FFFFFFF  }
0xc9: {  	(tm) =	ssettm $0x7FFFFFFF  }
tec
execute0_lowered:
.L_overlay_start_1:
0x0: {  	(tag) =	ssettag $0x1  }
0x1: {  	s0 =	rddreg [dreg:$0x0]  }
0x2: {  	s3 =	rddreg [dreg:$0x1]  }
0x3: {  	s1 =	rddreg [dreg:$0x2]  }
0x4: {  	s2 =	simm.s32 $0x0;
	s5 =	srdreg.scid;
	s11 =	stileid.u32  }
0x5: {  	s29 =	simm.s32 $0x3;
	[smem:$0x7FF] =	sst s2;
	s4 =	sadd.s32 $0x17200, s0  }
0x6: {  	s7 =	sand.u32 $0x1, s5;
	s5 =	sadd.s32 $0xD400, s0;
	s9 =	smul.u32 $0x4F000, s11  }
0x7: {  	s6 =	sadd.s32 $0x3600, s0;
	s10 =	smul.u32 $0x13C00, s11;
	s20 =	sshll.u32 s11, $0x1  }
0x8: {  	_ =	strace $0x8000004D;
	s8 =	ssub.s32 $0x2, s7;
	s16 =	smul.u32 $0x13C000, s7  }
0x9: {  	s19 =	sshrl.u32 s8, $0x1;
	s9 =	sshrl.u32 s9, $0x2;
	s21 =	sadd.s32 $0x4000, s10  }
0xa: {  	s12 =	sadd.s32 $0x8000, s10;
	s22 =	sadd.s32 $0xC000, s10;
	s14 =	sadd.s32 $0x10000, s10  }
0xb: {  	s0 =	ssub.s32 s8, s19;
	s8 =	sor.u32 s7, s20;
	s18 =	sadd.s32 s9, s1  }
0xc: {  	s20 =	sadd.s32 s21, s1;
	s13 =	sadd.s32 s12, s1;
	s15 =	sadd.s32 s22, s1  }
0xd: {  	s23 =	sadd.s32 s14, s1;
	s10 =	sadd.s32 s10, s16;
	[dreg:$0x6] =	wrdreg s13  }
0xe: {  	s9 =	sadd.s32 s16, s21;
	s7 =	smul.u32 $0x2710, s7;
	[dreg:$0x7] =	wrdreg s15  }
0xf: {  	s12 =	sadd.s32 s16, s12;
	s8 =	smul.u32 $0x2710, s8;
	[dreg:$0x8] =	wrdreg s23  }
0x10: {  	s10 =	sshrl.u32 s10, $0x3;
	s9 =	sshrl.u32 s9, $0x3;
	[dreg:$0x4] =	wrdreg s18  }
0x11: {  	s12 =	sshrl.u32 s12, $0x3;
	s0 =	smax.u32 s0, $0x1;
	[dreg:$0x5] =	wrdreg s20  }
0x12: {  	s13 =	sadd.s32 s16, s22;
	s10 =	sadd.s32 s3, s10;
	[dreg:$0x16] =	wrdreg s0  }
0x13: {  	s9 =	sadd.s32 s3, s9;
	s12 =	sadd.s32 s3, s12;
	[dreg:$0xd] =	wrdreg s10  }
0x14: {  	s0 =	simm.s32 $0x13F00;
	s8 =	sshrl.u32 s8, $0x3;
	[dreg:$0xe] =	wrdreg s9  }
0x15: {  	[dreg:$0xf] =	wrdreg s12;
	s9 =	sshrl.u32 s13, $0x3;
	s24 =	sadd.s32 s5, s8  }
0x16: {  	s12 =	simm.s32 $0x13C00;
	s17 =	sadd.s32 s6, s8;
	[dreg:$0x9] =	wrdreg s24  }
0x17: {  	s25 =	sadd.s32 $0x10, s8;
	s9 =	sadd.s32 s3, s9;
	[dreg:$0xa] =	wrdreg s17  }
0x18: {  	s26 =	sadd.s32 s5, s25;
	s15 =	sadd.s32 s6, s25;
	[dreg:$0x10] =	wrdreg s9  }
0x19: {  	s17 =	sadd.s32 $0x20, s8;
	s8 =	sadd.s32 $0x4E0, s8;
	[dreg:$0xb] =	wrdreg s26  }
0x1a: {  	[dreg:$0xc] =	wrdreg s15;
	s15 =	sadd.s32 s16, s14;
	s19 =	sadd.s32 s5, s17  }
0x1b: {  	s16 =	smul.u32 $0x4E20, s11;
	s21 =	sadd.s32 s5, s8;
	[dreg:$0x12] =	wrdreg s19  }
0x1c: {  	s8 =	sadd.s32 s6, s8;
	s14 =	simm.s32 $0x80;
	[dreg:$0x14] =	wrdreg s21  }
0x1d: {  	s10 =	sshrl.u32 s15, $0x3;
	[dreg:$0x15] =	wrdreg s8;
	s15 =	simm.s32 $0x13C80  }
0x1e: {  	s21 =	simm.s32 $0x7;
	s19 =	simm.s32 $0x5;
	s8 =	simm.s32 $0x0  }
0x1f: {  	s3 =	sadd.s32 s3, s10;
	s7 =	sadd.s32 s7, s16;
	s16 =	simm.s32 $0x13E00  }
0x20: {  	s10 =	simm.s32 $0x1;
	[dreg:$0x11] =	wrdreg s3;
	s3 =	sadd.s32 s6, s17  }
0x21: {  	s22 =	sadd.s32 $0x200, s7;
	s23 =	sadd.s32 $0x100, s7;
	s25 =	sadd.s32 $0x180, s7  }
.Ltmp0:
0x22: {  	s17 =	simm.s32 $0x17F00;
	[dreg:$0x13] =	wrdreg s3;
	(pc) =	sbr.rel .LBB2_1-.Ltmp0, $4  }
0x23: {  	s3 =	sshrl.u32 s22, $0x3;
	s24 =	sshrl.u32 s23, $0x3;
	[dreg:$0x17] =	wrdreg s25  }
0x24: {  	s22 =	simm.s32 $0x8;
	s25 =	simm.s32 $0x4;
	s23 =	simm.s32 $0x13D80  }
0x25: {  	s26 =	sadd.s32 s3, s6;
	s28 =	sadd.s32 s3, s5;
	s30 =	sadd.s32 s24, s6  }
0x26: {  	v0 =	vimm.f32 $0.0e+00;
	s31 =	sadd.s32 s24, s5;
	s3 =	simm.s32 $0x9;
	s24 =	simm.s32 $0x2  }
.LBB2_6:
0x27: {  	_ =	swait.ge [sflag:s25], $0x4000  }
0x28: {  	[sflag:s25] =	ssyncset.done $0x0  }
0x29: {  	[sflag:s25] =	ssyncadd.s32 $0xFFFFC000  }
0x2a: {  	_ =	swait.ge [sflag:s29], $0x4000  }
0x2b: {  	[sflag:s29] =	ssyncset.done $0x0  }
0x2c: {  	s7 =	simm.s32 $0x13E80;
	s8 =	simm.s32 $0x1BF00;
	[sflag:s29] =	ssyncadd.s32 $0xFFFFC000  }
0x2d: {  	[spmem:s1] =	stream.indirect.scatter.add.f32 [tilespmem:s8], [sflag:$0x6], $0x80, s7, s14, $0xb8;
	v63 =	vld [tilespmem:$0x0]  }
0x2e: {  	_ =	swait.ge [sflag:s19], $0x4000  }
0x2f: {  	[sflag:s19] =	ssyncset.done $0x0  }
0x30: {  	s10 =	simm.s32 $0x6;
	[sflag:s19] =	ssyncadd.s32 $0xFFFFC000  }
0x31: {  	_ =	swait.ge [sflag:s10], $0x4000  }
0x32: {  	[sflag:s10] =	ssyncset.done $0x0  }
0x33: {  	s13 =	simm.s32 $0x1FF00;
	s11 =	rddreg [dreg:$0x14];
	[sflag:s10] =	ssyncadd.s32 $0xFFFFC000  }
0x34: {  	[tilespmem:s13], [sflag:$0x9] =	stream.linear.gather [hbm4b:s11+s2], $0x10, $0x38;
	v63 =	vld [tilespmem:$0x0]  }
0x35: {  	_ =	swait.ge [sflag:s3], $0x10  }
0x36: {  	[sflag:s3] =	ssyncset.done $0x0  }
0x37: {  	s9 =	simm.s32 $0x1FF80;
	s18 =	rddreg [dreg:$0x15];
	[sflag:s3] =	ssyncadd.s32 $0xFFFFFFF0  }
0x38: {  	[tilespmem:s9], [sflag:$0x9] =	stream.linear.gather [hbm4b:s18+s2], $0x10, $0x38;
	v63 =	vld [tilespmem:$0x0]  }
0x39: {  	_ =	swait.ge [sflag:s3], $0x10  }
0x3a: {  	[sflag:s3] =	ssyncset.done $0x0  }
0x3b: {  	s20 =	simm.s32 $0x10;
	s10 =	simm.s32 $0x1;
	[sflag:s3] =	ssyncadd.s32 $0xFFFFFFF0  }
0x3c: {  	[tilespmem:s0], [sflag:$0x1] =	stream.indirect.gather [hbm4b:s4+s20], $0x80, s13, s20, $0xb8;
	v63 =	vld [tilespmem:$0x0]  }
0x3d: {  	_ =	swait.ge [sflag:s10], $0x800  }
0x3e: {  	[sflag:s10] =	ssyncset.done $0x0  }
0x3f: {  	[sflag:s10] =	ssyncadd.s32 $0xFFFFF800  }
0x40: {  	[spmem:s1] =	stream.indirect.scatter.add.f32 [tilespmem:s0], [sflag:$0x9], $0x80, s9, s20, $0xb8;
	v63 =	vld [tilespmem:$0x0]  }
0x41: {  	_ =	swait.ge [sflag:s3], $0x800  }
0x42: {  	[sflag:s3] =	ssyncset.done $0x0  }
0x43: {  	[sflag:s3] =	ssyncadd.s32 $0xFFFFF800  }
0x44: {  	[bflag:$0x0] =	sbarrier.arrive $0xFFFF  }
0x45: {  	s18 =	rddreg [dreg:$0x4]  }
0x46: {  	[tilespmem:s0], [sflag:$0x9] =	stream.linear.gather [spmem:s18], $0x4000, $0x38;
	v63 =	vld [tilespmem:$0x0]  }
0x47: {  	_ =	swait.ge [sflag:s3], $0x4000  }
0x48: {  	[sflag:s3] =	ssyncset.done $0x0  }
0x49: {  	s11 =	rddreg [dreg:$0xd];
	[sflag:s3] =	ssyncadd.s32 $0xFFFFC000  }
0x4a: {  	[hbm4b:s11+s2] =	stream.linear.scatter [tilespmem:s0], [sflag:$0x9], $0x4000, $0x38;
	v63 =	vld [tilespmem:$0x0]  }
0x4b: {  	_ =	swait.ge [sflag:s3], $0x4000  }
0x4c: {  	[sflag:s3] =	ssyncset.done $0x0  }
0x4d: {  	s20 =	rddreg [dreg:$0x5];
	[sflag:s3] =	ssyncadd.s32 $0xFFFFC000  }
0x4e: {  	[tilespmem:s0], [sflag:$0x9] =	stream.linear.gather [spmem:s20], $0x4000, $0x38;
	v63 =	vld [tilespmem:$0x0]  }
0x4f: {  	_ =	swait.ge [sflag:s3], $0x4000  }
0x50: {  	[sflag:s3] =	ssyncset.done $0x0  }
0x51: {  	s13 =	rddreg [dreg:$0xe];
	[sflag:s3] =	ssyncadd.s32 $0xFFFFC000  }
0x52: {  	[hbm4b:s13+s2] =	stream.linear.scatter [tilespmem:s0], [sflag:$0x9], $0x4000, $0x38;
	v63 =	vld [tilespmem:$0x0]  }
0x53: {  	_ =	swait.ge [sflag:s3], $0x4000  }
0x54: {  	[sflag:s3] =	ssyncset.done $0x0  }
0x55: {  	s8 =	rddreg [dreg:$0x6];
	[sflag:s3] =	ssyncadd.s32 $0xFFFFC000  }
0x56: {  	[tilespmem:s0], [sflag:$0x9] =	stream.linear.gather [spmem:s8], $0x4000, $0x38;
	v63 =	vld [tilespmem:$0x0]  }
0x57: {  	_ =	swait.ge [sflag:s3], $0x4000  }
0x58: {  	[sflag:s3] =	ssyncset.done $0x0  }
0x59: {  	s9 =	rddreg [dreg:$0xf];
	[sflag:s3] =	ssyncadd.s32 $0xFFFFC000  }
0x5a: {  	[hbm4b:s9+s2] =	stream.linear.scatter [tilespmem:s0], [sflag:$0x9], $0x4000, $0x38;
	v63 =	vld [tilespmem:$0x0]  }
0x5b: {  	_ =	swait.ge [sflag:s3], $0x4000  }
0x5c: {  	[sflag:s3] =	ssyncset.done $0x0  }
0x5d: {  	s11 =	rddreg [dreg:$0x7];
	[sflag:s3] =	ssyncadd.s32 $0xFFFFC000  }
0x5e: {  	[tilespmem:s0], [sflag:$0x9] =	stream.linear.gather [spmem:s11], $0x4000, $0x38;
	v63 =	vld [tilespmem:$0x0]  }
0x5f: {  	_ =	swait.ge [sflag:s3], $0x4000  }
0x60: {  	[sflag:s3] =	ssyncset.done $0x0  }
0x61: {  	s13 =	rddreg [dreg:$0x10];
	[sflag:s3] =	ssyncadd.s32 $0xFFFFC000  }
0x62: {  	[hbm4b:s13+s2] =	stream.linear.scatter [tilespmem:s0], [sflag:$0x9], $0x4000, $0x38;
	v63 =	vld [tilespmem:$0x0]  }
0x63: {  	_ =	swait.ge [sflag:s3], $0x4000  }
0x64: {  	[sflag:s3] =	ssyncset.done $0x0  }
0x65: {  	s8 =	rddreg [dreg:$0x8];
	[sflag:s3] =	ssyncadd.s32 $0xFFFFC000  }
0x66: {  	[tilespmem:s0], [sflag:$0x9] =	stream.linear.gather [spmem:s8], $0x3C00, $0x38;
	v63 =	vld [tilespmem:$0x0]  }
0x67: {  	_ =	swait.ge [sflag:s3], $0x3C00  }
0x68: {  	[sflag:s3] =	ssyncset.done $0x0  }
0x69: {  	s9 =	rddreg [dreg:$0x11];
	[sflag:s3] =	ssyncadd.s32 $0xFFFFC400  }
0x6a: {  	[hbm4b:s9+s2] =	stream.linear.scatter [tilespmem:s0], [sflag:$0x9], $0x3C00, $0x38;
	v63 =	vld [tilespmem:$0x0]  }
0x6b: {  	_ =	swait.ge [sflag:s3], $0x3C00  }
0x6c: {  	s11 =	rddreg [dreg:$0x18]  }
0x6d: {  	s13 =	rddreg [dreg:$0x16];
	s8 =	sadd.s32 $0x1, s11  }
0x6e: {  	p0 =	sne.s32 s8, s13  }
.Ltmp1:
0x6f: {  	_ = 	snop;
	(pc) =	sbr.rel @!p0 .LBB2_7-.Ltmp1, $3  }
0x70: {  	_ =	sdelay $0x1  }
0x71: {  	[sflag:s3] =	ssyncset.done $0x0  }
0x72: {  	[sflag:s3] =	ssyncadd.s32 $0xFFFFC400  }
.LBB2_1:
0x73: {  	[dreg:$0x18] =	wrdreg s8;
	s8 =	simm.s32 $0x0;
	s9 =	simm.s32 $0x200  }
.LBB2_2:
0x74: {  	p0 =	sne.s32 s9, $0xFE00;
	[tilespmem:s8+$0x13F70] =	vst v0  }
0x75: {  	[tilespmem:s8+$0x13F00] =	vst v0  }
0x76: {  	[tilespmem:s8+$0x13F10] =	vst v0  }
.Ltmp2:
0x77: {  	[tilespmem:s8+$0x13F20] =	vst v0;
	(pc) =	sbr.rel @p0 .LBB2_2-.Ltmp2, $4  }
0x78: {  	[tilespmem:s8+$0x13F30] =	vst v0  }
0x79: {  	[tilespmem:s8+$0x13F40] =	vst v0  }
0x7a: {  	[tilespmem:s8+$0x13F50] =	vst v0  }
0x7b: {  	[tilespmem:s8+$0x13F60] =	vst v0;
	s8 =	sshra.s32 s9, $0x2;
	s9 =	sadd.s32 $0x200, s9  }
0x7c: {  	[tilespmem:s8+$0x13F70] =	vst v0  }
0x7d: {  	[tilespmem:s8+$0x13F00] =	vst v0  }
0x7e: {  	[tilespmem:s8+$0x13F10] =	vst v0  }
0x7f: {  	[tilespmem:s8+$0x13F20] =	vst v0  }
0x80: {  	[tilespmem:s8+$0x13F30] =	vst v0  }
0x81: {  	[tilespmem:s8+$0x13F40] =	vst v0  }
0x82: {  	[tilespmem:s8+$0x13F50] =	vst v0  }
0x83: {  	[tilespmem:s8+$0x13F60] =	vst v0  }
0x84: {  	[spmem:s18] =	stream.linear.scatter [tilespmem:s0], [sflag:$0x9], $0x4000, $0x38;
	v63 =	vld [tilespmem:$0x0]  }
0x85: {  	_ =	swait.ge [sflag:s3], $0x4000  }
0x86: {  	[sflag:s3] =	ssyncset.done $0x0  }
0x87: {  	[sflag:s3] =	ssyncadd.s32 $0xFFFFC000  }
0x88: {  	[spmem:s20] =	stream.linear.scatter [tilespmem:s0], [sflag:$0x9], $0x4000, $0x38;
	v63 =	vld [tilespmem:$0x0]  }
0x89: {  	_ =	swait.ge [sflag:s3], $0x4000  }
0x8a: {  	[sflag:s3] =	ssyncset.done $0x0  }
0x8b: {  	s7 =	rddreg [dreg:$0x6];
	[sflag:s3] =	ssyncadd.s32 $0xFFFFC000  }
0x8c: {  	[spmem:s7] =	stream.linear.scatter [tilespmem:s0], [sflag:$0x9], $0x4000, $0x38;
	v63 =	vld [tilespmem:$0x0]  }
0x8d: {  	_ =	swait.ge [sflag:s3], $0x4000  }
0x8e: {  	[sflag:s3] =	ssyncset.done $0x0  }
0x8f: {  	s8 =	rddreg [dreg:$0x7];
	[sflag:s3] =	ssyncadd.s32 $0xFFFFC000  }
0x90: {  	[spmem:s8] =	stream.linear.scatter [tilespmem:s0], [sflag:$0x9], $0x4000, $0x38;
	v63 =	vld [tilespmem:$0x0]  }
0x91: {  	_ =	swait.ge [sflag:s3], $0x4000  }
0x92: {  	[sflag:s3] =	ssyncset.done $0x0  }
0x93: {  	s9 =	rddreg [dreg:$0x8];
	[sflag:s3] =	ssyncadd.s32 $0xFFFFC000  }
0x94: {  	[spmem:s9] =	stream.linear.scatter [tilespmem:s0], [sflag:$0x9], $0x3C00, $0x38;
	v63 =	vld [tilespmem:$0x0]  }
0x95: {  	_ =	swait.ge [sflag:s3], $0x3C00  }
0x96: {  	[sflag:s3] =	ssyncset.done $0x0  }
0x97: {  	[sflag:s3] =	ssyncadd.s32 $0xFFFFC400  }
0x98: {  	[bflag:$0x0] =	sbarrier.arrive $0xFFFF  }
0x99: {  	s8 =	simm.s32 $0x0;
	s11 =	rddreg [dreg:$0x9]  }
0x9a: {  	[tilespmem:s12], [sflag:$0x9] =	stream.linear.gather [hbm4b:s11+s8], $0x80, $0x38;
	v63 =	vld [tilespmem:$0x0]  }
0x9b: {  	_ =	swait.ge [sflag:s3], $0x80  }
0x9c: {  	[sflag:s3] =	ssyncset.done $0x0  }
0x9d: {  	s9 =	simm.s32 $0x13D80;
	s13 =	rddreg [dreg:$0xa];
	[sflag:s3] =	ssyncadd.s32 $0xFFFFFF80  }
0x9e: {  	[tilespmem:s9], [sflag:$0x9] =	stream.linear.gather [hbm4b:s13+s8], $0x80, $0x38;
	v63 =	vld [tilespmem:$0x0]  }
0x9f: {  	_ =	swait.ge [sflag:s3], $0x80  }
0xa0: {  	[sflag:s3] =	ssyncset.done $0x0  }
0xa1: {  	[sflag:s3] =	ssyncadd.s32 $0xFFFFFF80  }
0xa2: {  	[tilespmem:s0], [sflag:$0x1] =	stream.indirect.gather [hbm4b:s4+s14], $0x80, s12, s14, $0xb8;
	v63 =	vld [tilespmem:$0x0]  }
0xa3: {  	s18 =	rddreg [dreg:$0xb]  }
0xa4: {  	[tilespmem:s15], [sflag:$0x9] =	stream.linear.gather [hbm4b:s18+s8], $0x80, $0x38;
	v63 =	vld [tilespmem:$0x0]  }
0xa5: {  	_ =	swait.ge [sflag:s3], $0x80  }
0xa6: {  	[sflag:s3] =	ssyncset.done $0x0  }
0xa7: {  	s20 =	rddreg [dreg:$0xc];
	[sflag:s3] =	ssyncadd.s32 $0xFFFFFF80  }
0xa8: {  	[tilespmem:s16], [sflag:$0x9] =	stream.linear.gather [hbm4b:s20+s8], $0x80, $0x38;
	v63 =	vld [tilespmem:$0x0]  }
0xa9: {  	_ =	swait.ge [sflag:s3], $0x80  }
0xaa: {  	[sflag:s3] =	ssyncset.done $0x0  }
0xab: {  	[sflag:s3] =	ssyncadd.s32 $0xFFFFFF80  }
0xac: {  	[tilespmem:s17], [sflag:$0x2] =	stream.indirect.gather [hbm4b:s4+s14], $0x80, s15, s14, $0xb8;
	v63 =	vld [tilespmem:$0x0]  }
0xad: {  	_ =	swait.ge [sflag:s10], $0x4000  }
0xae: {  	[sflag:s10] =	ssyncset.done $0x0  }
0xaf: {  	[sflag:s10] =	ssyncadd.s32 $0xFFFFC000  }
0xb0: {  	[spmem:s1] =	stream.indirect.scatter.add.f32 [tilespmem:s0], [sflag:$0x4], $0x80, s9, s14, $0xb8;
	v63 =	vld [tilespmem:$0x0]  }
0xb1: {  	s11 =	simm.s32 $0x13D00;
	s10 =	rddreg [dreg:$0x12]  }
0xb2: {  	[tilespmem:s11], [sflag:$0x7] =	stream.linear.gather [hbm4b:s10+s8], $0x80, $0x38;
	v63 =	vld [tilespmem:$0x0]  }
0xb3: {  	s18 =	simm.s32 $0x13E80;
	s13 =	rddreg [dreg:$0x13]  }
0xb4: {  	[tilespmem:s18], [sflag:$0x8] =	stream.linear.gather [hbm4b:s13+s8], $0x80, $0x38;
	v63 =	vld [tilespmem:$0x0]  }
0xb5: {  	_ =	swait.ge [sflag:s21], $0x80  }
0xb6: {  	[sflag:s21] =	ssyncset.done $0x0  }
0xb7: {  	[sflag:s21] =	ssyncadd.s32 $0xFFFFFF80  }
0xb8: {  	_ =	swait.ge [sflag:s22], $0x80  }
0xb9: {  	s20 =	simm.s32 $0x1BF00;
	[sflag:s22] =	ssyncset.done $0x0  }
0xba: {  	s9 =	simm.s32 $0xFFFFFFFF;
	s10 =	rddreg [dreg:$0x17];
	[sflag:s22] =	ssyncadd.s32 $0xFFFFFF80  }
0xbb: {  	[tilespmem:s20], [sflag:$0x3] =	stream.indirect.gather [hbm4b:s4+s14], $0x80, s11, s14, $0xb8;
	v63 =	vld [tilespmem:$0x0]  }
.LBB2_4:
0xbc: {  	p0 =	sgt.u32 s9, $0x4A  }
0xbd: {  	s11 =	simm.s32 @!p0 $0x1  }
0xbe: {  	_ =	swait.ge @!p0 [sflag:s11], $0x4000  }
0xbf: {  	s18 =	simm.s32 @!p0 $0x13D80;
	[sflag:s11] =	ssyncset.done @!p0 $0x0  }
0xc0: {  	s7 =	simm.s32 @!p0 $0x13F00;
	[sflag:s11] =	ssyncadd.s32 @!p0 $0xFFFFC000;
	s11 =	simm.s32 @!p0 $0x80  }
0xc1: {  	[spmem:s1] =	stream.indirect.scatter.add.f32 @!p0 [tilespmem:s7], [sflag:$0x4], $0x80, s18, s11, $0xb8;
	v63 =	vld [tilespmem:$0x0]  }
0xc2: {  	s13 =	simm.s32 @!p0 $0x13D00;
	s7 =	sadd.s32 @!p0 s8, s31;
	s18 =	simm.s32 @!p0 $0x0  }
0xc3: {  	[tilespmem:s13], [sflag:$0x7] =	stream.linear.gather @!p0 [hbm4b:s7+s18], $0x80, $0x38;
	v63 =	vld [tilespmem:$0x0]  }
0xc4: {  	s7 =	simm.s32 @!p0 $0x6  }
0xc5: {  	_ =	swait.ge @!p0 [sflag:s7], $0x4000  }
0xc6: {  	[sflag:s7] =	ssyncset.done @!p0 $0x0  }
0xc7: {  	s20 =	simm.s32 @!p0 $0x13E80;
	[sflag:s7] =	ssyncadd.s32 @!p0 $0xFFFFC000;
	s7 =	sadd.s32 @!p0 s8, s30  }
0xc8: {  	[tilespmem:s20], [sflag:$0x8] =	stream.linear.gather @!p0 [hbm4b:s7+s18], $0x80, $0x38;
	v63 =	vld [tilespmem:$0x0]  }
0xc9: {  	s7 =	simm.s32 @!p0 $0x7  }
0xca: {  	_ =	swait.ge @!p0 [sflag:s7], $0x80  }
0xcb: {  	[sflag:s7] =	ssyncset.done @!p0 $0x0  }
0xcc: {  	[sflag:s7] =	ssyncadd.s32 @!p0 $0xFFFFFF80;
	s7 =	simm.s32 @!p0 $0x8  }
0xcd: {  	_ =	swait.ge @!p0 [sflag:s7], $0x80  }
0xce: {  	[sflag:s7] =	ssyncset.done @!p0 $0x0  }
0xcf: {  	[sflag:s7] =	ssyncadd.s32 @!p0 $0xFFFFFF80;
	s7 =	simm.s32 @!p0 $0x1BF00  }
0xd0: {  	[tilespmem:s7], [sflag:$0x3] =	stream.indirect.gather @!p0 [hbm4b:s4+s11], $0x80, s13, s11, $0xb8;
	v63 =	vld [tilespmem:$0x0]  }
0xd1: {  	p0 =	seq.s32 s8, $0x4B0  }
.Ltmp3:
0xd2: {  	_ = 	snop;
	(pc) =	sbr.rel @p0 .LBB2_6-.Ltmp3, $4  }
0xd3: {  	_ =	swait.ge [sflag:s24], $0x4000  }
0xd4: {  	[sflag:s24] =	ssyncset.done $0x0  }
0xd5: {  	[sflag:s24] =	ssyncadd.s32 $0xFFFFC000  }
0xd6: {  	[spmem:s1] =	stream.indirect.scatter.add.f32 [tilespmem:s17], [sflag:$0x5], $0x80, s16, s14, $0xb8;
	v63 =	vld [tilespmem:$0x0]  }
0xd7: {  	s7 =	sshrl.u32 s10, $0x3  }
0xd8: {  	s11 =	sadd.s32 s5, s7  }
0xd9: {  	[tilespmem:s12], [sflag:$0x7] =	stream.linear.gather [hbm4b:s11+s2], $0x80, $0x38;
	v63 =	vld [tilespmem:$0x0]  }
0xda: {  	_ =	swait.ge [sflag:s25], $0x4000  }
0xdb: {  	[sflag:s25] =	ssyncset.done $0x0  }
0xdc: {  	s7 =	sadd.s32 s6, s7;
	[sflag:s25] =	ssyncadd.s32 $0xFFFFC000  }
0xdd: {  	[tilespmem:s23], [sflag:$0x8] =	stream.linear.gather [hbm4b:s7+s2], $0x80, $0x38;
	v63 =	vld [tilespmem:$0x0]  }
0xde: {  	_ =	swait.ge [sflag:s21], $0x80  }
0xdf: {  	[sflag:s21] =	ssyncset.done $0x0  }
0xe0: {  	[sflag:s21] =	ssyncadd.s32 $0xFFFFFF80  }
0xe1: {  	_ =	swait.ge [sflag:s22], $0x80  }
0xe2: {  	[sflag:s22] =	ssyncset.done $0x0  }
0xe3: {  	[sflag:s22] =	ssyncadd.s32 $0xFFFFFF80  }
0xe4: {  	[tilespmem:s0], [sflag:$0x1] =	stream.indirect.gather [hbm4b:s4+s14], $0x80, s12, s14, $0xb8;
	v63 =	vld [tilespmem:$0x0]  }
0xe5: {  	_ =	swait.ge [sflag:s29], $0x4000  }
0xe6: {  	[sflag:s29] =	ssyncset.done $0x0  }
0xe7: {  	s13 =	simm.s32 $0x1BF00;
	s11 =	simm.s32 $0x13E80;
	[sflag:s29] =	ssyncadd.s32 $0xFFFFC000  }
0xe8: {  	[spmem:s1] =	stream.indirect.scatter.add.f32 [tilespmem:s13], [sflag:$0x6], $0x80, s11, s14, $0xb8;
	v63 =	vld [tilespmem:$0x0]  }
0xe9: {  	s18 =	sadd.s32 s8, s28  }
0xea: {  	[tilespmem:s15], [sflag:$0x7] =	stream.linear.gather [hbm4b:s18+s2], $0x80, $0x38;
	v63 =	vld [tilespmem:$0x0]  }
0xeb: {  	_ =	swait.ge [sflag:s19], $0x4000  }
0xec: {  	[sflag:s19] =	ssyncset.done $0x0  }
0xed: {  	s20 =	sadd.s32 s8, s26;
	[sflag:s19] =	ssyncadd.s32 $0xFFFFC000  }
0xee: {  	[tilespmem:s16], [sflag:$0x8] =	stream.linear.gather [hbm4b:s20+s2], $0x80, $0x38;
	v63 =	vld [tilespmem:$0x0]  }
0xef: {  	_ =	swait.ge [sflag:s21], $0x80  }
0xf0: {  	[sflag:s21] =	ssyncset.done $0x0  }
.Ltmp4:
0xf1: {  	[sflag:s21] =	ssyncadd.s32 $0xFFFFFF80;
	(pc) =	sbr.rel .LBB2_4-.Ltmp4, $4  }
0xf2: {  	_ =	swait.ge [sflag:s22], $0x80  }
0xf3: {  	s8 =	sadd.s32 $0x30, s8;
	[sflag:s22] =	ssyncset.done $0x0  }
0xf4: {  	s10 =	sadd.s32 $0x180, s10;
	s9 =	sadd.s32 $0x3, s9;
	[sflag:s22] =	ssyncadd.s32 $0xFFFFFF80  }
0xf5: {  	[tilespmem:s17], [sflag:$0x2] =	stream.indirect.gather [hbm4b:s4+s14], $0x80, s15, s14, $0xb8;
	v63 =	vld [tilespmem:$0x0]  }
.LBB2_7:
0xf6: {  	_ =	sfence.sel $0x180000  }
0xf7: {  	[bflag:$0x0] =	sbarrier.arrive $0xFFFF  }
0xf8: {  	_ =	strace $0x9000004D  }
0xf9: {  	s0 =	stileid.u32;
	[bflag:$0x2] =	sbarrier.arrive $0xFFFF  }
0xfa: {  	p0 =	sne.s32 s0, $0x0;
	s0 =	rddreg [dreg:$0x3]  }
0xfb: {  	s0 =	sadd.s32 @!p0 $0x100000, s0  }
0xfc: {  	[sflag:s0] =	ssyncadd.tile.s32 @!p0 $0x1;
	_ =	shalt  }
.Lfunc_end2:
_tile_overlayer_lowered:
.L_overlay_start_2:
0xfd: {  	(tag) =	ssettag $0x2  }
0xfe: {  	s0 =	rddreg [dreg:$0x0];
	s2 =	stileid.u32  }
0xff: {  	s1 =	rddreg [dreg:$0x1];
	p0 =	sne.s32 s2, $0x0  }
0x100: {  	s3 =	rddreg [dreg:$0x2];
	[bflag:$0x3] =	sbarrier.arrive $0xFFFF;
	s2 =	simm.s32 @!p0 $0x1C09  }
0x101: {  	[timem:s3], [sflag:s2] =	dma.local @!p0 [hbm:s0], s1  }
0x102: {  	s0 =	simm.s32 @!p0 $0x9  }
0x103: {  	_ =	swait.ge @!p0 [sflag:s0], s1  }
0x104: {  	s1 =	ssub.s32 @!p0 $0x0, s1;
	[sflag:s0] =	ssyncset.done @!p0 $0x0  }
0x105: {  	[sflag:s0] =	ssyncadd.s32 @!p0 s1  }
0x106: {  	[bflag:$0x3] =	sbarrier.arrive $0xFFFF  }
0x107: {  	_ =	shalt  }

// kernel: kernel.9.cloned.1.call-start
scs
__scs_entry_jumppad:
0x0: {  	(pc) =	sbr.rel $0x88, $3  }
0x1: {  	(tag) =	ssettag $0x0;
	lr =	simm.s32 $0x1  }
0x2: {  	[smem:$0x3F99] =	sst lr;
	_ =	strace $0xD0000000  }
0x3: {  	_ = 	snop  }
0x4: {  	_ = 	snop  }
0x5: {  	_ = 	snop  }
0x6: {  	_ = 	snop  }
0x7: {  	_ = 	snop  }
__scs_overlays_trampoline_lowered:
0x8: {  	[smem:$0x3FA8] =	sst s0  }
0x9: {  	[smem:$0x3FA9] =	sst s1  }
0xa: {  	[smem:$0x3FAA] =	sst s2  }
0xb: {  	[smem:$0x3FAB] =	sst s3  }
0xc: {  	[smem:$0x3FAC] =	sst s4  }
0xd: {  	[smem:$0x3FAD] =	sst s5  }
0xe: {  	[smem:$0x3FAE] =	sst s6  }
0xf: {  	[smem:$0x3FAF] =	sst s7  }
0x10: {  	[smem:$0x3FB0] =	sst s8  }
0x11: {  	[smem:$0x3FB1] =	sst s9;
	s0 =	simm.s32 @!p0 $0x0  }
0x12: {  	s1 =	sld [smem:$0x3F97];
	s0 =	simm.s32 @p0 $0x1  }
0x13: {  	[smem:$0x3FB2] =	sst s0;
	s0 =	simm.s32 @!p1 $0x0  }
0x14: {  	s2 =	sld [smem:$0x3F96];
	s0 =	simm.s32 @p1 $0x1  }
0x15: {  	[smem:$0x3FB3] =	sst s0;
	s0 =	simm.s32 @!p2 $0x0  }
0x16: {  	s3 =	sld [smem:$0x3FDB];
	s0 =	simm.s32 @p2 $0x1  }
0x17: {  	s4 =	simm.s32 $0x1BF5;
	[smem:$0x3FB5] =	sst s0  }
0x18: {  	s0 =	sld [smem:$0x3F98];
	_ =	swait.ge [sflag:s4], $0x0  }
0x19: {  	s7 =	sld [smem:$0x3F99]  }
0x1a: {  	s8 =	sadd.s32 $0xFFFFE003, lr  }
0x1b: {  	s9 =	sadd.s32 $0xFFFFFEF7, lr;
	s5 =	simm.s32 $0xFFFFFFFF;
	p2 =	slt.u32 s8, $0xFFFFF086  }
0x1c: {  	p1 =	slt.u32 s9, $0xF7A;
	s5 =	simm.s32 @!p2 $0x0  }
0x1d: {  	s5 =	simm.s32 @p1 $0x1;
	p0 =	seq.s32 s7, s2  }
0x1e: {  	s7 =	smul.u32 @!p0 $0xF7A, s2;
	p2 =	seq.s32 @!p0 s5, $0x0  }
0x1f: {  	s9 =	smul.u32 $0xF7A, s1;
	s8 =	simm.s32 @!p0 $0x1BF5;
	p2 =	por !p2, p0  }
0x20: {  	[sflag:s8] =	ssyncset.s32 @!p0 $0xFFFFF086;
	s6 =	sadd.s32 @!p0 s3, s7;
	s7 =	simm.s32 @!p0 $0x108  }
0x21: {  	s3 =	sadd.s32 s3, s9;
	s6 =	sadd.s32 @!p0 $0x88, s6;
	s7 =	simm.s32 @p2 $0x1082  }
0x22: {  	[simem:s7], [sflag:s8] =	dma.local @!p0 [hbm:s6], $0xF7A  }
0x23: {  	s9 =	sor.u32 $0xD0000000, s2;
	s6 =	simm.s32 $0x108;
	_ =	swait.ge @!p0 [sflag:s8], $0x0  }
0x24: {  	s3 =	sadd.s32 $0x88, s3;
	s6 =	simm.s32 @!p1 $0x1082;
	[sflag:s4] =	ssyncset.s32 $0xFFFFF086  }
0x25: {  	[simem:s6], [sflag:s4] =	dma.local [hbm:s3], $0xF7A  }
0x26: {  	[smem:$0x3F99] =	sst s1;
	(tag) =	ssettag s2;
	_ =	strace s9  }
0x27: {  	s1 =	sld [smem:$0x3FA9]  }
0x28: {  	s2 =	sld [smem:$0x3FAA]  }
0x29: {  	s4 =	sld [smem:$0x3FAC]  }
0x2a: {  	p0 =	seq.s32 s5, $0x0;
	s5 =	sld [smem:$0x3FAD]  }
0x2b: {  	s6 =	sld [smem:$0x3FAE]  }
0x2c: {  	s7 =	sld [smem:$0x3FAF]  }
0x2d: {  	s3 =	simm.s32 $0x108;
	s8 =	sld [smem:$0x3FB0]  }
0x2e: {  	s3 =	simm.s32 @!p0 $0x1082;
	s9 =	sld [smem:$0x3FB1]  }
0x2f: {  	lr =	sadd.s32 s0, s3;
	s0 =	sld [smem:$0x3FA8]  }
0x30: {  	s3 =	sld [smem:$0x3FAB]  }
0x31: {  	[smem:$0x3FB4] =	sst s10  }
0x32: {  	s10 =	sld [smem:$0x3FB2];
	_ =	sdelay $0x3  }
0x33: {  	p0 =	seq.s32 s10, $0x1;
	s10 =	sld [smem:$0x3FB4];
	_ =	sdelay $0x3  }
0x34: {  	[smem:$0x3FB4] =	sst s10  }
0x35: {  	s10 =	sld [smem:$0x3FB3];
	_ =	sdelay $0x3  }
0x36: {  	p1 =	seq.s32 s10, $0x1;
	s10 =	sld [smem:$0x3FB4];
	_ =	sdelay $0x3  }
0x37: {  	[smem:$0x3FB4] =	sst s10  }
0x38: {  	s10 =	sld [smem:$0x3FB5]  }
0x39: {  	_ = 	snop;
	(pc) =	sbr.ind lr, $3  }
0x3a: {  	_ = 	snop  }
0x3b: {  	_ = 	snop  }
0x3c: {  	p2 =	seq.s32 s10, $0x1;
	s10 =	sld [smem:$0x3FB4]  }
0x3d: {  	_ =	shalt  }
0x3e: {  	_ =	shalt  }
0x3f: {  	_ =	shalt  }
0x40: {  	_ =	shalt  }
0x41: {  	_ =	shalt  }
0x42: {  	_ =	shalt  }
0x43: {  	_ =	shalt  }
0x44: {  	_ =	shalt  }
0x45: {  	_ =	shalt  }
0x46: {  	_ =	shalt  }
0x47: {  	_ =	shalt  }
0x48: {  	_ =	shalt  }
0x49: {  	_ =	shalt  }
0x4a: {  	_ =	shalt  }
0x4b: {  	_ =	shalt  }
0x4c: {  	_ =	shalt  }
0x4d: {  	_ =	shalt  }
0x4e: {  	_ =	shalt  }
0x4f: {  	_ =	shalt  }
0x50: {  	_ =	shalt  }
0x51: {  	_ =	shalt  }
0x52: {  	_ =	shalt  }
0x53: {  	_ =	shalt  }
0x54: {  	_ =	shalt  }
0x55: {  	_ =	shalt  }
0x56: {  	_ =	shalt  }
0x57: {  	_ =	shalt  }
0x58: {  	_ =	shalt  }
0x59: {  	_ =	shalt  }
0x5a: {  	_ =	shalt  }
0x5b: {  	_ =	shalt  }
0x5c: {  	_ =	shalt  }
0x5d: {  	_ =	shalt  }
0x5e: {  	_ =	shalt  }
0x5f: {  	_ =	shalt  }
0x60: {  	_ =	shalt  }
0x61: {  	_ =	shalt  }
0x62: {  	_ =	shalt  }
0x63: {  	_ =	shalt  }
0x64: {  	_ =	shalt  }
0x65: {  	_ =	shalt  }
0x66: {  	_ =	shalt  }
0x67: {  	_ =	shalt  }
0x68: {  	_ =	shalt  }
0x69: {  	_ =	shalt  }
0x6a: {  	_ =	shalt  }
0x6b: {  	_ =	shalt  }
0x6c: {  	_ =	shalt  }
0x6d: {  	_ =	shalt  }
0x6e: {  	_ =	shalt  }
0x6f: {  	_ =	shalt  }
0x70: {  	_ =	shalt  }
0x71: {  	_ =	shalt  }
0x72: {  	_ =	shalt  }
0x73: {  	_ =	shalt  }
0x74: {  	_ =	shalt  }
0x75: {  	_ =	shalt  }
0x76: {  	_ =	shalt  }
0x77: {  	_ =	shalt  }
0x78: {  	_ =	shalt  }
0x79: {  	_ =	shalt  }
0x7a: {  	_ =	shalt  }
0x7b: {  	_ =	shalt  }
0x7c: {  	_ =	shalt  }
0x7d: {  	_ =	shalt  }
0x7e: {  	_ =	shalt  }
0x7f: {  	_ =	shalt  }
0x80: {  	_ =	shalt  }
0x81: {  	_ =	shalt  }
0x82: {  	_ =	shalt  }
0x83: {  	_ =	shalt  }
0x84: {  	_ =	shalt  }
0x85: {  	_ =	shalt  }
0x86: {  	_ =	shalt  }
0x87: {  	_ =	shalt  }
.Lfunc_end0:
.L_simem_size_0:
called_computation_lowered:
.L_overlay_start_0:
0x88: {  	s2 =	sld [smem:$0x3FD9]  }
0x89: {  	s3 =	sld [smem:$0x3FFE];
	_ =	sdelay $0x1  }
0x8a: {  	s1 =	srdreg.scid  }
0x8b: {  	s0 =	sand.u32 $0x1, s1  }
0x8c: {  	s14 =	sshll.u32 s0, $0xA;
	s2 =	sadd.s32 s3, s2  }
0x8d: {  	s2 =	sadd.s32 s2, s14  }
0x8e: {  	[smem:$0x3FC0] =	sst s2  }
0x8f: {  	_ = 	snop  }
0x90: {  	s2 =	sld [smem:$0x3FD0];
	_ =	sdelay $0x2  }
0x91: {  	s15 =	simm.s32 $0xA;
	s4 =	simm.s32 $0x10  }
0x92: {  	[smem:s4], [sflag:s15] =	dma.local [hbm:s2], $0x1  }
0x93: {  	_ =	swait.eq [sflag:s15], $0x1  }
0x94: {  	[sflag:s15] =	ssyncset.done $0x0  }
0x95: {  	[sflag:s15] =	ssyncadd.s32 $0xFFFFFFFF  }
0x96: {  	s16 =	sld [smem:$0x11];
	(tm) =	ssettm $0x1  }
0x97: {  	s17 =	sld [smem:$0x3FFB];
	_ =	sdelay $0x3  }
0x98: {  	_ =	strace s17  }
0x99: {  	s3 =	sld [smem:$0x3FFC];
	_ =	sdelay $0x3  }
0x9a: {  	_ =	strace s3  }
0x9b: {  	s3 =	sld [smem:$0x3FFD];
	_ =	sdelay $0x3  }
0x9c: {  	_ =	strace s3  }
0x9d: {  	_ =	strace $0x8FFFFFFF  }
0x9e: {  	s18 =	sld [smem:$0x3FDB];
	_ =	sdelay $0x1  }
0x9f: {  	s19 =	simm.s32 $_scs_section_size  }
0xa0: {  	s5 =	simm.s32 $_size__tile_overlayer_lowered;
	s6 =	simm.s32 $_tile_overlayer_lowered  }
0xa1: {  	s22 =	simm.s32 $0x1BFF;
	s21 =	sshll.u32 s6, $0x1;
	s3 =	sadd.s32 s19, s18  }
0xa2: {  	s7 =	simm.s32 $0x0;
	s20 =	sshll.u32 s5, $0x1;
	s5 =	sadd.s32 s21, s3  }
0xa3: {  	[timem:s7], [sflag:s22] =	dma.local [hbm:s5], s20  }
0xa4: {  	_ =	swait.ge [sflag:s22], s20  }
0xa5: {  	s4 =	ssub.s32 $0x0, s20;
	[sflag:s22] =	ssyncset.done $0x0  }
0xa6: {  	[sflag:s22] =	ssyncadd.s32 s4;
	_ =	sdelay $0x1  }
0xa7: {  	s23 =	simm.s32 $0x1B8B  }
0xa8: {  	_ =	swait.ge [sflag:s23], $0x1  }
0xa9: {  	[sflag:s23] =	ssyncset.done $0x0  }
0xaa: {  	s25 =	simm.s32 $0x1B8E;
	s24 =	sld [smem:$0x3FFE];
	[sflag:s23] =	ssyncadd.s32 $0xFFFFFFFF  }
0xab: {  	s26 =	simm.s32 $execute0_lowered;
	[smem:$0x3FD2] =	sst s25  }
0xac: {  	s5 =	sshll.u32 s26, $0x1;
	_ =	strace $0x80000046;
	[dreg:$0x1] =	wrdreg $0xFFFFFFFF  }
0xad: {  	s28 =	simm.s32 $_size_execute0_lowered;
	s3 =	sadd.s32 s3, s5;
	[dreg:$0x0] =	wrdreg $0x0  }
0xae: {  	s5 =	sshll.u32 s28, $0x1;
	[dreg:$0x2] =	wrdreg s3  }
0xaf: {  	[dreg:$0x3] =	wrdreg s5  }
0xb0: {  	[dreg:$0x4] =	wrdreg $0xC0  }
0xb1: {  	_ =	task [dreg:s7], $0x5FFFF  }
0xb2: {  	[dreg:$0x1] =	wrdreg $0xFFFFFFFF  }
0xb3: {  	[dreg:$0x0] =	wrdreg $0x60  }
0xb4: {  	[dreg:$0x2] =	wrdreg s24  }
0xb5: {  	[dreg:$0x3] =	wrdreg s16  }
0xb6: {  	[dreg:$0x4] =	wrdreg $0x0  }
0xb7: {  	[dreg:$0x5] =	wrdreg $0x9  }
0xb8: {  	_ =	task.clear_ibuf [dreg:s7], $0x6FFFF;
	_ =	strace $0x90000046  }
0xb9: {  	s29 =	simm.s32 $0x9;
	_ =	strace $0x80000048  }
0xba: {  	_ =	swait.ge [sflag:s29], $0x1  }
0xbb: {  	[sflag:s29] =	ssyncadd.s32 $0xFFFFFFFF  }
0xbc: {  	_ =	strace $0x90000048  }
0xbd: {  	_ =	sfence  }
0xbe: {  	s30 =	sld [smem:$0x0];
	_ =	sdelay $0x2  }
0xbf: {  	s31 =	sshll.u32 s1, $0xD;
	s1 =	sshrl.u32 s1, $0x2  }
0xc0: {  	s3 =	sand.u32 $0x4000, s31;
	s1 =	sadd.s32 s1, s30  }
0xc1: {  	s0 =	sor.u32 s3, s0;
	s1 =	sshll.u32 s1, $0x11  }
0xc2: {  	s0 =	sor.u32 s1, s0  }
0xc3: {  	s0 =	sadd.s32 $0x8F2B, s0  }
0xc4: {  	[sflag:s0] =	ssyncadd.remote.s32 $0x1  }
0xc5: {  	_ =	sfence.sel $0xFFFF  }
0xc6: {  	[dreg:$0x0] =	wrdreg $0xFFFFFFFF;
	(pc) =	sbr.abs _section_cstart, $3  }
0xc7: {  	[dreg:$0x1] =	wrdreg $0xFFFFFFFF  }
0xc8: {  	_ =	task.clear_ibuf [dreg:s7], $0x2FFFF;
	_ =	strace $0x9FFFFFFF  }
0xc9: {  	(tm) =	ssettm $0x7FFFFFFF  }
tec
execute0_lowered:
.L_overlay_start_1:
0x0: {  	(tag) =	ssettag $0x1  }
0x1: {  	s0 =	rddreg [dreg:$0x0]  }
0x2: {  	s1 =	rddreg [dreg:$0x1]  }
0x3: {  	s2 =	rddreg [dreg:$0x2];
	s3 =	srdreg.scid  }
0x4: {  	s11 =	stileid.u32;
	s16 =	simm.s32 $0x6980;
	s17 =	simm.s32 $0x5  }
0x5: {  	s18 =	simm.s32 $0x2780;
	s19 =	simm.s32 $0x2800;
	s5 =	smul.u32 $0x4F000, s11  }
0x6: {  	s28 =	simm.s32 $0x2900;
	s30 =	simm.s32 $0x0;
	s21 =	smul.u32 $0x13C00, s11  }
0x7: {  	s7 =	sand.u32 $0x1, s3;
	s4 =	sshll.u32 s11, $0x1;
	s11 =	smul.u32 $0x4E20, s11  }
0x8: {  	s3 =	simm.s32 $0x0;
	s4 =	sor.u32 s7, s4;
	s10 =	smul.u32 $0x13C000, s7  }
0x9: {  	[smem:$0x7FF] =	sst s3;
	s6 =	ssub.s32 $0x2, s7;
	s12 =	smul.u32 $0x2710, s7  }
0xa: {  	s8 =	smul.u32 $0x2710, s4;
	_ =	strace $0x80000047;
	s9 =	sshrl.u32 s6, $0x1  }
0xb: {  	s4 =	sadd.s32 $0x3600, s0;
	s5 =	sshrl.u32 s5, $0x2;
	s20 =	ssub.s32 s6, s9  }
0xc: {  	s5 =	sadd.s32 s5, s2;
	s10 =	sadd.s32 s21, s10;
	s14 =	sadd.s32 s12, s11  }
0xd: {  	s21 =	simm.s32 $0x2980;
	s22 =	sshrl.u32 s8, $0x3;
	s10 =	sshrl.u32 s10, $0x3  }
0xe: {  	s11 =	smax.u32 s20, $0x1;
	s26 =	sadd.s32 $0x200, s14;
	s29 =	sadd.s32 $0x100, s14  }
0xf: {  	s14 =	sadd.s32 $0x180, s14;
	s20 =	simm.s32 $0x80;
	s6 =	sadd.s32 s4, s22  }
0x10: {  	s1 =	sadd.s32 s1, s10;
	s0 =	sshrl.u32 s26, $0x3;
	s31 =	sshrl.u32 s29, $0x3  }
0x11: {  	s22 =	simm.s32 $0x2880;
	s23 =	sadd.s32 $0x10, s6;
	[dreg:$0x7] =	wrdreg s1  }
0x12: {  	s26 =	simm.s32 $0x3;
	s24 =	sadd.s32 $0x20, s6;
	[dreg:$0x4] =	wrdreg s23  }
0x13: {  	s25 =	sadd.s32 $0x4E0, s6;
	s12 =	sadd.s32 $0x4D0, s6;
	[dreg:$0x5] =	wrdreg s24  }
0x14: {  	s13 =	sadd.s32 s0, s4;
	s15 =	sadd.s32 s31, s4;
	[dreg:$0x6] =	wrdreg s25  }
0x15: {  	v0 =	vimm.f32 $1.000000000e+00;
	v1 =	vimm.f32 $0.0e+00;
	s23 =	simm.s32 $0x4;
	s24 =	simm.s32 $0x1;
	s25 =	simm.s32 $0x2  }
.LBB2_1:
0x16: {  	s0 =	simm.s32 $0x0  }
.LBB2_2:
0x17: {  	p0 =	sne.s32 s0, $0xFE00  }
.Ltmp0:
0x18: {  	_ = 	snop;
	(pc) =	sbr.rel @p0 .LBB2_2-.Ltmp0, $3  }
0x19: {  	_ =	sdelay $0x1  }
0x1a: {  	s1 =	sshra.s32 s0, $0x2  }
0x1b: {  	s0 =	sadd.s32 $0x200, s0;
	[tilespmem:s1+$0x2980] =	vst v0  }
0x1c: {  	s0 =	simm.s32 $0x200;
	s1 =	simm.s32 $0x0  }
.LBB2_4:
0x1d: {  	p0 =	sne.s32 s0, $0x4EE00;
	[tilespmem:s1+$0x6980] =	vst v1;
	s1 =	smov.u32 s0;
	s0 =	sadd.s32 $0x200, s0  }
.Ltmp1:
0x1e: {  	(pc) =	sbr.rel @p0 .LBB2_4-.Ltmp1, $2  }
0x1f: {  	_ =	sdelay $0x2  }
0x20: {  	s1 =	sshra.s32 s1, $0x2  }
0x21: {  	[tilespmem:s1+$0x6980] =	vst v1  }
0x22: {  	[spmem:s5] =	stream.linear.scatter [tilespmem:s16], [sflag:$0x5], $0x13C00, $0x38;
	[tilespmem:$0x1A580] =	vst v63  }
0x23: {  	_ =	swait.ge [sflag:s17], $0x13C00  }
0x24: {  	[sflag:s17] =	ssyncset.done $0x0  }
0x25: {  	[sflag:s17] =	ssyncadd.s32 $0xFFFEC400  }
0x26: {  	[bflag:$0x0] =	sbarrier.arrive $0xFFFF  }
0x27: {  	[tilespmem:s18], [sflag:$0x5] =	stream.linear.gather [hbm4b:s6+s3], $0x80, $0x38;
	[tilespmem:$0x1A580] =	vst v63  }
0x28: {  	_ =	swait.ge [sflag:s17], $0x80  }
0x29: {  	[sflag:s17] =	ssyncset.done $0x0  }
0x2a: {  	s0 =	rddreg [dreg:$0x4];
	[sflag:s17] =	ssyncadd.s32 $0xFFFFFF80  }
0x2b: {  	[tilespmem:s19], [sflag:$0x5] =	stream.linear.gather [hbm4b:s0+s3], $0x80, $0x38;
	[tilespmem:$0x1A580] =	vst v63  }
0x2c: {  	_ =	swait.ge [sflag:s17], $0x80  }
0x2d: {  	[sflag:s17] =	ssyncset.done $0x0  }
0x2e: {  	[sflag:s17] =	ssyncadd.s32 $0xFFFFFF80  }
0x2f: {  	[spmem:s2] =	stream.indirect.scatter.add.f32 [tilespmem:s21], [sflag:$0x1], $0x10, s18, s20, $0xb8;
	[tilespmem:$0x1A580] =	vst v63  }
0x30: {  	s9 =	rddreg [dreg:$0x5]  }
0x31: {  	[tilespmem:s22], [sflag:$0x4] =	stream.linear.gather [hbm4b:s9+s3], $0x80, $0x38;
	[tilespmem:$0x1A580] =	vst v63  }
0x32: {  	p0 =	por $0x1, $0x1;
	_ =	swait.ge [sflag:s23], $0x80  }
0x33: {  	s1 =	simm.s32 @!p0 $0x2780;
	s29 =	simm.s32 @!p0 $0x2980;
	[sflag:s23] =	ssyncset.done $0x0  }
0x34: {  	s31 =	simm.s32 @!p0 $0x3;
	s0 =	simm.s32 @!p0 $0x80;
	[sflag:s23] =	ssyncadd.s32 $0xFFFFFF80  }
0x35: {  	[spmem:s2] =	stream.indirect.scatter.add.f32 @!p0 [tilespmem:s29], [sflag:$0x1], $0x10, s1, s0, $0xb8;
	[tilespmem:$0x1A580] =	vst v63  }
0x36: {  	_ =	swait.ge @!p0 [sflag:s31], $0x800  }
0x37: {  	s0 =	simm.s32 @!p0 $0x0;
	[sflag:s31] =	ssyncset.done @!p0 $0x0  }
0x38: {  	s1 =	simm.s32 @!p0 $0x2880;
	s29 =	simm.s32 @!p0 $0x4;
	[sflag:s31] =	ssyncadd.s32 @!p0 $0xFFFFF800  }
0x39: {  	[tilespmem:s1], [sflag:$0x4] =	stream.linear.gather @!p0 [hbm4b:s15+s0], $0x80, $0x38;
	[tilespmem:$0x1A580] =	vst v63  }
0x3a: {  	_ =	swait.ge @!p0 [sflag:s29], $0x80  }
0x3b: {  	[sflag:s29] =	ssyncset.done @!p0 $0x0  }
0x3c: {  	[sflag:s29] =	ssyncadd.s32 @!p0 $0xFFFFFF80  }
0x3d: {  	[spmem:s2] =	stream.indirect.scatter.add.f32 [tilespmem:s21], [sflag:$0x2], $0x10, s19, s20, $0xb8;
	[tilespmem:$0x1A580] =	vst v63  }
0x3e: {  	_ =	swait.ge [sflag:s24], $0x800  }
0x3f: {  	s10 =	sshrl.u32 s14, $0x3;
	[sflag:s24] =	ssyncset.done $0x0  }
0x40: {  	s0 =	sadd.s32 s4, s10;
	[sflag:s24] =	ssyncadd.s32 $0xFFFFF800  }
0x41: {  	[tilespmem:s18], [sflag:$0x4] =	stream.linear.gather [hbm4b:s0+s3], $0x80, $0x38;
	[tilespmem:$0x1A580] =	vst v63  }
0x42: {  	_ =	swait.ge [sflag:s23], $0x80  }
0x43: {  	[sflag:s23] =	ssyncset.done $0x0  }
0x44: {  	[sflag:s23] =	ssyncadd.s32 $0xFFFFFF80  }
0x45: {  	[spmem:s2] =	stream.indirect.scatter.add.f32 [tilespmem:s21], [sflag:$0x3], $0x10, s22, s20, $0xb8;
	[tilespmem:$0x1A580] =	vst v63  }
0x46: {  	_ =	swait.ge [sflag:s25], $0x800  }
0x47: {  	s31 =	sadd.s32 $0x30, s13;
	[sflag:s25] =	ssyncset.done $0x0  }
0x48: {  	s1 =	sadd.s32 $0x30, s15;
	s29 =	simm.s32 $0x5;
	[sflag:s25] =	ssyncadd.s32 $0xFFFFF800  }
0x49: {  	[tilespmem:s19], [sflag:$0x4] =	stream.linear.gather [hbm4b:s13+s3], $0x80, $0x38;
	[tilespmem:$0x1A580] =	vst v63  }
0x4a: {  	p0 =	por $0x0, $0x0;
	s0 =	sadd.s32 $0x180, s14;
	_ =	swait.ge [sflag:s23], $0x80  }
.LBB2_6:
0x4b: {  	s7 =	simm.s32 @!p0 $0x80;
	s8 =	simm.s32 @!p0 $0x2780;
	[sflag:s23] =	ssyncset.done $0x0  }
0x4c: {  	s9 =	simm.s32 @!p0 $0x2980;
	s10 =	simm.s32 @!p0 $0x3;
	[sflag:s23] =	ssyncadd.s32 $0xFFFFFF80  }
0x4d: {  	[spmem:s2] =	stream.indirect.scatter.add.f32 @!p0 [tilespmem:s9], [sflag:$0x1], $0x10, s8, s7, $0xb8;
	[tilespmem:$0x1A580] =	vst v63  }
0x4e: {  	s7 =	smov.u32 s29;
	s29 =	sadd.s32 $0x3, s29;
	_ =	swait.ge @!p0 [sflag:s10], $0x800  }
0x4f: {  	s8 =	simm.s32 @!p0 $0x0;
	s9 =	simm.s32 @!p0 $0x2880;
	[sflag:s10] =	ssyncset.done @!p0 $0x0  }
0x50: {  	p1 =	sne.s32 s29, $0x4A;
	[sflag:s10] =	ssyncadd.s32 @!p0 $0xFFFFF800;
	s10 =	simm.s32 @!p0 $0x4  }
0x51: {  	[tilespmem:s9], [sflag:$0x4] =	stream.linear.gather @!p0 [hbm4b:s1+s8], $0x80, $0x38;
	[tilespmem:$0x1A580] =	vst v63  }
0x52: {  	_ =	swait.ge @!p0 [sflag:s10], $0x80  }
0x53: {  	[sflag:s10] =	ssyncset.done @!p0 $0x0  }
0x54: {  	[sflag:s10] =	ssyncadd.s32 @!p0 $0xFFFFFF80  }
0x55: {  	[spmem:s2] =	stream.indirect.scatter.add.f32 [tilespmem:s21], [sflag:$0x2], $0x10, s19, s20, $0xb8;
	[tilespmem:$0x1A580] =	vst v63  }
0x56: {  	s8 =	sshrl.u32 s0, $0x3;
	_ =	swait.ge [sflag:s24], $0x800  }
0x57: {  	s8 =	sadd.s32 s4, s8;
	[sflag:s24] =	ssyncset.done $0x0  }
0x58: {  	[sflag:s24] =	ssyncadd.s32 $0xFFFFF800  }
0x59: {  	[tilespmem:s18], [sflag:$0x4] =	stream.linear.gather [hbm4b:s8+s3], $0x80, $0x38;
	[tilespmem:$0x1A580] =	vst v63  }
0x5a: {  	_ =	swait.ge [sflag:s23], $0x80  }
0x5b: {  	[sflag:s23] =	ssyncset.done $0x0  }
0x5c: {  	[sflag:s23] =	ssyncadd.s32 $0xFFFFFF80  }
0x5d: {  	[spmem:s2] =	stream.indirect.scatter.add.f32 [tilespmem:s21], [sflag:$0x3], $0x10, s22, s20, $0xb8;
	[tilespmem:$0x1A580] =	vst v63  }
.Ltmp2:
0x5e: {  	_ =	swait.ge [sflag:s25], $0x800;
	(pc) =	sbr.rel @p1 .LBB2_6-.Ltmp2, $4  }
0x5f: {  	[sflag:s25] =	ssyncset.done $0x0  }
0x60: {  	s0 =	sadd.s32 $0x180, s0;
	s1 =	sadd.s32 $0x30, s1;
	[sflag:s25] =	ssyncadd.s32 $0xFFFFF800  }
0x61: {  	[tilespmem:s19], [sflag:$0x4] =	stream.linear.gather [hbm4b:s31+s3], $0x80, $0x38;
	[tilespmem:$0x1A580] =	vst v63  }
0x62: {  	p0 =	sgt.u32 s7, $0x4A;
	s31 =	sadd.s32 $0x30, s31;
	_ =	swait.ge [sflag:s23], $0x80  }
0x63: {  	s7 =	simm.s32 @!p0 $0x80;
	[sflag:s23] =	ssyncset.done $0x0  }
0x64: {  	s8 =	simm.s32 @!p0 $0x2780;
	s9 =	simm.s32 @!p0 $0x2980;
	[sflag:s23] =	ssyncadd.s32 $0xFFFFFF80  }
0x65: {  	[spmem:s2] =	stream.indirect.scatter.add.f32 @!p0 [tilespmem:s9], [sflag:$0x1], $0x10, s8, s7, $0xb8;
	[tilespmem:$0x1A580] =	vst v63  }
0x66: {  	s7 =	simm.s32 @!p0 $0x3  }
0x67: {  	_ =	swait.ge @!p0 [sflag:s7], $0x800  }
0x68: {  	[sflag:s7] =	ssyncset.done @!p0 $0x0  }
0x69: {  	s8 =	simm.s32 @!p0 $0x0;
	[sflag:s7] =	ssyncadd.s32 @!p0 $0xFFFFF800;
	s7 =	simm.s32 @!p0 $0x2880  }
0x6a: {  	[tilespmem:s7], [sflag:$0x4] =	stream.linear.gather @!p0 [hbm4b:s1+s8], $0x80, $0x38;
	[tilespmem:$0x1A580] =	vst v63  }
0x6b: {  	s1 =	simm.s32 @!p0 $0x4  }
0x6c: {  	_ =	swait.ge @!p0 [sflag:s1], $0x80  }
0x6d: {  	[sflag:s1] =	ssyncset.done @!p0 $0x0  }
0x6e: {  	[sflag:s1] =	ssyncadd.s32 @!p0 $0xFFFFFF80  }
0x6f: {  	[spmem:s2] =	stream.indirect.scatter.add.f32 [tilespmem:s21], [sflag:$0x2], $0x10, s19, s20, $0xb8;
	[tilespmem:$0x1A580] =	vst v63  }
0x70: {  	_ =	swait.ge [sflag:s24], $0x800  }
0x71: {  	s0 =	sshrl.u32 s0, $0x3;
	[sflag:s24] =	ssyncset.done $0x0  }
0x72: {  	s0 =	sadd.s32 s4, s0;
	[sflag:s24] =	ssyncadd.s32 $0xFFFFF800  }
0x73: {  	[tilespmem:s18], [sflag:$0x4] =	stream.linear.gather [hbm4b:s0+s3], $0x80, $0x38;
	[tilespmem:$0x1A580] =	vst v63  }
0x74: {  	_ =	swait.ge [sflag:s23], $0x80  }
0x75: {  	[sflag:s23] =	ssyncset.done $0x0  }
0x76: {  	[sflag:s23] =	ssyncadd.s32 $0xFFFFFF80  }
0x77: {  	[spmem:s2] =	stream.indirect.scatter.add.f32 [tilespmem:s21], [sflag:$0x3], $0x10, s22, s20, $0xb8;
	[tilespmem:$0x1A580] =	vst v63  }
0x78: {  	_ =	swait.ge [sflag:s25], $0x800  }
0x79: {  	[sflag:s25] =	ssyncset.done $0x0  }
0x7a: {  	[sflag:s25] =	ssyncadd.s32 $0xFFFFF800  }
0x7b: {  	[tilespmem:s19], [sflag:$0x4] =	stream.linear.gather [hbm4b:s31+s3], $0x80, $0x38;
	[tilespmem:$0x1A580] =	vst v63  }
0x7c: {  	_ =	swait.ge [sflag:s23], $0x80  }
0x7d: {  	[sflag:s23] =	ssyncset.done $0x0  }
0x7e: {  	[sflag:s23] =	ssyncadd.s32 $0xFFFFFF80  }
0x7f: {  	[spmem:s2] =	stream.indirect.scatter.add.f32 [tilespmem:s21], [sflag:$0x1], $0x10, s18, s20, $0xb8;
	[tilespmem:$0x1A580] =	vst v63  }
0x80: {  	_ =	swait.ge [sflag:s26], $0x800  }
0x81: {  	[sflag:s26] =	ssyncset.done $0x0  }
0x82: {  	[sflag:s26] =	ssyncadd.s32 $0xFFFFF800  }
0x83: {  	[tilespmem:s22], [sflag:$0x4] =	stream.linear.gather [hbm4b:s12+s3], $0x80, $0x38;
	[tilespmem:$0x1A580] =	vst v63  }
0x84: {  	_ =	swait.ge [sflag:s23], $0x80  }
0x85: {  	[sflag:s23] =	ssyncset.done $0x0  }
0x86: {  	[sflag:s23] =	ssyncadd.s32 $0xFFFFFF80  }
0x87: {  	[spmem:s2] =	stream.indirect.scatter.add.f32 [tilespmem:s21], [sflag:$0x2], $0x10, s19, s20, $0xb8;
	[tilespmem:$0x1A580] =	vst v63  }
0x88: {  	_ =	swait.ge [sflag:s24], $0x800  }
0x89: {  	[sflag:s24] =	ssyncset.done $0x0  }
0x8a: {  	[sflag:s24] =	ssyncadd.s32 $0xFFFFF800  }
0x8b: {  	[spmem:s2] =	stream.indirect.scatter.add.f32 [tilespmem:s21], [sflag:$0x3], $0x10, s22, s20, $0xb8;
	[tilespmem:$0x1A580] =	vst v63  }
0x8c: {  	_ =	swait.ge [sflag:s25], $0x800  }
0x8d: {  	[sflag:s25] =	ssyncset.done $0x0  }
0x8e: {  	[sflag:s25] =	ssyncadd.s32 $0xFFFFF800  }
0x8f: {  	_ =	swait.ge [sflag:s26], $0x800  }
0x90: {  	[sflag:s26] =	ssyncset.done $0x0  }
0x91: {  	s10 =	rddreg [dreg:$0x6];
	[sflag:s26] =	ssyncadd.s32 $0xFFFFF800  }
0x92: {  	[tilespmem:s28], [sflag:$0x5] =	stream.linear.gather [hbm4b:s10+s3], $0x10, $0x38;
	[tilespmem:$0x1A580] =	vst v63  }
0x93: {  	_ =	swait.ge [sflag:s17], $0x10  }
0x94: {  	[sflag:s17] =	ssyncset.done $0x0  }
0x95: {  	s29 =	simm.s32 $0x10;
	[sflag:s17] =	ssyncadd.s32 $0xFFFFFFF0  }
0x96: {  	[spmem:s2] =	stream.indirect.scatter.add.f32 [tilespmem:s21], [sflag:$0x5], $0x10, s28, s29, $0xb8;
	[tilespmem:$0x1A580] =	vst v63  }
0x97: {  	_ =	swait.ge [sflag:s17], $0x100  }
0x98: {  	[sflag:s17] =	ssyncset.done $0x0  }
0x99: {  	[sflag:s17] =	ssyncadd.s32 $0xFFFFFF00  }
0x9a: {  	[bflag:$0x0] =	sbarrier.arrive $0xFFFF  }
0x9b: {  	[tilespmem:s16], [sflag:$0x5] =	stream.linear.gather [spmem:s5], $0x13C00, $0x38;
	[tilespmem:$0x1A580] =	vst v63  }
0x9c: {  	s30 =	sadd.s32 $0x1, s30;
	_ =	swait.ge [sflag:s17], $0x13C00  }
0x9d: {  	p0 =	sne.s32 s30, s11;
	[sflag:s17] =	ssyncset.done $0x0  }
.Ltmp3:
0x9e: {  	s31 =	rddreg [dreg:$0x7];
	[sflag:s17] =	ssyncadd.s32 $0xFFFEC400;
	(pc) =	sbr.rel @p0 .LBB2_1-.Ltmp3, $4  }
0x9f: {  	[hbm4b:s31+s3] =	stream.linear.scatter [tilespmem:s16], [sflag:$0x5], $0x13C00, $0x38;
	[tilespmem:$0x1A580] =	vst v63  }
0xa0: {  	_ =	swait.ge [sflag:s17], $0x13C00  }
0xa1: {  	[sflag:s17] =	ssyncset.done $0x0  }
0xa2: {  	[sflag:s17] =	ssyncadd.s32 $0xFFFEC400  }
0xa3: {  	_ =	sfence.sel $0x180000  }
0xa4: {  	[bflag:$0x0] =	sbarrier.arrive $0xFFFF  }
0xa5: {  	_ =	strace $0x90000047  }
0xa6: {  	s0 =	stileid.u32;
	[bflag:$0x2] =	sbarrier.arrive $0xFFFF  }
0xa7: {  	p0 =	sne.s32 s0, $0x0;
	s0 =	rddreg [dreg:$0x3]  }
0xa8: {  	s0 =	sadd.s32 @!p0 $0x100000, s0  }
0xa9: {  	[sflag:s0] =	ssyncadd.tile.s32 @!p0 $0x1;
	_ =	shalt  }
.Lfunc_end2:
_tile_overlayer_lowered:
.L_overlay_start_2:
0xaa: {  	(tag) =	ssettag $0x2  }
0xab: {  	s0 =	rddreg [dreg:$0x0];
	s2 =	stileid.u32  }
0xac: {  	s1 =	rddreg [dreg:$0x1];
	p0 =	sne.s32 s2, $0x0  }
0xad: {  	s3 =	rddreg [dreg:$0x2];
	[bflag:$0x3] =	sbarrier.arrive $0xFFFF;
	s2 =	simm.s32 @!p0 $0x1C05  }
0xae: {  	[timem:s3], [sflag:s2] =	dma.local @!p0 [hbm:s0], s1  }
0xaf: {  	s0 =	simm.s32 @!p0 $0x5  }
0xb0: {  	_ =	swait.ge @!p0 [sflag:s0], s1  }
0xb1: {  	s1 =	ssub.s32 @!p0 $0x0, s1;
	[sflag:s0] =	ssyncset.done @!p0 $0x0  }
0xb2: {  	[sflag:s0] =	ssyncadd.s32 @!p0 s1  }
0xb3: {  	[bflag:$0x3] =	sbarrier.arrive $0xFFFF  }
0xb4: {  	_ =	shalt  }

</sc_bundles>
